<compile_context>
chip_gen: v7x
topology: tpu7x:2x2x1
jax: 0.10.2.dev20260603
libtpu: 0.0.44.dev20260713+nightly
codegen_flags: <defaults>
</compile_context>

<pallas_src>
import functools

import jax
import jax.numpy as jnp
from jax import lax
from jax.experimental import pallas as pl
from jax.experimental.pallas import tpu as pltpu
from jax.experimental.pallas import tpu_sc as plsc

N = 8_000_000
G = 10
NC, NS, L = 2, 16, 16
NW = NC * NS
PER_W = N // NW
CHUNK = 10_000
NCHUNK = PER_W // CHUNK
VREGS = CHUNK // L
UNROLL = 5
NBANK = 5
INNER = VREGS // UNROLL

_mesh = plsc.VectorSubcoreMesh(core_axis_name="c", subcore_axis_name="s")


@functools.partial(
    pl.kernel,
    out_type=[
        jax.ShapeDtypeStruct((NW, L), jnp.float32),
        jax.ShapeDtypeStruct((NW, L), jnp.float32),
    ],
    mesh=_mesh,
    compiler_params=pltpu.CompilerParams(needs_layout_passes=False),
    scratch_types=[
        pltpu.VMEM((CHUNK,), jnp.float32),
        pltpu.VMEM((CHUNK,), jnp.float32),
        pltpu.VMEM((CHUNK,), jnp.int32),
        pltpu.VMEM((CHUNK,), jnp.int32),
        *([pltpu.VMEM((L * L,), jnp.float32)] * (2 * NBANK)),
        pltpu.VMEM((L,), jnp.float32),
        pltpu.VMEM((L,), jnp.float32),
        pltpu.SemaphoreType.DMA,
        pltpu.SemaphoreType.DMA,
    ],
)
def _partials(pred_hbm, true_hbm, sums_out, cnts_out,
              pbuf0, pbuf1, tbuf0, tbuf1, *rest):
    accs = rest[:2 * NBANK]
    saccs, caccs = accs[:NBANK], accs[NBANK:]
    srow, crow, sem0, sem1 = rest[2 * NBANK:]
    wid = lax.axis_index("s") * NC + lax.axis_index("c")
    base = wid * PER_W

    zeros = jnp.zeros((L,), jnp.float32)
    for l in range(L):
        for a in accs:
            a[pl.ds(l * L, L)] = zeros

    lane_ids = lax.iota(jnp.int32, L)
    ones = jnp.ones((L,), jnp.float32)

    def _start(c, pb, tb, sem):
        off = base + c * CHUNK
        pltpu.make_async_copy(pred_hbm.at[pl.ds(off, CHUNK)], pb, sem).start()
        pltpu.make_async_copy(true_hbm.at[pl.ds(off, CHUNK)], tb, sem).start()

    def _wait(pb, tb, sem):
        pltpu.make_async_copy(pred_hbm.at[pl.ds(0, CHUNK)], pb, sem).wait()
        pltpu.make_async_copy(true_hbm.at[pl.ds(0, CHUNK)], tb, sem).wait()

    def _compute(pb, tb):
        @plsc.parallel_loop(0, VREGS, NBANK, unroll=UNROLL)
        def vbody(i):
            for j in range(NBANK):
                off = (i + j) * L
                p = pb[pl.ds(off, L)]
                t = tb[pl.ds(off, L)]
                err = jnp.abs(p - t.astype(jnp.float32))
                idx = t * L + lane_ids
                plsc.addupdate_scatter(saccs[j], [idx], err)
                plsc.addupdate_scatter(caccs[j], [idx], ones)

    _start(0, pbuf0, tbuf0, sem0)

    def chunk_body(c, carry):
        @pl.when(c % 2 == 0)
        def _():
            @pl.when(c + 1 < NCHUNK)
            def _():
                _start(c + 1, pbuf1, tbuf1, sem1)
            _wait(pbuf0, tbuf0, sem0)
            _compute(pbuf0, tbuf0)

        @pl.when(c % 2 == 1)
        def _():
            @pl.when(c + 1 < NCHUNK)
            def _():
                _start(c + 1, pbuf0, tbuf0, sem0)
            _wait(pbuf1, tbuf1, sem1)
            _compute(pbuf1, tbuf1)

        return carry

    lax.fori_loop(0, NCHUNK, chunk_body, 0)

    part_s = jnp.zeros((L,), jnp.float32)
    part_c = jnp.zeros((L,), jnp.float32)
    for k in range(L):
        col_idx = lane_ids * L + k
        for a in saccs:
            part_s = part_s + plsc.load_gather(a, [col_idx])
        for a in caccs:
            part_c = part_c + plsc.load_gather(a, [col_idx])
    srow[...] = part_s
    crow[...] = part_c
    pltpu.sync_copy(srow, sums_out.at[wid])
    pltpu.sync_copy(crow, cnts_out.at[wid])


def _combine_body(s_ref, c_ref, o_ref):
    sums = jnp.sum(s_ref[...], axis=0, keepdims=True)
    cnts = jnp.sum(c_ref[...], axis=0, keepdims=True)
    present = cnts > 0.0
    means = jnp.where(present, sums / jnp.maximum(cnts, 1.0), 0.0)
    npres = jnp.maximum(
        jnp.sum(present.astype(jnp.float32), axis=1, keepdims=True), 1.0)
    o_ref[...] = jnp.sum(means, axis=1, keepdims=True) / npres


_combine = pl.pallas_call(
    _combine_body,
    out_shape=jax.ShapeDtypeStruct((1, 1), jnp.float32),
)


@jax.jit
def _run(y_pred, y_true):
    y_pred = y_pred.reshape(N).astype(jnp.float32)
    y_true = y_true.reshape(N).astype(jnp.int32)
    sums_p, cnts_p = _partials(y_pred, y_true)
    out = _combine(sums_p, cnts_p)
    return out[0, 0]


def kernel(y_pred, y_true):
    return _run(y_pred, y_true)

# --- scband reference (transcript-rebuilt; emitter-appended) ---
"""Pipeline reference for scband-anti-bias-l1-loss-6700148982004 (READ-ONLY COPY).

The authoritative reference and input builder live on the scoring server;
editing this copy changes nothing except your own understanding.
"""

import jax, jax.numpy as jnp
import numpy as np

N = 8_000_000
G = 10  # number of distinct grade values (y_true in [0, G))


def setup_inputs(seed: int = 0) -> dict:
    key = jax.random.key(seed)
    k1, k2 = jax.random.split(key)
    y_pred = jax.random.normal(k1, (N,), dtype=jnp.float32) * 2.0 + 4.5
    y_true = jax.random.randint(k2, (N,), 0, G, dtype=jnp.int32)
    return {"y_pred": y_pred, "y_true": y_true}


def reference(y_pred, y_true):
    # Faithful translation of AntiBiasL1Loss:
    #   bucket samples by grade value g = y_true[i]
    #   per-bucket mean |y_pred - y_true|
    #   final loss = mean over non-empty buckets
    y_pred = jnp.squeeze(y_pred)
    y_true = jnp.squeeze(y_true)
    y_true_f = y_true.astype(jnp.float32)
    abs_err = jnp.abs(y_pred - y_true_f)
    seg = y_true.astype(jnp.int32)
    sums = jax.ops.segment_sum(abs_err, seg, num_segments=G)
    counts = jax.ops.segment_sum(jnp.ones_like(abs_err), seg, num_segments=G)
    present = counts > 0
    per_bucket_mean = jnp.where(present, sums / jnp.maximum(counts, 1.0), 0.0)
    n_present = jnp.maximum(jnp.sum(present.astype(jnp.float32)), 1.0)
    return jnp.sum(per_bucket_mean) / n_present

if __name__ == "__main__":
    import jax
    _d = setup_inputs()
    print(jax.jit(kernel)(*tuple(_d.values())))

</pallas_src>

<mosaic_0001>
#map = affine_map<(d0, d1) -> (0)>
#map1 = affine_map<(d0, d1) -> (0, 0)>
module attributes {stable_mosaic.version = 14 : i64} {
  func.func @_partials(%arg0: i32, %arg1: i32, %arg2: memref<8000000xf32, #tpu.memory_space<hbm>>, %arg3: memref<8000000xi32, #tpu.memory_space<hbm>>, %arg4: memref<32x16xf32, #tpu.memory_space<hbm>>, %arg5: memref<32x16xf32, #tpu.memory_space<hbm>>, %arg6: memref<10000xf32, #tpu.memory_space<vmem>>, %arg7: memref<10000xf32, #tpu.memory_space<vmem>>, %arg8: memref<10000xi32, #tpu.memory_space<vmem>>, %arg9: memref<10000xi32, #tpu.memory_space<vmem>>, %arg10: memref<256xf32, #tpu.memory_space<vmem>>, %arg11: memref<256xf32, #tpu.memory_space<vmem>>, %arg12: memref<256xf32, #tpu.memory_space<vmem>>, %arg13: memref<256xf32, #tpu.memory_space<vmem>>, %arg14: memref<256xf32, #tpu.memory_space<vmem>>, %arg15: memref<256xf32, #tpu.memory_space<vmem>>, %arg16: memref<256xf32, #tpu.memory_space<vmem>>, %arg17: memref<256xf32, #tpu.memory_space<vmem>>, %arg18: memref<256xf32, #tpu.memory_space<vmem>>, %arg19: memref<256xf32, #tpu.memory_space<vmem>>, %arg20: memref<16xf32, #tpu.memory_space<vmem>>, %arg21: memref<16xf32, #tpu.memory_space<vmem>>, %arg22: memref<!tpu.dma_semaphore, #tpu.memory_space<semaphore_mem>>, %arg23: memref<!tpu.dma_semaphore, #tpu.memory_space<semaphore_mem>>) attributes {dimension_semantics = [#tpu.dimension_semantics<core_parallel>, #tpu.dimension_semantics<subcore_parallel>], iteration_bounds = array<i64: 2, 16>, scalar_prefetch = 0 : i64, scratch_operands = 18 : i64, tpu.core_type = #tpu.core_type<sc_vector_subcore>, window_params = [{transform_indices = #map}, {transform_indices = #map}, {transform_indices = #map1}, {transform_indices = #map1}]} {
    %mul3A = arith.constant 2 : i32
    %mul3A_0 = arith.muli %arg1, %mul3A : i32
    %add3A = arith.addi %mul3A_0, %arg0 : i32
    %mul3A_1 = arith.constant 250000 : i32
    %mul3A_2 = arith.muli %add3A, %mul3A_1 : i32
    %broadcast_in_dim3A = arith.constant 0.000000e+00 : f32
    %broadcast_in_dim3A_3 = vector.broadcast %broadcast_in_dim3A : f32 to vector<16xf32>
    %swap3A = arith.constant 0 : index
    %swap3A_4 = tpu.vector_load %arg10[%swap3A] {strides = array<i32>} : memref<256xf32, #tpu.memory_space<vmem>>, vector<16xf32>,
    tpu.vector_store %arg10[%swap3A], %broadcast_in_dim3A_3 {strides = array<i32>} : memref<256xf32, #tpu.memory_space<vmem>>, vector<16xf32>,
    %swap3A_5 = arith.constant 0 : index
    %swap3A_6 = tpu.vector_load %arg11[%swap3A_5] {strides = array<i32>} : memref<256xf32, #tpu.memory_space<vmem>>, vector<16xf32>,
    tpu.vector_store %arg11[%swap3A_5], %broadcast_in_dim3A_3 {strides = array<i32>} : memref<256xf32, #tpu.memory_space<vmem>>, vector<16xf32>,
    %swap3A_7 = arith.constant 0 : index
    %swap3A_8 = tpu.vector_load %arg12[%swap3A_7] {strides = array<i32>} : memref<256xf32, #tpu.memory_space<vmem>>, vector<16xf32>,
    tpu.vector_store %arg12[%swap3A_7], %broadcast_in_dim3A_3 {strides = array<i32>} : memref<256xf32, #tpu.memory_space<vmem>>, vector<16xf32>,
    %swap3A_9 = arith.constant 0 : index
    %swap3A_10 = tpu.vector_load %arg13[%swap3A_9] {strides = array<i32>} : memref<256xf32, #tpu.memory_space<vmem>>, vector<16xf32>,
    tpu.vector_store %arg13[%swap3A_9], %broadcast_in_dim3A_3 {strides = array<i32>} : memref<256xf32, #tpu.memory_space<vmem>>, vector<16xf32>,
    %swap3A_11 = arith.constant 0 : index
    %swap3A_12 = tpu.vector_load %arg14[%swap3A_11] {strides = array<i32>} : memref<256xf32, #tpu.memory_space<vmem>>, vector<16xf32>,
    tpu.vector_store %arg14[%swap3A_11], %broadcast_in_dim3A_3 {strides = array<i32>} : memref<256xf32, #tpu.memory_space<vmem>>, vector<16xf32>,
    %swap3A_13 = arith.constant 0 : index
    %swap3A_14 = tpu.vector_load %arg15[%swap3A_13] {strides = array<i32>} : memref<256xf32, #tpu.memory_space<vmem>>, vector<16xf32>,
    tpu.vector_store %arg15[%swap3A_13], %broadcast_in_dim3A_3 {strides = array<i32>} : memref<256xf32, #tpu.memory_space<vmem>>, vector<16xf32>,
    %swap3A_15 = arith.constant 0 : index
    %swap3A_16 = tpu.vector_load %arg16[%swap3A_15] {strides = array<i32>} : memref<256xf32, #tpu.memory_space<vmem>>, vector<16xf32>,
    tpu.vector_store %arg16[%swap3A_15], %broadcast_in_dim3A_3 {strides = array<i32>} : memref<256xf32, #tpu.memory_space<vmem>>, vector<16xf32>,
    %swap3A_17 = arith.constant 0 : index
    %swap3A_18 = tpu.vector_load %arg17[%swap3A_17] {strides = array<i32>} : memref<256xf32, #tpu.memory_space<vmem>>, vector<16xf32>,
    tpu.vector_store %arg17[%swap3A_17], %broadcast_in_dim3A_3 {strides = array<i32>} : memref<256xf32, #tpu.memory_space<vmem>>, vector<16xf32>,
    %swap3A_19 = arith.constant 0 : index
    %swap3A_20 = tpu.vector_load %arg18[%swap3A_19] {strides = array<i32>} : memref<256xf32, #tpu.memory_space<vmem>>, vector<16xf32>,
    tpu.vector_store %arg18[%swap3A_19], %broadcast_in_dim3A_3 {strides = array<i32>} : memref<256xf32, #tpu.memory_space<vmem>>, vector<16xf32>,
    %swap3A_21 = arith.constant 0 : index
    %swap3A_22 = tpu.vector_load %arg19[%swap3A_21] {strides = array<i32>} : memref<256xf32, #tpu.memory_space<vmem>>, vector<16xf32>,
    tpu.vector_store %arg19[%swap3A_21], %broadcast_in_dim3A_3 {strides = array<i32>} : memref<256xf32, #tpu.memory_space<vmem>>, vector<16xf32>,
    %swap3A_23 = arith.constant 16 : index
    %swap3A_24 = tpu.vector_load %arg10[%swap3A_23] {strides = array<i32>} : memref<256xf32, #tpu.memory_space<vmem>>, vector<16xf32>,
    tpu.vector_store %arg10[%swap3A_23], %broadcast_in_dim3A_3 {strides = array<i32>} : memref<256xf32, #tpu.memory_space<vmem>>, vector<16xf32>,
    %swap3A_25 = arith.constant 16 : index
    %swap3A_26 = tpu.vector_load %arg11[%swap3A_25] {strides = array<i32>} : memref<256xf32, #tpu.memory_space<vmem>>, vector<16xf32>,
    tpu.vector_store %arg11[%swap3A_25], %broadcast_in_dim3A_3 {strides = array<i32>} : memref<256xf32, #tpu.memory_space<vmem>>, vector<16xf32>,
    %swap3A_27 = arith.constant 16 : index
    %swap3A_28 = tpu.vector_load %arg12[%swap3A_27] {strides = array<i32>} : memref<256xf32, #tpu.memory_space<vmem>>, vector<16xf32>,
    tpu.vector_store %arg12[%swap3A_27], %broadcast_in_dim3A_3 {strides = array<i32>} : memref<256xf32, #tpu.memory_space<vmem>>, vector<16xf32>,
    %swap3A_29 = arith.constant 16 : index
    %swap3A_30 = tpu.vector_load %arg13[%swap3A_29] {strides = array<i32>} : memref<256xf32, #tpu.memory_space<vmem>>, vector<16xf32>,
    tpu.vector_store %arg13[%swap3A_29], %broadcast_in_dim3A_3 {strides = array<i32>} : memref<256xf32, #tpu.memory_space<vmem>>, vector<16xf32>,
    %swap3A_31 = arith.constant 16 : index
    %swap3A_32 = tpu.vector_load %arg14[%swap3A_31] {strides = array<i32>} : memref<256xf32, #tpu.memory_space<vmem>>, vector<16xf32>,
    tpu.vector_store %arg14[%swap3A_31], %broadcast_in_dim3A_3 {strides = array<i32>} : memref<256xf32, #tpu.memory_space<vmem>>, vector<16xf32>,
    %swap3A_33 = arith.constant 16 : index
    %swap3A_34 = tpu.vector_load %arg15[%swap3A_33] {strides = array<i32>} : memref<256xf32, #tpu.memory_space<vmem>>, vector<16xf32>,
    tpu.vector_store %arg15[%swap3A_33], %broadcast_in_dim3A_3 {strides = array<i32>} : memref<256xf32, #tpu.memory_space<vmem>>, vector<16xf32>,
    %swap3A_35 = arith.constant 16 : index
    %swap3A_36 = tpu.vector_load %arg16[%swap3A_35] {strides = array<i32>} : memref<256xf32, #tpu.memory_space<vmem>>, vector<16xf32>,
    tpu.vector_store %arg16[%swap3A_35], %broadcast_in_dim3A_3 {strides = array<i32>} : memref<256xf32, #tpu.memory_space<vmem>>, vector<16xf32>,
    %swap3A_37 = arith.constant 16 : index
    %swap3A_38 = tpu.vector_load %arg17[%swap3A_37] {strides = array<i32>} : memref<256xf32, #tpu.memory_space<vmem>>, vector<16xf32>,
    tpu.vector_store %arg17[%swap3A_37], %broadcast_in_dim3A_3 {strides = array<i32>} : memref<256xf32, #tpu.memory_space<vmem>>, vector<16xf32>,
    %swap3A_39 = arith.constant 16 : index
    %swap3A_40 = tpu.vector_load %arg18[%swap3A_39] {strides = array<i32>} : memref<256xf32, #tpu.memory_space<vmem>>, vector<16xf32>,
    tpu.vector_store %arg18[%swap3A_39], %broadcast_in_dim3A_3 {strides = array<i32>} : memref<256xf32, #tpu.memory_space<vmem>>, vector<16xf32>,
    %swap3A_41 = arith.constant 16 : index
    %swap3A_42 = tpu.vector_load %arg19[%swap3A_41] {strides = array<i32>} : memref<256xf32, #tpu.memory_space<vmem>>, vector<16xf32>,
    tpu.vector_store %arg19[%swap3A_41], %broadcast_in_dim3A_3 {strides = array<i32>} : memref<256xf32, #tpu.memory_space<vmem>>, vector<16xf32>,
    %swap3A_43 = arith.constant 32 : index
    %swap3A_44 = tpu.vector_load %arg10[%swap3A_43] {strides = array<i32>} : memref<256xf32, #tpu.memory_space<vmem>>, vector<16xf32>,
    tpu.vector_store %arg10[%swap3A_43], %broadcast_in_dim3A_3 {strides = array<i32>} : memref<256xf32, #tpu.memory_space<vmem>>, vector<16xf32>,
    %swap3A_45 = arith.constant 32 : index
    %swap3A_46 = tpu.vector_load %arg11[%swap3A_45] {strides = array<i32>} : memref<256xf32, #tpu.memory_space<vmem>>, vector<16xf32>,
    tpu.vector_store %arg11[%swap3A_45], %broadcast_in_dim3A_3 {strides = array<i32>} : memref<256xf32, #tpu.memory_space<vmem>>, vector<16xf32>,
    %swap3A_47 = arith.constant 32 : index
    %swap3A_48 = tpu.vector_load %arg12[%swap3A_47] {strides = array<i32>} : memref<256xf32, #tpu.memory_space<vmem>>, vector<16xf32>,
    tpu.vector_store %arg12[%swap3A_47], %broadcast_in_dim3A_3 {strides = array<i32>} : memref<256xf32, #tpu.memory_space<vmem>>, vector<16xf32>,
    %swap3A_49 = arith.constant 32 : index
    %swap3A_50 = tpu.vector_load %arg13[%swap3A_49] {strides = array<i32>} : memref<256xf32, #tpu.memory_space<vmem>>, vector<16xf32>,
    tpu.vector_store %arg13[%swap3A_49], %broadcast_in_dim3A_3 {strides = array<i32>} : memref<256xf32, #tpu.memory_space<vmem>>, vector<16xf32>,
    %swap3A_51 = arith.constant 32 : index
    %swap3A_52 = tpu.vector_load %arg14[%swap3A_51] {strides = array<i32>} : memref<256xf32, #tpu.memory_space<vmem>>, vector<16xf32>,
    tpu.vector_store %arg14[%swap3A_51], %broadcast_in_dim3A_3 {strides = array<i32>} : memref<256xf32, #tpu.memory_space<vmem>>, vector<16xf32>,
    %swap3A_53 = arith.constant 32 : index
    %swap3A_54 = tpu.vector_load %arg15[%swap3A_53] {strides = array<i32>} : memref<256xf32, #tpu.memory_space<vmem>>, vector<16xf32>,
    tpu.vector_store %arg15[%swap3A_53], %broadcast_in_dim3A_3 {strides = array<i32>} : memref<256xf32, #tpu.memory_space<vmem>>, vector<16xf32>,
    %swap3A_55 = arith.constant 32 : index
    %swap3A_56 = tpu.vector_load %arg16[%swap3A_55] {strides = array<i32>} : memref<256xf32, #tpu.memory_space<vmem>>, vector<16xf32>,
    tpu.vector_store %arg16[%swap3A_55], %broadcast_in_dim3A_3 {strides = array<i32>} : memref<256xf32, #tpu.memory_space<vmem>>, vector<16xf32>,
    %swap3A_57 = arith.constant 32 : index
    %swap3A_58 = tpu.vector_load %arg17[%swap3A_57] {strides = array<i32>} : memref<256xf32, #tpu.memory_space<vmem>>, vector<16xf32>,
    tpu.vector_store %arg17[%swap3A_57], %broadcast_in_dim3A_3 {strides = array<i32>} : memref<256xf32, #tpu.memory_space<vmem>>, vector<16xf32>,
    %swap3A_59 = arith.constant 32 : index
    %swap3A_60 = tpu.vector_load %arg18[%swap3A_59] {strides = array<i32>} : memref<256xf32, #tpu.memory_space<vmem>>, vector<16xf32>,
    tpu.vector_store %arg18[%swap3A_59], %broadcast_in_dim3A_3 {strides = array<i32>} : memref<256xf32, #tpu.memory_space<vmem>>, vector<16xf32>,
    %swap3A_61 = arith.constant 32 : index
    %swap3A_62 = tpu.vector_load %arg19[%swap3A_61] {strides = array<i32>} : memref<256xf32, #tpu.memory_space<vmem>>, vector<16xf32>,
    tpu.vector_store %arg19[%swap3A_61], %broadcast_in_dim3A_3 {strides = array<i32>} : memref<256xf32, #tpu.memory_space<vmem>>, vector<16xf32>,
    %swap3A_63 = arith.constant 48 : index
    %swap3A_64 = tpu.vector_load %arg10[%swap3A_63] {strides = array<i32>} : memref<256xf32, #tpu.memory_space<vmem>>, vector<16xf32>,
    tpu.vector_store %arg10[%swap3A_63], %broadcast_in_dim3A_3 {strides = array<i32>} : memref<256xf32, #tpu.memory_space<vmem>>, vector<16xf32>,
    %swap3A_65 = arith.constant 48 : index
    %swap3A_66 = tpu.vector_load %arg11[%swap3A_65] {strides = array<i32>} : memref<256xf32, #tpu.memory_space<vmem>>, vector<16xf32>,
    tpu.vector_store %arg11[%swap3A_65], %broadcast_in_dim3A_3 {strides = array<i32>} : memref<256xf32, #tpu.memory_space<vmem>>, vector<16xf32>,
    %swap3A_67 = arith.constant 48 : index
    %swap3A_68 = tpu.vector_load %arg12[%swap3A_67] {strides = array<i32>} : memref<256xf32, #tpu.memory_space<vmem>>, vector<16xf32>,
    tpu.vector_store %arg12[%swap3A_67], %broadcast_in_dim3A_3 {strides = array<i32>} : memref<256xf32, #tpu.memory_space<vmem>>, vector<16xf32>,
    %swap3A_69 = arith.constant 48 : index
    %swap3A_70 = tpu.vector_load %arg13[%swap3A_69] {strides = array<i32>} : memref<256xf32, #tpu.memory_space<vmem>>, vector<16xf32>,
    tpu.vector_store %arg13[%swap3A_69], %broadcast_in_dim3A_3 {strides = array<i32>} : memref<256xf32, #tpu.memory_space<vmem>>, vector<16xf32>,
    %swap3A_71 = arith.constant 48 : index
    %swap3A_72 = tpu.vector_load %arg14[%swap3A_71] {strides = array<i32>} : memref<256xf32, #tpu.memory_space<vmem>>, vector<16xf32>,
    tpu.vector_store %arg14[%swap3A_71], %broadcast_in_dim3A_3 {strides = array<i32>} : memref<256xf32, #tpu.memory_space<vmem>>, vector<16xf32>,
    %swap3A_73 = arith.constant 48 : index
    %swap3A_74 = tpu.vector_load %arg15[%swap3A_73] {strides = array<i32>} : memref<256xf32, #tpu.memory_space<vmem>>, vector<16xf32>,
    tpu.vector_store %arg15[%swap3A_73], %broadcast_in_dim3A_3 {strides = array<i32>} : memref<256xf32, #tpu.memory_space<vmem>>, vector<16xf32>,
    %swap3A_75 = arith.constant 48 : index
    %swap3A_76 = tpu.vector_load %arg16[%swap3A_75] {strides = array<i32>} : memref<256xf32, #tpu.memory_space<vmem>>, vector<16xf32>,
    tpu.vector_store %arg16[%swap3A_75], %broadcast_in_dim3A_3 {strides = array<i32>} : memref<256xf32, #tpu.memory_space<vmem>>, vector<16xf32>,
    %swap3A_77 = arith.constant 48 : index
    %swap3A_78 = tpu.vector_load %arg17[%swap3A_77] {strides = array<i32>} : memref<256xf32, #tpu.memory_space<vmem>>, vector<16xf32>,
    tpu.vector_store %arg17[%swap3A_77], %broadcast_in_dim3A_3 {strides = array<i32>} : memref<256xf32, #tpu.memory_space<vmem>>, vector<16xf32>,
    %swap3A_79 = arith.constant 48 : index
    %swap3A_80 = tpu.vector_load %arg18[%swap3A_79] {strides = array<i32>} : memref<256xf32, #tpu.memory_space<vmem>>, vector<16xf32>,
    tpu.vector_store %arg18[%swap3A_79], %broadcast_in_dim3A_3 {strides = array<i32>} : memref<256xf32, #tpu.memory_space<vmem>>, vector<16xf32>,
    %swap3A_81 = arith.constant 48 : index
    %swap3A_82 = tpu.vector_load %arg19[%swap3A_81] {strides = array<i32>} : memref<256xf32, #tpu.memory_space<vmem>>, vector<16xf32>,
    tpu.vector_store %arg19[%swap3A_81], %broadcast_in_dim3A_3 {strides = array<i32>} : memref<256xf32, #tpu.memory_space<vmem>>, vector<16xf32>,
    %swap3A_83 = arith.constant 64 : index
    %swap3A_84 = tpu.vector_load %arg10[%swap3A_83] {strides = array<i32>} : memref<256xf32, #tpu.memory_space<vmem>>, vector<16xf32>,
    tpu.vector_store %arg10[%swap3A_83], %broadcast_in_dim3A_3 {strides = array<i32>} : memref<256xf32, #tpu.memory_space<vmem>>, vector<16xf32>,
    %swap3A_85 = arith.constant 64 : index
    %swap3A_86 = tpu.vector_load %arg11[%swap3A_85] {strides = array<i32>} : memref<256xf32, #tpu.memory_space<vmem>>, vector<16xf32>,
    tpu.vector_store %arg11[%swap3A_85], %broadcast_in_dim3A_3 {strides = array<i32>} : memref<256xf32, #tpu.memory_space<vmem>>, vector<16xf32>,
    %swap3A_87 = arith.constant 64 : index
    %swap3A_88 = tpu.vector_load %arg12[%swap3A_87] {strides = array<i32>} : memref<256xf32, #tpu.memory_space<vmem>>, vector<16xf32>,
    tpu.vector_store %arg12[%swap3A_87], %broadcast_in_dim3A_3 {strides = array<i32>} : memref<256xf32, #tpu.memory_space<vmem>>, vector<16xf32>,
    %swap3A_89 = arith.constant 64 : index
    %swap3A_90 = tpu.vector_load %arg13[%swap3A_89] {strides = array<i32>} : memref<256xf32, #tpu.memory_space<vmem>>, vector<16xf32>,
    tpu.vector_store %arg13[%swap3A_89], %broadcast_in_dim3A_3 {strides = array<i32>} : memref<256xf32, #tpu.memory_space<vmem>>, vector<16xf32>,
    %swap3A_91 = arith.constant 64 : index
    %swap3A_92 = tpu.vector_load %arg14[%swap3A_91] {strides = array<i32>} : memref<256xf32, #tpu.memory_space<vmem>>, vector<16xf32>,
    tpu.vector_store %arg14[%swap3A_91], %broadcast_in_dim3A_3 {strides = array<i32>} : memref<256xf32, #tpu.memory_space<vmem>>, vector<16xf32>,
    %swap3A_93 = arith.constant 64 : index
    %swap3A_94 = tpu.vector_load %arg15[%swap3A_93] {strides = array<i32>} : memref<256xf32, #tpu.memory_space<vmem>>, vector<16xf32>,
    tpu.vector_store %arg15[%swap3A_93], %broadcast_in_dim3A_3 {strides = array<i32>} : memref<256xf32, #tpu.memory_space<vmem>>, vector<16xf32>,
    %swap3A_95 = arith.constant 64 : index
    %swap3A_96 = tpu.vector_load %arg16[%swap3A_95] {strides = array<i32>} : memref<256xf32, #tpu.memory_space<vmem>>, vector<16xf32>,
    tpu.vector_store %arg16[%swap3A_95], %broadcast_in_dim3A_3 {strides = array<i32>} : memref<256xf32, #tpu.memory_space<vmem>>, vector<16xf32>,
    %swap3A_97 = arith.constant 64 : index
    %swap3A_98 = tpu.vector_load %arg17[%swap3A_97] {strides = array<i32>} : memref<256xf32, #tpu.memory_space<vmem>>, vector<16xf32>,
    tpu.vector_store %arg17[%swap3A_97], %broadcast_in_dim3A_3 {strides = array<i32>} : memref<256xf32, #tpu.memory_space<vmem>>, vector<16xf32>,
    %swap3A_99 = arith.constant 64 : index
    %swap3A_100 = tpu.vector_load %arg18[%swap3A_99] {strides = array<i32>} : memref<256xf32, #tpu.memory_space<vmem>>, vector<16xf32>,
    tpu.vector_store %arg18[%swap3A_99], %broadcast_in_dim3A_3 {strides = array<i32>} : memref<256xf32, #tpu.memory_space<vmem>>, vector<16xf32>,
    %swap3A_101 = arith.constant 64 : index
    %swap3A_102 = tpu.vector_load %arg19[%swap3A_101] {strides = array<i32>} : memref<256xf32, #tpu.memory_space<vmem>>, vector<16xf32>,
    tpu.vector_store %arg19[%swap3A_101], %broadcast_in_dim3A_3 {strides = array<i32>} : memref<256xf32, #tpu.memory_space<vmem>>, vector<16xf32>,
    %swap3A_103 = arith.constant 80 : index
    %swap3A_104 = tpu.vector_load %arg10[%swap3A_103] {strides = array<i32>} : memref<256xf32, #tpu.memory_space<vmem>>, vector<16xf32>,
    tpu.vector_store %arg10[%swap3A_103], %broadcast_in_dim3A_3 {strides = array<i32>} : memref<256xf32, #tpu.memory_space<vmem>>, vector<16xf32>,
    %swap3A_105 = arith.constant 80 : index
    %swap3A_106 = tpu.vector_load %arg11[%swap3A_105] {strides = array<i32>} : memref<256xf32, #tpu.memory_space<vmem>>, vector<16xf32>,
    tpu.vector_store %arg11[%swap3A_105], %broadcast_in_dim3A_3 {strides = array<i32>} : memref<256xf32, #tpu.memory_space<vmem>>, vector<16xf32>,
    %swap3A_107 = arith.constant 80 : index
    %swap3A_108 = tpu.vector_load %arg12[%swap3A_107] {strides = array<i32>} : memref<256xf32, #tpu.memory_space<vmem>>, vector<16xf32>,
    tpu.vector_store %arg12[%swap3A_107], %broadcast_in_dim3A_3 {strides = array<i32>} : memref<256xf32, #tpu.memory_space<vmem>>, vector<16xf32>,
    %swap3A_109 = arith.constant 80 : index
    %swap3A_110 = tpu.vector_load %arg13[%swap3A_109] {strides = array<i32>} : memref<256xf32, #tpu.memory_space<vmem>>, vector<16xf32>,
    tpu.vector_store %arg13[%swap3A_109], %broadcast_in_dim3A_3 {strides = array<i32>} : memref<256xf32, #tpu.memory_space<vmem>>, vector<16xf32>,
    %swap3A_111 = arith.constant 80 : index
    %swap3A_112 = tpu.vector_load %arg14[%swap3A_111] {strides = array<i32>} : memref<256xf32, #tpu.memory_space<vmem>>, vector<16xf32>,
    tpu.vector_store %arg14[%swap3A_111], %broadcast_in_dim3A_3 {strides = array<i32>} : memref<256xf32, #tpu.memory_space<vmem>>, vector<16xf32>,
    %swap3A_113 = arith.constant 80 : index
    %swap3A_114 = tpu.vector_load %arg15[%swap3A_113] {strides = array<i32>} : memref<256xf32, #tpu.memory_space<vmem>>, vector<16xf32>,
    tpu.vector_store %arg15[%swap3A_113], %broadcast_in_dim3A_3 {strides = array<i32>} : memref<256xf32, #tpu.memory_space<vmem>>, vector<16xf32>,
    %swap3A_115 = arith.constant 80 : index
    %swap3A_116 = tpu.vector_load %arg16[%swap3A_115] {strides = array<i32>} : memref<256xf32, #tpu.memory_space<vmem>>, vector<16xf32>,
    tpu.vector_store %arg16[%swap3A_115], %broadcast_in_dim3A_3 {strides = array<i32>} : memref<256xf32, #tpu.memory_space<vmem>>, vector<16xf32>,
    %swap3A_117 = arith.constant 80 : index
    %swap3A_118 = tpu.vector_load %arg17[%swap3A_117] {strides = array<i32>} : memref<256xf32, #tpu.memory_space<vmem>>, vector<16xf32>,
    tpu.vector_store %arg17[%swap3A_117], %broadcast_in_dim3A_3 {strides = array<i32>} : memref<256xf32, #tpu.memory_space<vmem>>, vector<16xf32>,
    %swap3A_119 = arith.constant 80 : index
    %swap3A_120 = tpu.vector_load %arg18[%swap3A_119] {strides = array<i32>} : memref<256xf32, #tpu.memory_space<vmem>>, vector<16xf32>,
    tpu.vector_store %arg18[%swap3A_119], %broadcast_in_dim3A_3 {strides = array<i32>} : memref<256xf32, #tpu.memory_space<vmem>>, vector<16xf32>,
    %swap3A_121 = arith.constant 80 : index
    %swap3A_122 = tpu.vector_load %arg19[%swap3A_121] {strides = array<i32>} : memref<256xf32, #tpu.memory_space<vmem>>, vector<16xf32>,
    tpu.vector_store %arg19[%swap3A_121], %broadcast_in_dim3A_3 {strides = array<i32>} : memref<256xf32, #tpu.memory_space<vmem>>, vector<16xf32>,
    %swap3A_123 = arith.constant 96 : index
    %swap3A_124 = tpu.vector_load %arg10[%swap3A_123] {strides = array<i32>} : memref<256xf32, #tpu.memory_space<vmem>>, vector<16xf32>,
    tpu.vector_store %arg10[%swap3A_123], %broadcast_in_dim3A_3 {strides = array<i32>} : memref<256xf32, #tpu.memory_space<vmem>>, vector<16xf32>,
    %swap3A_125 = arith.constant 96 : index
    %swap3A_126 = tpu.vector_load %arg11[%swap3A_125] {strides = array<i32>} : memref<256xf32, #tpu.memory_space<vmem>>, vector<16xf32>,
    tpu.vector_store %arg11[%swap3A_125], %broadcast_in_dim3A_3 {strides = array<i32>} : memref<256xf32, #tpu.memory_space<vmem>>, vector<16xf32>,
    %swap3A_127 = arith.constant 96 : index
    %swap3A_128 = tpu.vector_load %arg12[%swap3A_127] {strides = array<i32>} : memref<256xf32, #tpu.memory_space<vmem>>, vector<16xf32>,
    tpu.vector_store %arg12[%swap3A_127], %broadcast_in_dim3A_3 {strides = array<i32>} : memref<256xf32, #tpu.memory_space<vmem>>, vector<16xf32>,
    %swap3A_129 = arith.constant 96 : index
    %swap3A_130 = tpu.vector_load %arg13[%swap3A_129] {strides = array<i32>} : memref<256xf32, #tpu.memory_space<vmem>>, vector<16xf32>,
    tpu.vector_store %arg13[%swap3A_129], %broadcast_in_dim3A_3 {strides = array<i32>} : memref<256xf32, #tpu.memory_space<vmem>>, vector<16xf32>,
    %swap3A_131 = arith.constant 96 : index
    %swap3A_132 = tpu.vector_load %arg14[%swap3A_131] {strides = array<i32>} : memref<256xf32, #tpu.memory_space<vmem>>, vector<16xf32>,
    tpu.vector_store %arg14[%swap3A_131], %broadcast_in_dim3A_3 {strides = array<i32>} : memref<256xf32, #tpu.memory_space<vmem>>, vector<16xf32>,
    %swap3A_133 = arith.constant 96 : index
    %swap3A_134 = tpu.vector_load %arg15[%swap3A_133] {strides = array<i32>} : memref<256xf32, #tpu.memory_space<vmem>>, vector<16xf32>,
    tpu.vector_store %arg15[%swap3A_133], %broadcast_in_dim3A_3 {strides = array<i32>} : memref<256xf32, #tpu.memory_space<vmem>>, vector<16xf32>,
    %swap3A_135 = arith.constant 96 : index
    %swap3A_136 = tpu.vector_load %arg16[%swap3A_135] {strides = array<i32>} : memref<256xf32, #tpu.memory_space<vmem>>, vector<16xf32>,
    tpu.vector_store %arg16[%swap3A_135], %broadcast_in_dim3A_3 {strides = array<i32>} : memref<256xf32, #tpu.memory_space<vmem>>, vector<16xf32>,
    %swap3A_137 = arith.constant 96 : index
    %swap3A_138 = tpu.vector_load %arg17[%swap3A_137] {strides = array<i32>} : memref<256xf32, #tpu.memory_space<vmem>>, vector<16xf32>,
    tpu.vector_store %arg17[%swap3A_137], %broadcast_in_dim3A_3 {strides = array<i32>} : memref<256xf32, #tpu.memory_space<vmem>>, vector<16xf32>,
    %swap3A_139 = arith.constant 96 : index
    %swap3A_140 = tpu.vector_load %arg18[%swap3A_139] {strides = array<i32>} : memref<256xf32, #tpu.memory_space<vmem>>, vector<16xf32>,
    tpu.vector_store %arg18[%swap3A_139], %broadcast_in_dim3A_3 {strides = array<i32>} : memref<256xf32, #tpu.memory_space<vmem>>, vector<16xf32>,
    %swap3A_141 = arith.constant 96 : index
    %swap3A_142 = tpu.vector_load %arg19[%swap3A_141] {strides = array<i32>} : memref<256xf32, #tpu.memory_space<vmem>>, vector<16xf32>,
    tpu.vector_store %arg19[%swap3A_141], %broadcast_in_dim3A_3 {strides = array<i32>} : memref<256xf32, #tpu.memory_space<vmem>>, vector<16xf32>,
    %swap3A_143 = arith.constant 112 : index
    %swap3A_144 = tpu.vector_load %arg10[%swap3A_143] {strides = array<i32>} : memref<256xf32, #tpu.memory_space<vmem>>, vector<16xf32>,
    tpu.vector_store %arg10[%swap3A_143], %broadcast_in_dim3A_3 {strides = array<i32>} : memref<256xf32, #tpu.memory_space<vmem>>, vector<16xf32>,
    %swap3A_145 = arith.constant 112 : index
    %swap3A_146 = tpu.vector_load %arg11[%swap3A_145] {strides = array<i32>} : memref<256xf32, #tpu.memory_space<vmem>>, vector<16xf32>,
    tpu.vector_store %arg11[%swap3A_145], %broadcast_in_dim3A_3 {strides = array<i32>} : memref<256xf32, #tpu.memory_space<vmem>>, vector<16xf32>,
    %swap3A_147 = arith.constant 112 : index
    %swap3A_148 = tpu.vector_load %arg12[%swap3A_147] {strides = array<i32>} : memref<256xf32, #tpu.memory_space<vmem>>, vector<16xf32>,
    tpu.vector_store %arg12[%swap3A_147], %broadcast_in_dim3A_3 {strides = array<i32>} : memref<256xf32, #tpu.memory_space<vmem>>, vector<16xf32>,
    %swap3A_149 = arith.constant 112 : index
    %swap3A_150 = tpu.vector_load %arg13[%swap3A_149] {strides = array<i32>} : memref<256xf32, #tpu.memory_space<vmem>>, vector<16xf32>,
    tpu.vector_store %arg13[%swap3A_149], %broadcast_in_dim3A_3 {strides = array<i32>} : memref<256xf32, #tpu.memory_space<vmem>>, vector<16xf32>,
    %swap3A_151 = arith.constant 112 : index
    %swap3A_152 = tpu.vector_load %arg14[%swap3A_151] {strides = array<i32>} : memref<256xf32, #tpu.memory_space<vmem>>, vector<16xf32>,
    tpu.vector_store %arg14[%swap3A_151], %broadcast_in_dim3A_3 {strides = array<i32>} : memref<256xf32, #tpu.memory_space<vmem>>, vector<16xf32>,
    %swap3A_153 = arith.constant 112 : index
    %swap3A_154 = tpu.vector_load %arg15[%swap3A_153] {strides = array<i32>} : memref<256xf32, #tpu.memory_space<vmem>>, vector<16xf32>,
    tpu.vector_store %arg15[%swap3A_153], %broadcast_in_dim3A_3 {strides = array<i32>} : memref<256xf32, #tpu.memory_space<vmem>>, vector<16xf32>,
    %swap3A_155 = arith.constant 112 : index
    %swap3A_156 = tpu.vector_load %arg16[%swap3A_155] {strides = array<i32>} : memref<256xf32, #tpu.memory_space<vmem>>, vector<16xf32>,
    tpu.vector_store %arg16[%swap3A_155], %broadcast_in_dim3A_3 {strides = array<i32>} : memref<256xf32, #tpu.memory_space<vmem>>, vector<16xf32>,
    %swap3A_157 = arith.constant 112 : index
    %swap3A_158 = tpu.vector_load %arg17[%swap3A_157] {strides = array<i32>} : memref<256xf32, #tpu.memory_space<vmem>>, vector<16xf32>,
    tpu.vector_store %arg17[%swap3A_157], %broadcast_in_dim3A_3 {strides = array<i32>} : memref<256xf32, #tpu.memory_space<vmem>>, vector<16xf32>,
    %swap3A_159 = arith.constant 112 : index
    %swap3A_160 = tpu.vector_load %arg18[%swap3A_159] {strides = array<i32>} : memref<256xf32, #tpu.memory_space<vmem>>, vector<16xf32>,
    tpu.vector_store %arg18[%swap3A_159], %broadcast_in_dim3A_3 {strides = array<i32>} : memref<256xf32, #tpu.memory_space<vmem>>, vector<16xf32>,
    %swap3A_161 = arith.constant 112 : index
    %swap3A_162 = tpu.vector_load %arg19[%swap3A_161] {strides = array<i32>} : memref<256xf32, #tpu.memory_space<vmem>>, vector<16xf32>,
    tpu.vector_store %arg19[%swap3A_161], %broadcast_in_dim3A_3 {strides = array<i32>} : memref<256xf32, #tpu.memory_space<vmem>>, vector<16xf32>,
    %swap3A_163 = arith.constant 128 : index
    %swap3A_164 = tpu.vector_load %arg10[%swap3A_163] {strides = array<i32>} : memref<256xf32, #tpu.memory_space<vmem>>, vector<16xf32>,
    tpu.vector_store %arg10[%swap3A_163], %broadcast_in_dim3A_3 {strides = array<i32>} : memref<256xf32, #tpu.memory_space<vmem>>, vector<16xf32>,
    %swap3A_165 = arith.constant 128 : index
    %swap3A_166 = tpu.vector_load %arg11[%swap3A_165] {strides = array<i32>} : memref<256xf32, #tpu.memory_space<vmem>>, vector<16xf32>,
    tpu.vector_store %arg11[%swap3A_165], %broadcast_in_dim3A_3 {strides = array<i32>} : memref<256xf32, #tpu.memory_space<vmem>>, vector<16xf32>,
    %swap3A_167 = arith.constant 128 : index
    %swap3A_168 = tpu.vector_load %arg12[%swap3A_167] {strides = array<i32>} : memref<256xf32, #tpu.memory_space<vmem>>, vector<16xf32>,
    tpu.vector_store %arg12[%swap3A_167], %broadcast_in_dim3A_3 {strides = array<i32>} : memref<256xf32, #tpu.memory_space<vmem>>, vector<16xf32>,
    %swap3A_169 = arith.constant 128 : index
    %swap3A_170 = tpu.vector_load %arg13[%swap3A_169] {strides = array<i32>} : memref<256xf32, #tpu.memory_space<vmem>>, vector<16xf32>,
    tpu.vector_store %arg13[%swap3A_169], %broadcast_in_dim3A_3 {strides = array<i32>} : memref<256xf32, #tpu.memory_space<vmem>>, vector<16xf32>,
    %swap3A_171 = arith.constant 128 : index
    %swap3A_172 = tpu.vector_load %arg14[%swap3A_171] {strides = array<i32>} : memref<256xf32, #tpu.memory_space<vmem>>, vector<16xf32>,
    tpu.vector_store %arg14[%swap3A_171], %broadcast_in_dim3A_3 {strides = array<i32>} : memref<256xf32, #tpu.memory_space<vmem>>, vector<16xf32>,
    %swap3A_173 = arith.constant 128 : index
    %swap3A_174 = tpu.vector_load %arg15[%swap3A_173] {strides = array<i32>} : memref<256xf32, #tpu.memory_space<vmem>>, vector<16xf32>,
    tpu.vector_store %arg15[%swap3A_173], %broadcast_in_dim3A_3 {strides = array<i32>} : memref<256xf32, #tpu.memory_space<vmem>>, vector<16xf32>,
    %swap3A_175 = arith.constant 128 : index
    %swap3A_176 = tpu.vector_load %arg16[%swap3A_175] {strides = array<i32>} : memref<256xf32, #tpu.memory_space<vmem>>, vector<16xf32>,
    tpu.vector_store %arg16[%swap3A_175], %broadcast_in_dim3A_3 {strides = array<i32>} : memref<256xf32, #tpu.memory_space<vmem>>, vector<16xf32>,
    %swap3A_177 = arith.constant 128 : index
    %swap3A_178 = tpu.vector_load %arg17[%swap3A_177] {strides = array<i32>} : memref<256xf32, #tpu.memory_space<vmem>>, vector<16xf32>,
    tpu.vector_store %arg17[%swap3A_177], %broadcast_in_dim3A_3 {strides = array<i32>} : memref<256xf32, #tpu.memory_space<vmem>>, vector<16xf32>,
    %swap3A_179 = arith.constant 128 : index
    %swap3A_180 = tpu.vector_load %arg18[%swap3A_179] {strides = array<i32>} : memref<256xf32, #tpu.memory_space<vmem>>, vector<16xf32>,
    tpu.vector_store %arg18[%swap3A_179], %broadcast_in_dim3A_3 {strides = array<i32>} : memref<256xf32, #tpu.memory_space<vmem>>, vector<16xf32>,
    %swap3A_181 = arith.constant 128 : index
    %swap3A_182 = tpu.vector_load %arg19[%swap3A_181] {strides = array<i32>} : memref<256xf32, #tpu.memory_space<vmem>>, vector<16xf32>,
    tpu.vector_store %arg19[%swap3A_181], %broadcast_in_dim3A_3 {strides = array<i32>} : memref<256xf32, #tpu.memory_space<vmem>>, vector<16xf32>,
    %swap3A_183 = arith.constant 144 : index
    %swap3A_184 = tpu.vector_load %arg10[%swap3A_183] {strides = array<i32>} : memref<256xf32, #tpu.memory_space<vmem>>, vector<16xf32>,
    tpu.vector_store %arg10[%swap3A_183], %broadcast_in_dim3A_3 {strides = array<i32>} : memref<256xf32, #tpu.memory_space<vmem>>, vector<16xf32>,
    %swap3A_185 = arith.constant 144 : index
    %swap3A_186 = tpu.vector_load %arg11[%swap3A_185] {strides = array<i32>} : memref<256xf32, #tpu.memory_space<vmem>>, vector<16xf32>,
    tpu.vector_store %arg11[%swap3A_185], %broadcast_in_dim3A_3 {strides = array<i32>} : memref<256xf32, #tpu.memory_space<vmem>>, vector<16xf32>,
    %swap3A_187 = arith.constant 144 : index
    %swap3A_188 = tpu.vector_load %arg12[%swap3A_187] {strides = array<i32>} : memref<256xf32, #tpu.memory_space<vmem>>, vector<16xf32>,
    tpu.vector_store %arg12[%swap3A_187], %broadcast_in_dim3A_3 {strides = array<i32>} : memref<256xf32, #tpu.memory_space<vmem>>, vector<16xf32>,
    %swap3A_189 = arith.constant 144 : index
    %swap3A_190 = tpu.vector_load %arg13[%swap3A_189] {strides = array<i32>} : memref<256xf32, #tpu.memory_space<vmem>>, vector<16xf32>,
    tpu.vector_store %arg13[%swap3A_189], %broadcast_in_dim3A_3 {strides = array<i32>} : memref<256xf32, #tpu.memory_space<vmem>>, vector<16xf32>,
    %swap3A_191 = arith.constant 144 : index
    %swap3A_192 = tpu.vector_load %arg14[%swap3A_191] {strides = array<i32>} : memref<256xf32, #tpu.memory_space<vmem>>, vector<16xf32>,
    tpu.vector_store %arg14[%swap3A_191], %broadcast_in_dim3A_3 {strides = array<i32>} : memref<256xf32, #tpu.memory_space<vmem>>, vector<16xf32>,
    %swap3A_193 = arith.constant 144 : index
    %swap3A_194 = tpu.vector_load %arg15[%swap3A_193] {strides = array<i32>} : memref<256xf32, #tpu.memory_space<vmem>>, vector<16xf32>,
    tpu.vector_store %arg15[%swap3A_193], %broadcast_in_dim3A_3 {strides = array<i32>} : memref<256xf32, #tpu.memory_space<vmem>>, vector<16xf32>,
    %swap3A_195 = arith.constant 144 : index
    %swap3A_196 = tpu.vector_load %arg16[%swap3A_195] {strides = array<i32>} : memref<256xf32, #tpu.memory_space<vmem>>, vector<16xf32>,
    tpu.vector_store %arg16[%swap3A_195], %broadcast_in_dim3A_3 {strides = array<i32>} : memref<256xf32, #tpu.memory_space<vmem>>, vector<16xf32>,
    %swap3A_197 = arith.constant 144 : index
    %swap3A_198 = tpu.vector_load %arg17[%swap3A_197] {strides = array<i32>} : memref<256xf32, #tpu.memory_space<vmem>>, vector<16xf32>,
    tpu.vector_store %arg17[%swap3A_197], %broadcast_in_dim3A_3 {strides = array<i32>} : memref<256xf32, #tpu.memory_space<vmem>>, vector<16xf32>,
    %swap3A_199 = arith.constant 144 : index
    %swap3A_200 = tpu.vector_load %arg18[%swap3A_199] {strides = array<i32>} : memref<256xf32, #tpu.memory_space<vmem>>, vector<16xf32>,
    tpu.vector_store %arg18[%swap3A_199], %broadcast_in_dim3A_3 {strides = array<i32>} : memref<256xf32, #tpu.memory_space<vmem>>, vector<16xf32>,
    %swap3A_201 = arith.constant 144 : index
    %swap3A_202 = tpu.vector_load %arg19[%swap3A_201] {strides = array<i32>} : memref<256xf32, #tpu.memory_space<vmem>>, vector<16xf32>,
    tpu.vector_store %arg19[%swap3A_201], %broadcast_in_dim3A_3 {strides = array<i32>} : memref<256xf32, #tpu.memory_space<vmem>>, vector<16xf32>,
    %swap3A_203 = arith.constant 160 : index
    %swap3A_204 = tpu.vector_load %arg10[%swap3A_203] {strides = array<i32>} : memref<256xf32, #tpu.memory_space<vmem>>, vector<16xf32>,
    tpu.vector_store %arg10[%swap3A_203], %broadcast_in_dim3A_3 {strides = array<i32>} : memref<256xf32, #tpu.memory_space<vmem>>, vector<16xf32>,
    %swap3A_205 = arith.constant 160 : index
    %swap3A_206 = tpu.vector_load %arg11[%swap3A_205] {strides = array<i32>} : memref<256xf32, #tpu.memory_space<vmem>>, vector<16xf32>,
    tpu.vector_store %arg11[%swap3A_205], %broadcast_in_dim3A_3 {strides = array<i32>} : memref<256xf32, #tpu.memory_space<vmem>>, vector<16xf32>,
    %swap3A_207 = arith.constant 160 : index
    %swap3A_208 = tpu.vector_load %arg12[%swap3A_207] {strides = array<i32>} : memref<256xf32, #tpu.memory_space<vmem>>, vector<16xf32>,
    tpu.vector_store %arg12[%swap3A_207], %broadcast_in_dim3A_3 {strides = array<i32>} : memref<256xf32, #tpu.memory_space<vmem>>, vector<16xf32>,
    %swap3A_209 = arith.constant 160 : index
    %swap3A_210 = tpu.vector_load %arg13[%swap3A_209] {strides = array<i32>} : memref<256xf32, #tpu.memory_space<vmem>>, vector<16xf32>,
    tpu.vector_store %arg13[%swap3A_209], %broadcast_in_dim3A_3 {strides = array<i32>} : memref<256xf32, #tpu.memory_space<vmem>>, vector<16xf32>,
    %swap3A_211 = arith.constant 160 : index
    %swap3A_212 = tpu.vector_load %arg14[%swap3A_211] {strides = array<i32>} : memref<256xf32, #tpu.memory_space<vmem>>, vector<16xf32>,
    tpu.vector_store %arg14[%swap3A_211], %broadcast_in_dim3A_3 {strides = array<i32>} : memref<256xf32, #tpu.memory_space<vmem>>, vector<16xf32>,
    %swap3A_213 = arith.constant 160 : index
    %swap3A_214 = tpu.vector_load %arg15[%swap3A_213] {strides = array<i32>} : memref<256xf32, #tpu.memory_space<vmem>>, vector<16xf32>,
    tpu.vector_store %arg15[%swap3A_213], %broadcast_in_dim3A_3 {strides = array<i32>} : memref<256xf32, #tpu.memory_space<vmem>>, vector<16xf32>,
    %swap3A_215 = arith.constant 160 : index
    %swap3A_216 = tpu.vector_load %arg16[%swap3A_215] {strides = array<i32>} : memref<256xf32, #tpu.memory_space<vmem>>, vector<16xf32>,
    tpu.vector_store %arg16[%swap3A_215], %broadcast_in_dim3A_3 {strides = array<i32>} : memref<256xf32, #tpu.memory_space<vmem>>, vector<16xf32>,
    %swap3A_217 = arith.constant 160 : index
    %swap3A_218 = tpu.vector_load %arg17[%swap3A_217] {strides = array<i32>} : memref<256xf32, #tpu.memory_space<vmem>>, vector<16xf32>,
    tpu.vector_store %arg17[%swap3A_217], %broadcast_in_dim3A_3 {strides = array<i32>} : memref<256xf32, #tpu.memory_space<vmem>>, vector<16xf32>,
    %swap3A_219 = arith.constant 160 : index
    %swap3A_220 = tpu.vector_load %arg18[%swap3A_219] {strides = array<i32>} : memref<256xf32, #tpu.memory_space<vmem>>, vector<16xf32>,
    tpu.vector_store %arg18[%swap3A_219], %broadcast_in_dim3A_3 {strides = array<i32>} : memref<256xf32, #tpu.memory_space<vmem>>, vector<16xf32>,
    %swap3A_221 = arith.constant 160 : index
    %swap3A_222 = tpu.vector_load %arg19[%swap3A_221] {strides = array<i32>} : memref<256xf32, #tpu.memory_space<vmem>>, vector<16xf32>,
    tpu.vector_store %arg19[%swap3A_221], %broadcast_in_dim3A_3 {strides = array<i32>} : memref<256xf32, #tpu.memory_space<vmem>>, vector<16xf32>,
    %swap3A_223 = arith.constant 176 : index
    %swap3A_224 = tpu.vector_load %arg10[%swap3A_223] {strides = array<i32>} : memref<256xf32, #tpu.memory_space<vmem>>, vector<16xf32>,
    tpu.vector_store %arg10[%swap3A_223], %broadcast_in_dim3A_3 {strides = array<i32>} : memref<256xf32, #tpu.memory_space<vmem>>, vector<16xf32>,
    %swap3A_225 = arith.constant 176 : index
    %swap3A_226 = tpu.vector_load %arg11[%swap3A_225] {strides = array<i32>} : memref<256xf32, #tpu.memory_space<vmem>>, vector<16xf32>,
    tpu.vector_store %arg11[%swap3A_225], %broadcast_in_dim3A_3 {strides = array<i32>} : memref<256xf32, #tpu.memory_space<vmem>>, vector<16xf32>,
    %swap3A_227 = arith.constant 176 : index
    %swap3A_228 = tpu.vector_load %arg12[%swap3A_227] {strides = array<i32>} : memref<256xf32, #tpu.memory_space<vmem>>, vector<16xf32>,
    tpu.vector_store %arg12[%swap3A_227], %broadcast_in_dim3A_3 {strides = array<i32>} : memref<256xf32, #tpu.memory_space<vmem>>, vector<16xf32>,
    %swap3A_229 = arith.constant 176 : index
    %swap3A_230 = tpu.vector_load %arg13[%swap3A_229] {strides = array<i32>} : memref<256xf32, #tpu.memory_space<vmem>>, vector<16xf32>,
    tpu.vector_store %arg13[%swap3A_229], %broadcast_in_dim3A_3 {strides = array<i32>} : memref<256xf32, #tpu.memory_space<vmem>>, vector<16xf32>,
    %swap3A_231 = arith.constant 176 : index
    %swap3A_232 = tpu.vector_load %arg14[%swap3A_231] {strides = array<i32>} : memref<256xf32, #tpu.memory_space<vmem>>, vector<16xf32>,
    tpu.vector_store %arg14[%swap3A_231], %broadcast_in_dim3A_3 {strides = array<i32>} : memref<256xf32, #tpu.memory_space<vmem>>, vector<16xf32>,
    %swap3A_233 = arith.constant 176 : index
    %swap3A_234 = tpu.vector_load %arg15[%swap3A_233] {strides = array<i32>} : memref<256xf32, #tpu.memory_space<vmem>>, vector<16xf32>,
    tpu.vector_store %arg15[%swap3A_233], %broadcast_in_dim3A_3 {strides = array<i32>} : memref<256xf32, #tpu.memory_space<vmem>>, vector<16xf32>,
    %swap3A_235 = arith.constant 176 : index
    %swap3A_236 = tpu.vector_load %arg16[%swap3A_235] {strides = array<i32>} : memref<256xf32, #tpu.memory_space<vmem>>, vector<16xf32>,
    tpu.vector_store %arg16[%swap3A_235], %broadcast_in_dim3A_3 {strides = array<i32>} : memref<256xf32, #tpu.memory_space<vmem>>, vector<16xf32>,
    %swap3A_237 = arith.constant 176 : index
    %swap3A_238 = tpu.vector_load %arg17[%swap3A_237] {strides = array<i32>} : memref<256xf32, #tpu.memory_space<vmem>>, vector<16xf32>,
    tpu.vector_store %arg17[%swap3A_237], %broadcast_in_dim3A_3 {strides = array<i32>} : memref<256xf32, #tpu.memory_space<vmem>>, vector<16xf32>,
    %swap3A_239 = arith.constant 176 : index
    %swap3A_240 = tpu.vector_load %arg18[%swap3A_239] {strides = array<i32>} : memref<256xf32, #tpu.memory_space<vmem>>, vector<16xf32>,
    tpu.vector_store %arg18[%swap3A_239], %broadcast_in_dim3A_3 {strides = array<i32>} : memref<256xf32, #tpu.memory_space<vmem>>, vector<16xf32>,
    %swap3A_241 = arith.constant 176 : index
    %swap3A_242 = tpu.vector_load %arg19[%swap3A_241] {strides = array<i32>} : memref<256xf32, #tpu.memory_space<vmem>>, vector<16xf32>,
    tpu.vector_store %arg19[%swap3A_241], %broadcast_in_dim3A_3 {strides = array<i32>} : memref<256xf32, #tpu.memory_space<vmem>>, vector<16xf32>,
    %swap3A_243 = arith.constant 192 : index
    %swap3A_244 = tpu.vector_load %arg10[%swap3A_243] {strides = array<i32>} : memref<256xf32, #tpu.memory_space<vmem>>, vector<16xf32>,
    tpu.vector_store %arg10[%swap3A_243], %broadcast_in_dim3A_3 {strides = array<i32>} : memref<256xf32, #tpu.memory_space<vmem>>, vector<16xf32>,
    %swap3A_245 = arith.constant 192 : index
    %swap3A_246 = tpu.vector_load %arg11[%swap3A_245] {strides = array<i32>} : memref<256xf32, #tpu.memory_space<vmem>>, vector<16xf32>,
    tpu.vector_store %arg11[%swap3A_245], %broadcast_in_dim3A_3 {strides = array<i32>} : memref<256xf32, #tpu.memory_space<vmem>>, vector<16xf32>,
    %swap3A_247 = arith.constant 192 : index
    %swap3A_248 = tpu.vector_load %arg12[%swap3A_247] {strides = array<i32>} : memref<256xf32, #tpu.memory_space<vmem>>, vector<16xf32>,
    tpu.vector_store %arg12[%swap3A_247], %broadcast_in_dim3A_3 {strides = array<i32>} : memref<256xf32, #tpu.memory_space<vmem>>, vector<16xf32>,
    %swap3A_249 = arith.constant 192 : index
    %swap3A_250 = tpu.vector_load %arg13[%swap3A_249] {strides = array<i32>} : memref<256xf32, #tpu.memory_space<vmem>>, vector<16xf32>,
    tpu.vector_store %arg13[%swap3A_249], %broadcast_in_dim3A_3 {strides = array<i32>} : memref<256xf32, #tpu.memory_space<vmem>>, vector<16xf32>,
    %swap3A_251 = arith.constant 192 : index
    %swap3A_252 = tpu.vector_load %arg14[%swap3A_251] {strides = array<i32>} : memref<256xf32, #tpu.memory_space<vmem>>, vector<16xf32>,
    tpu.vector_store %arg14[%swap3A_251], %broadcast_in_dim3A_3 {strides = array<i32>} : memref<256xf32, #tpu.memory_space<vmem>>, vector<16xf32>,
    %swap3A_253 = arith.constant 192 : index
    %swap3A_254 = tpu.vector_load %arg15[%swap3A_253] {strides = array<i32>} : memref<256xf32, #tpu.memory_space<vmem>>, vector<16xf32>,
    tpu.vector_store %arg15[%swap3A_253], %broadcast_in_dim3A_3 {strides = array<i32>} : memref<256xf32, #tpu.memory_space<vmem>>, vector<16xf32>,
    %swap3A_255 = arith.constant 192 : index
    %swap3A_256 = tpu.vector_load %arg16[%swap3A_255] {strides = array<i32>} : memref<256xf32, #tpu.memory_space<vmem>>, vector<16xf32>,
    tpu.vector_store %arg16[%swap3A_255], %broadcast_in_dim3A_3 {strides = array<i32>} : memref<256xf32, #tpu.memory_space<vmem>>, vector<16xf32>,
    %swap3A_257 = arith.constant 192 : index
    %swap3A_258 = tpu.vector_load %arg17[%swap3A_257] {strides = array<i32>} : memref<256xf32, #tpu.memory_space<vmem>>, vector<16xf32>,
    tpu.vector_store %arg17[%swap3A_257], %broadcast_in_dim3A_3 {strides = array<i32>} : memref<256xf32, #tpu.memory_space<vmem>>, vector<16xf32>,
    %swap3A_259 = arith.constant 192 : index
    %swap3A_260 = tpu.vector_load %arg18[%swap3A_259] {strides = array<i32>} : memref<256xf32, #tpu.memory_space<vmem>>, vector<16xf32>,
    tpu.vector_store %arg18[%swap3A_259], %broadcast_in_dim3A_3 {strides = array<i32>} : memref<256xf32, #tpu.memory_space<vmem>>, vector<16xf32>,
    %swap3A_261 = arith.constant 192 : index
    %swap3A_262 = tpu.vector_load %arg19[%swap3A_261] {strides = array<i32>} : memref<256xf32, #tpu.memory_space<vmem>>, vector<16xf32>,
    tpu.vector_store %arg19[%swap3A_261], %broadcast_in_dim3A_3 {strides = array<i32>} : memref<256xf32, #tpu.memory_space<vmem>>, vector<16xf32>,
    %swap3A_263 = arith.constant 208 : index
    %swap3A_264 = tpu.vector_load %arg10[%swap3A_263] {strides = array<i32>} : memref<256xf32, #tpu.memory_space<vmem>>, vector<16xf32>,
    tpu.vector_store %arg10[%swap3A_263], %broadcast_in_dim3A_3 {strides = array<i32>} : memref<256xf32, #tpu.memory_space<vmem>>, vector<16xf32>,
    %swap3A_265 = arith.constant 208 : index
    %swap3A_266 = tpu.vector_load %arg11[%swap3A_265] {strides = array<i32>} : memref<256xf32, #tpu.memory_space<vmem>>, vector<16xf32>,
    tpu.vector_store %arg11[%swap3A_265], %broadcast_in_dim3A_3 {strides = array<i32>} : memref<256xf32, #tpu.memory_space<vmem>>, vector<16xf32>,
    %swap3A_267 = arith.constant 208 : index
    %swap3A_268 = tpu.vector_load %arg12[%swap3A_267] {strides = array<i32>} : memref<256xf32, #tpu.memory_space<vmem>>, vector<16xf32>,
    tpu.vector_store %arg12[%swap3A_267], %broadcast_in_dim3A_3 {strides = array<i32>} : memref<256xf32, #tpu.memory_space<vmem>>, vector<16xf32>,
    %swap3A_269 = arith.constant 208 : index
    %swap3A_270 = tpu.vector_load %arg13[%swap3A_269] {strides = array<i32>} : memref<256xf32, #tpu.memory_space<vmem>>, vector<16xf32>,
    tpu.vector_store %arg13[%swap3A_269], %broadcast_in_dim3A_3 {strides = array<i32>} : memref<256xf32, #tpu.memory_space<vmem>>, vector<16xf32>,
    %swap3A_271 = arith.constant 208 : index
    %swap3A_272 = tpu.vector_load %arg14[%swap3A_271] {strides = array<i32>} : memref<256xf32, #tpu.memory_space<vmem>>, vector<16xf32>,
    tpu.vector_store %arg14[%swap3A_271], %broadcast_in_dim3A_3 {strides = array<i32>} : memref<256xf32, #tpu.memory_space<vmem>>, vector<16xf32>,
    %swap3A_273 = arith.constant 208 : index
    %swap3A_274 = tpu.vector_load %arg15[%swap3A_273] {strides = array<i32>} : memref<256xf32, #tpu.memory_space<vmem>>, vector<16xf32>,
    tpu.vector_store %arg15[%swap3A_273], %broadcast_in_dim3A_3 {strides = array<i32>} : memref<256xf32, #tpu.memory_space<vmem>>, vector<16xf32>,
    %swap3A_275 = arith.constant 208 : index
    %swap3A_276 = tpu.vector_load %arg16[%swap3A_275] {strides = array<i32>} : memref<256xf32, #tpu.memory_space<vmem>>, vector<16xf32>,
    tpu.vector_store %arg16[%swap3A_275], %broadcast_in_dim3A_3 {strides = array<i32>} : memref<256xf32, #tpu.memory_space<vmem>>, vector<16xf32>,
    %swap3A_277 = arith.constant 208 : index
    %swap3A_278 = tpu.vector_load %arg17[%swap3A_277] {strides = array<i32>} : memref<256xf32, #tpu.memory_space<vmem>>, vector<16xf32>,
    tpu.vector_store %arg17[%swap3A_277], %broadcast_in_dim3A_3 {strides = array<i32>} : memref<256xf32, #tpu.memory_space<vmem>>, vector<16xf32>,
    %swap3A_279 = arith.constant 208 : index
    %swap3A_280 = tpu.vector_load %arg18[%swap3A_279] {strides = array<i32>} : memref<256xf32, #tpu.memory_space<vmem>>, vector<16xf32>,
    tpu.vector_store %arg18[%swap3A_279], %broadcast_in_dim3A_3 {strides = array<i32>} : memref<256xf32, #tpu.memory_space<vmem>>, vector<16xf32>,
    %swap3A_281 = arith.constant 208 : index
    %swap3A_282 = tpu.vector_load %arg19[%swap3A_281] {strides = array<i32>} : memref<256xf32, #tpu.memory_space<vmem>>, vector<16xf32>,
    tpu.vector_store %arg19[%swap3A_281], %broadcast_in_dim3A_3 {strides = array<i32>} : memref<256xf32, #tpu.memory_space<vmem>>, vector<16xf32>,
    %swap3A_283 = arith.constant 224 : index
    %swap3A_284 = tpu.vector_load %arg10[%swap3A_283] {strides = array<i32>} : memref<256xf32, #tpu.memory_space<vmem>>, vector<16xf32>,
    tpu.vector_store %arg10[%swap3A_283], %broadcast_in_dim3A_3 {strides = array<i32>} : memref<256xf32, #tpu.memory_space<vmem>>, vector<16xf32>,
    %swap3A_285 = arith.constant 224 : index
    %swap3A_286 = tpu.vector_load %arg11[%swap3A_285] {strides = array<i32>} : memref<256xf32, #tpu.memory_space<vmem>>, vector<16xf32>,
    tpu.vector_store %arg11[%swap3A_285], %broadcast_in_dim3A_3 {strides = array<i32>} : memref<256xf32, #tpu.memory_space<vmem>>, vector<16xf32>,
    %swap3A_287 = arith.constant 224 : index
    %swap3A_288 = tpu.vector_load %arg12[%swap3A_287] {strides = array<i32>} : memref<256xf32, #tpu.memory_space<vmem>>, vector<16xf32>,
    tpu.vector_store %arg12[%swap3A_287], %broadcast_in_dim3A_3 {strides = array<i32>} : memref<256xf32, #tpu.memory_space<vmem>>, vector<16xf32>,
    %swap3A_289 = arith.constant 224 : index
    %swap3A_290 = tpu.vector_load %arg13[%swap3A_289] {strides = array<i32>} : memref<256xf32, #tpu.memory_space<vmem>>, vector<16xf32>,
    tpu.vector_store %arg13[%swap3A_289], %broadcast_in_dim3A_3 {strides = array<i32>} : memref<256xf32, #tpu.memory_space<vmem>>, vector<16xf32>,
    %swap3A_291 = arith.constant 224 : index
    %swap3A_292 = tpu.vector_load %arg14[%swap3A_291] {strides = array<i32>} : memref<256xf32, #tpu.memory_space<vmem>>, vector<16xf32>,
    tpu.vector_store %arg14[%swap3A_291], %broadcast_in_dim3A_3 {strides = array<i32>} : memref<256xf32, #tpu.memory_space<vmem>>, vector<16xf32>,
    %swap3A_293 = arith.constant 224 : index
    %swap3A_294 = tpu.vector_load %arg15[%swap3A_293] {strides = array<i32>} : memref<256xf32, #tpu.memory_space<vmem>>, vector<16xf32>,
    tpu.vector_store %arg15[%swap3A_293], %broadcast_in_dim3A_3 {strides = array<i32>} : memref<256xf32, #tpu.memory_space<vmem>>, vector<16xf32>,
    %swap3A_295 = arith.constant 224 : index
    %swap3A_296 = tpu.vector_load %arg16[%swap3A_295] {strides = array<i32>} : memref<256xf32, #tpu.memory_space<vmem>>, vector<16xf32>,
    tpu.vector_store %arg16[%swap3A_295], %broadcast_in_dim3A_3 {strides = array<i32>} : memref<256xf32, #tpu.memory_space<vmem>>, vector<16xf32>,
    %swap3A_297 = arith.constant 224 : index
    %swap3A_298 = tpu.vector_load %arg17[%swap3A_297] {strides = array<i32>} : memref<256xf32, #tpu.memory_space<vmem>>, vector<16xf32>,
    tpu.vector_store %arg17[%swap3A_297], %broadcast_in_dim3A_3 {strides = array<i32>} : memref<256xf32, #tpu.memory_space<vmem>>, vector<16xf32>,
    %swap3A_299 = arith.constant 224 : index
    %swap3A_300 = tpu.vector_load %arg18[%swap3A_299] {strides = array<i32>} : memref<256xf32, #tpu.memory_space<vmem>>, vector<16xf32>,
    tpu.vector_store %arg18[%swap3A_299], %broadcast_in_dim3A_3 {strides = array<i32>} : memref<256xf32, #tpu.memory_space<vmem>>, vector<16xf32>,
    %swap3A_301 = arith.constant 224 : index
    %swap3A_302 = tpu.vector_load %arg19[%swap3A_301] {strides = array<i32>} : memref<256xf32, #tpu.memory_space<vmem>>, vector<16xf32>,
    tpu.vector_store %arg19[%swap3A_301], %broadcast_in_dim3A_3 {strides = array<i32>} : memref<256xf32, #tpu.memory_space<vmem>>, vector<16xf32>,
    %swap3A_303 = arith.constant 240 : index
    %swap3A_304 = tpu.vector_load %arg10[%swap3A_303] {strides = array<i32>} : memref<256xf32, #tpu.memory_space<vmem>>, vector<16xf32>,
    tpu.vector_store %arg10[%swap3A_303], %broadcast_in_dim3A_3 {strides = array<i32>} : memref<256xf32, #tpu.memory_space<vmem>>, vector<16xf32>,
    %swap3A_305 = arith.constant 240 : index
    %swap3A_306 = tpu.vector_load %arg11[%swap3A_305] {strides = array<i32>} : memref<256xf32, #tpu.memory_space<vmem>>, vector<16xf32>,
    tpu.vector_store %arg11[%swap3A_305], %broadcast_in_dim3A_3 {strides = array<i32>} : memref<256xf32, #tpu.memory_space<vmem>>, vector<16xf32>,
    %swap3A_307 = arith.constant 240 : index
    %swap3A_308 = tpu.vector_load %arg12[%swap3A_307] {strides = array<i32>} : memref<256xf32, #tpu.memory_space<vmem>>, vector<16xf32>,
    tpu.vector_store %arg12[%swap3A_307], %broadcast_in_dim3A_3 {strides = array<i32>} : memref<256xf32, #tpu.memory_space<vmem>>, vector<16xf32>,
    %swap3A_309 = arith.constant 240 : index
    %swap3A_310 = tpu.vector_load %arg13[%swap3A_309] {strides = array<i32>} : memref<256xf32, #tpu.memory_space<vmem>>, vector<16xf32>,
    tpu.vector_store %arg13[%swap3A_309], %broadcast_in_dim3A_3 {strides = array<i32>} : memref<256xf32, #tpu.memory_space<vmem>>, vector<16xf32>,
    %swap3A_311 = arith.constant 240 : index
    %swap3A_312 = tpu.vector_load %arg14[%swap3A_311] {strides = array<i32>} : memref<256xf32, #tpu.memory_space<vmem>>, vector<16xf32>,
    tpu.vector_store %arg14[%swap3A_311], %broadcast_in_dim3A_3 {strides = array<i32>} : memref<256xf32, #tpu.memory_space<vmem>>, vector<16xf32>,
    %swap3A_313 = arith.constant 240 : index
    %swap3A_314 = tpu.vector_load %arg15[%swap3A_313] {strides = array<i32>} : memref<256xf32, #tpu.memory_space<vmem>>, vector<16xf32>,
    tpu.vector_store %arg15[%swap3A_313], %broadcast_in_dim3A_3 {strides = array<i32>} : memref<256xf32, #tpu.memory_space<vmem>>, vector<16xf32>,
    %swap3A_315 = arith.constant 240 : index
    %swap3A_316 = tpu.vector_load %arg16[%swap3A_315] {strides = array<i32>} : memref<256xf32, #tpu.memory_space<vmem>>, vector<16xf32>,
    tpu.vector_store %arg16[%swap3A_315], %broadcast_in_dim3A_3 {strides = array<i32>} : memref<256xf32, #tpu.memory_space<vmem>>, vector<16xf32>,
    %swap3A_317 = arith.constant 240 : index
    %swap3A_318 = tpu.vector_load %arg17[%swap3A_317] {strides = array<i32>} : memref<256xf32, #tpu.memory_space<vmem>>, vector<16xf32>,
    tpu.vector_store %arg17[%swap3A_317], %broadcast_in_dim3A_3 {strides = array<i32>} : memref<256xf32, #tpu.memory_space<vmem>>, vector<16xf32>,
    %swap3A_319 = arith.constant 240 : index
    %swap3A_320 = tpu.vector_load %arg18[%swap3A_319] {strides = array<i32>} : memref<256xf32, #tpu.memory_space<vmem>>, vector<16xf32>,
    tpu.vector_store %arg18[%swap3A_319], %broadcast_in_dim3A_3 {strides = array<i32>} : memref<256xf32, #tpu.memory_space<vmem>>, vector<16xf32>,
    %swap3A_321 = arith.constant 240 : index
    %swap3A_322 = tpu.vector_load %arg19[%swap3A_321] {strides = array<i32>} : memref<256xf32, #tpu.memory_space<vmem>>, vector<16xf32>,
    tpu.vector_store %arg19[%swap3A_321], %broadcast_in_dim3A_3 {strides = array<i32>} : memref<256xf32, #tpu.memory_space<vmem>>, vector<16xf32>,
    %iota3A = tpu.iota {dimensions = array<i32: 0>} : vector<16xi32>
    %broadcast_in_dim3A_323 = arith.constant 1.000000e+00 : f32
    %broadcast_in_dim3A_324 = vector.broadcast %broadcast_in_dim3A_323 : f32 to vector<16xf32>
    %add3A_325 = arith.constant 0 : i32
    %add3A_326 = arith.addi %mul3A_2, %add3A_325 : i32
    %dma_start3A = tpu.memref_slice %arg2[%add3A_326] : memref<8000000xf32, #tpu.memory_space<hbm>> -> memref<10000xf32, #tpu.memory_space<hbm>>
    %dma_start3A_327 = tpu.memref_slice %arg2[%add3A_326] : memref<8000000xf32, #tpu.memory_space<hbm>> -> memref<10000xf32, #tpu.memory_space<hbm>>
    tpu.enqueue_dma source(%dma_start3A_327 : memref<10000xf32, #tpu.memory_space<hbm>>) target(%arg6 : memref<10000xf32, #tpu.memory_space<vmem>>) target_semaphore(%arg22 : memref<!tpu.dma_semaphore, #tpu.memory_space<semaphore_mem>>)
    %dma_start3A_328 = tpu.memref_slice %arg3[%add3A_326] : memref<8000000xi32, #tpu.memory_space<hbm>> -> memref<10000xi32, #tpu.memory_space<hbm>>
    %dma_start3A_329 = tpu.memref_slice %arg3[%add3A_326] : memref<8000000xi32, #tpu.memory_space<hbm>> -> memref<10000xi32, #tpu.memory_space<hbm>>
    tpu.enqueue_dma source(%dma_start3A_329 : memref<10000xi32, #tpu.memory_space<hbm>>) target(%arg8 : memref<10000xi32, #tpu.memory_space<vmem>>) target_semaphore(%arg22 : memref<!tpu.dma_semaphore, #tpu.memory_space<semaphore_mem>>)
    %scan3A = arith.constant 0 : i32
    %scan3A_330 = arith.constant 0 : i32
    %scan3A_331 = arith.constant 25 : i32
    %scan3A_332 = arith.addi %scan3A_330, %scan3A_331 : i32
    %scan3A_333 = arith.constant 1 : i32
    scf.for %scan3A_758 = %scan3A_330 to %scan3A_332 step %scan3A_333  : i32 {
      %jit3A = arith.constant 2 : i32
      %eq3A = arith.constant 0 : i32
      %eq3A_759 = arith.cmpi eq, %jit3A, %eq3A : i32
      %jit3A_760 = arith.constant 1 : i32
      %select_n3A = arith.select %eq3A_759, %jit3A_760, %jit3A : i32
      %rem3A = arith.remsi %scan3A_758, %select_n3A : i32
      %ne3A = arith.constant 0 : i32
      %ne3A_761 = arith.cmpi ne, %rem3A, %ne3A : i32
      %lt3A = arith.constant 0 : i32
      %lt3A_762 = arith.cmpi slt, %rem3A, %lt3A : i32
      %lt3A_763 = arith.constant 0 : i32
      %lt3A_764 = arith.cmpi slt, %select_n3A, %lt3A_763 : i32
      %ne3A_765 = arith.xori %lt3A_762, %lt3A_764 : i1
      %and3A = arith.andi %ne3A_765, %ne3A_761 : i1
      %add3A_766 = arith.addi %rem3A, %select_n3A : i32
      %select_n3A_767 = arith.select %and3A, %add3A_766, %rem3A : i32
      %eq3A_768 = arith.constant 0 : i32
      %eq3A_769 = arith.cmpi eq, %select_n3A_767, %eq3A_768 : i32
      %convert_element_type3A = arith.extui %eq3A_769 : i1 to i32
      %cond3A = arith.constant 0 : i32
      %cond3A_770 = arith.cmpi ne, %convert_element_type3A, %cond3A : i32
      scf.if %cond3A_770 {
        %add3A_792 = arith.constant 1 : i32
        %add3A_793 = arith.addi %scan3A_758, %add3A_792 : i32
        %lt3A_794 = arith.constant 25 : i32
        %lt3A_795 = arith.cmpi slt, %add3A_793, %lt3A_794 : i32
        %convert_element_type3A_796 = arith.extui %lt3A_795 : i1 to i32
        %cond3A_797 = arith.constant 0 : i32
        %cond3A_798 = arith.cmpi ne, %convert_element_type3A_796, %cond3A_797 : i32
        scf.if %cond3A_798 {
          %add3A_808 = arith.constant 1 : i32
          %add3A_809 = arith.addi %scan3A_758, %add3A_808 : i32
          %mul3A_810 = arith.constant 10000 : i32
          %mul3A_811 = arith.muli %add3A_809, %mul3A_810 : i32
          %add3A_812 = arith.addi %mul3A_2, %mul3A_811 : i32
          %dma_start3A_813 = tpu.memref_slice %arg2[%add3A_812] : memref<8000000xf32, #tpu.memory_space<hbm>> -> memref<10000xf32, #tpu.memory_space<hbm>>
          %dma_start3A_814 = tpu.memref_slice %arg2[%add3A_812] : memref<8000000xf32, #tpu.memory_space<hbm>> -> memref<10000xf32, #tpu.memory_space<hbm>>
          tpu.enqueue_dma source(%dma_start3A_814 : memref<10000xf32, #tpu.memory_space<hbm>>) target(%arg7 : memref<10000xf32, #tpu.memory_space<vmem>>) target_semaphore(%arg23 : memref<!tpu.dma_semaphore, #tpu.memory_space<semaphore_mem>>)
          %dma_start3A_815 = tpu.memref_slice %arg3[%add3A_812] : memref<8000000xi32, #tpu.memory_space<hbm>> -> memref<10000xi32, #tpu.memory_space<hbm>>
          %dma_start3A_816 = tpu.memref_slice %arg3[%add3A_812] : memref<8000000xi32, #tpu.memory_space<hbm>> -> memref<10000xi32, #tpu.memory_space<hbm>>
          tpu.enqueue_dma source(%dma_start3A_816 : memref<10000xi32, #tpu.memory_space<hbm>>) target(%arg9 : memref<10000xi32, #tpu.memory_space<vmem>>) target_semaphore(%arg23 : memref<!tpu.dma_semaphore, #tpu.memory_space<semaphore_mem>>)
        } else {
        }
        %dma_wait3A = arith.constant 0 : i32
        %dma_wait3A_799 = tpu.memref_slice %arg2[%dma_wait3A] : memref<8000000xf32, #tpu.memory_space<hbm>> -> memref<10000xf32, #tpu.memory_space<hbm>>
        %dma_wait3A_800 = arith.constant 0 : i32
        %dma_wait3A_801 = tpu.memref_slice %arg2[%dma_wait3A_800] : memref<8000000xf32, #tpu.memory_space<hbm>> -> memref<10000xf32, #tpu.memory_space<hbm>>
        tpu.wait_dma2 semaphore(%arg22 : memref<!tpu.dma_semaphore, #tpu.memory_space<semaphore_mem>>) src(%dma_wait3A_801 : memref<10000xf32, #tpu.memory_space<hbm>>) dst(%arg6 : memref<10000xf32, #tpu.memory_space<vmem>>)
        %dma_wait3A_802 = arith.constant 0 : i32
        %dma_wait3A_803 = tpu.memref_slice %arg3[%dma_wait3A_802] : memref<8000000xi32, #tpu.memory_space<hbm>> -> memref<10000xi32, #tpu.memory_space<hbm>>
        %dma_wait3A_804 = arith.constant 0 : i32
        %dma_wait3A_805 = tpu.memref_slice %arg3[%dma_wait3A_804] : memref<8000000xi32, #tpu.memory_space<hbm>> -> memref<10000xi32, #tpu.memory_space<hbm>>
        tpu.wait_dma2 semaphore(%arg22 : memref<!tpu.dma_semaphore, #tpu.memory_space<semaphore_mem>>) src(%dma_wait3A_805 : memref<10000xi32, #tpu.memory_space<hbm>>) dst(%arg8 : memref<10000xi32, #tpu.memory_space<vmem>>)
        %parallel_loop3A = arith.constant 0 : i32
        %parallel_loop3A_806 = arith.constant 625 : i32
        %parallel_loop3A_807 = arith.constant 5 : i32
        scf.for %parallel_loop3A_808 = %parallel_loop3A to %parallel_loop3A_806 step %parallel_loop3A_807  : i32 {
          %parallel_loop3A_809 = arith.constant 0 : i32
          %parallel_loop3A_810 = arith.addi %parallel_loop3A_808, %parallel_loop3A_809 : i32
          %parallel_loop3A_811 = arith.constant 16 : i32
          %parallel_loop3A_812 = arith.muli %parallel_loop3A_810, %parallel_loop3A_811 : i32
          %parallel_loop3A_813 = arith.index_cast %parallel_loop3A_812 : i32 to index
          %parallel_loop3A_814 = tpu.vector_load %arg6[%parallel_loop3A_813] {strides = array<i32>} : memref<10000xf32, #tpu.memory_space<vmem>>, vector<16xf32>,
          %parallel_loop3A_815 = arith.index_cast %parallel_loop3A_812 : i32 to index
          %parallel_loop3A_816 = tpu.vector_load %arg8[%parallel_loop3A_815] {strides = array<i32>} : memref<10000xi32, #tpu.memory_space<vmem>>, vector<16xi32>,
          %parallel_loop3A_817 = arith.sitofp %parallel_loop3A_816 : vector<16xi32> to vector<16xf32>
          %parallel_loop3A_818 = arith.subf %parallel_loop3A_814, %parallel_loop3A_817 : vector<16xf32>
          %parallel_loop3A_819 = math.absf %parallel_loop3A_818 : vector<16xf32>
          %parallel_loop3A_820 = arith.constant 16 : i32
          %parallel_loop3A_821 = vector.broadcast %parallel_loop3A_820 : i32 to vector<16xi32>
          %parallel_loop3A_822 = arith.muli %parallel_loop3A_816, %parallel_loop3A_821 : vector<16xi32>
          %parallel_loop3A_823 = arith.addi %parallel_loop3A_822, %iota3A : vector<16xi32>
          tpu.vector_store_idx %arg10[%parallel_loop3A_823], %parallel_loop3A_819 {add = true} : memref<256xf32, #tpu.memory_space<vmem>>[vector<16xi32>], vector<16xf32>,
          tpu.vector_store_idx %arg15[%parallel_loop3A_823], %broadcast_in_dim3A_324 {add = true} : memref<256xf32, #tpu.memory_space<vmem>>[vector<16xi32>], vector<16xf32>,
          %parallel_loop3A_824 = arith.constant 1 : i32
          %parallel_loop3A_825 = arith.addi %parallel_loop3A_808, %parallel_loop3A_824 : i32
          %parallel_loop3A_826 = arith.constant 16 : i32
          %parallel_loop3A_827 = arith.muli %parallel_loop3A_825, %parallel_loop3A_826 : i32
          %parallel_loop3A_828 = arith.index_cast %parallel_loop3A_827 : i32 to index
          %parallel_loop3A_829 = tpu.vector_load %arg6[%parallel_loop3A_828] {strides = array<i32>} : memref<10000xf32, #tpu.memory_space<vmem>>, vector<16xf32>,
          %parallel_loop3A_830 = arith.index_cast %parallel_loop3A_827 : i32 to index
          %parallel_loop3A_831 = tpu.vector_load %arg8[%parallel_loop3A_830] {strides = array<i32>} : memref<10000xi32, #tpu.memory_space<vmem>>, vector<16xi32>,
          %parallel_loop3A_832 = arith.sitofp %parallel_loop3A_831 : vector<16xi32> to vector<16xf32>
          %parallel_loop3A_833 = arith.subf %parallel_loop3A_829, %parallel_loop3A_832 : vector<16xf32>
          %parallel_loop3A_834 = math.absf %parallel_loop3A_833 : vector<16xf32>
          %parallel_loop3A_835 = arith.constant 16 : i32
          %parallel_loop3A_836 = vector.broadcast %parallel_loop3A_835 : i32 to vector<16xi32>
          %parallel_loop3A_837 = arith.muli %parallel_loop3A_831, %parallel_loop3A_836 : vector<16xi32>
          %parallel_loop3A_838 = arith.addi %parallel_loop3A_837, %iota3A : vector<16xi32>
          tpu.vector_store_idx %arg11[%parallel_loop3A_838], %parallel_loop3A_834 {add = true} : memref<256xf32, #tpu.memory_space<vmem>>[vector<16xi32>], vector<16xf32>,
          tpu.vector_store_idx %arg16[%parallel_loop3A_838], %broadcast_in_dim3A_324 {add = true} : memref<256xf32, #tpu.memory_space<vmem>>[vector<16xi32>], vector<16xf32>,
          %parallel_loop3A_839 = arith.constant 2 : i32
          %parallel_loop3A_840 = arith.addi %parallel_loop3A_808, %parallel_loop3A_839 : i32
          %parallel_loop3A_841 = arith.constant 16 : i32
          %parallel_loop3A_842 = arith.muli %parallel_loop3A_840, %parallel_loop3A_841 : i32
          %parallel_loop3A_843 = arith.index_cast %parallel_loop3A_842 : i32 to index
          %parallel_loop3A_844 = tpu.vector_load %arg6[%parallel_loop3A_843] {strides = array<i32>} : memref<10000xf32, #tpu.memory_space<vmem>>, vector<16xf32>,
          %parallel_loop3A_845 = arith.index_cast %parallel_loop3A_842 : i32 to index
          %parallel_loop3A_846 = tpu.vector_load %arg8[%parallel_loop3A_845] {strides = array<i32>} : memref<10000xi32, #tpu.memory_space<vmem>>, vector<16xi32>,
          %parallel_loop3A_847 = arith.sitofp %parallel_loop3A_846 : vector<16xi32> to vector<16xf32>
          %parallel_loop3A_848 = arith.subf %parallel_loop3A_844, %parallel_loop3A_847 : vector<16xf32>
          %parallel_loop3A_849 = math.absf %parallel_loop3A_848 : vector<16xf32>
          %parallel_loop3A_850 = arith.constant 16 : i32
          %parallel_loop3A_851 = vector.broadcast %parallel_loop3A_850 : i32 to vector<16xi32>
          %parallel_loop3A_852 = arith.muli %parallel_loop3A_846, %parallel_loop3A_851 : vector<16xi32>
          %parallel_loop3A_853 = arith.addi %parallel_loop3A_852, %iota3A : vector<16xi32>
          tpu.vector_store_idx %arg12[%parallel_loop3A_853], %parallel_loop3A_849 {add = true} : memref<256xf32, #tpu.memory_space<vmem>>[vector<16xi32>], vector<16xf32>,
          tpu.vector_store_idx %arg17[%parallel_loop3A_853], %broadcast_in_dim3A_324 {add = true} : memref<256xf32, #tpu.memory_space<vmem>>[vector<16xi32>], vector<16xf32>,
          %parallel_loop3A_854 = arith.constant 3 : i32
          %parallel_loop3A_855 = arith.addi %parallel_loop3A_808, %parallel_loop3A_854 : i32
          %parallel_loop3A_856 = arith.constant 16 : i32
          %parallel_loop3A_857 = arith.muli %parallel_loop3A_855, %parallel_loop3A_856 : i32
          %parallel_loop3A_858 = arith.index_cast %parallel_loop3A_857 : i32 to index
          %parallel_loop3A_859 = tpu.vector_load %arg6[%parallel_loop3A_858] {strides = array<i32>} : memref<10000xf32, #tpu.memory_space<vmem>>, vector<16xf32>,
          %parallel_loop3A_860 = arith.index_cast %parallel_loop3A_857 : i32 to index
          %parallel_loop3A_861 = tpu.vector_load %arg8[%parallel_loop3A_860] {strides = array<i32>} : memref<10000xi32, #tpu.memory_space<vmem>>, vector<16xi32>,
          %parallel_loop3A_862 = arith.sitofp %parallel_loop3A_861 : vector<16xi32> to vector<16xf32>
          %parallel_loop3A_863 = arith.subf %parallel_loop3A_859, %parallel_loop3A_862 : vector<16xf32>
          %parallel_loop3A_864 = math.absf %parallel_loop3A_863 : vector<16xf32>
          %parallel_loop3A_865 = arith.constant 16 : i32
          %parallel_loop3A_866 = vector.broadcast %parallel_loop3A_865 : i32 to vector<16xi32>
          %parallel_loop3A_867 = arith.muli %parallel_loop3A_861, %parallel_loop3A_866 : vector<16xi32>
          %parallel_loop3A_868 = arith.addi %parallel_loop3A_867, %iota3A : vector<16xi32>
          tpu.vector_store_idx %arg13[%parallel_loop3A_868], %parallel_loop3A_864 {add = true} : memref<256xf32, #tpu.memory_space<vmem>>[vector<16xi32>], vector<16xf32>,
          tpu.vector_store_idx %arg18[%parallel_loop3A_868], %broadcast_in_dim3A_324 {add = true} : memref<256xf32, #tpu.memory_space<vmem>>[vector<16xi32>], vector<16xf32>,
          %parallel_loop3A_869 = arith.constant 4 : i32
          %parallel_loop3A_870 = arith.addi %parallel_loop3A_808, %parallel_loop3A_869 : i32
          %parallel_loop3A_871 = arith.constant 16 : i32
          %parallel_loop3A_872 = arith.muli %parallel_loop3A_870, %parallel_loop3A_871 : i32
          %parallel_loop3A_873 = arith.index_cast %parallel_loop3A_872 : i32 to index
          %parallel_loop3A_874 = tpu.vector_load %arg6[%parallel_loop3A_873] {strides = array<i32>} : memref<10000xf32, #tpu.memory_space<vmem>>, vector<16xf32>,
          %parallel_loop3A_875 = arith.index_cast %parallel_loop3A_872 : i32 to index
          %parallel_loop3A_876 = tpu.vector_load %arg8[%parallel_loop3A_875] {strides = array<i32>} : memref<10000xi32, #tpu.memory_space<vmem>>, vector<16xi32>,
          %parallel_loop3A_877 = arith.sitofp %parallel_loop3A_876 : vector<16xi32> to vector<16xf32>
          %parallel_loop3A_878 = arith.subf %parallel_loop3A_874, %parallel_loop3A_877 : vector<16xf32>
          %parallel_loop3A_879 = math.absf %parallel_loop3A_878 : vector<16xf32>
          %parallel_loop3A_880 = arith.constant 16 : i32
          %parallel_loop3A_881 = vector.broadcast %parallel_loop3A_880 : i32 to vector<16xi32>
          %parallel_loop3A_882 = arith.muli %parallel_loop3A_876, %parallel_loop3A_881 : vector<16xi32>
          %parallel_loop3A_883 = arith.addi %parallel_loop3A_882, %iota3A : vector<16xi32>
          tpu.vector_store_idx %arg14[%parallel_loop3A_883], %parallel_loop3A_879 {add = true} : memref<256xf32, #tpu.memory_space<vmem>>[vector<16xi32>], vector<16xf32>,
          tpu.vector_store_idx %arg19[%parallel_loop3A_883], %broadcast_in_dim3A_324 {add = true} : memref<256xf32, #tpu.memory_space<vmem>>[vector<16xi32>], vector<16xf32>,
        } {sc.loop_unroll_factor = 5 : i64, sc.parallel_access}
      } else {
      }
      %jit3A_771 = arith.constant 2 : i32
      %eq3A_772 = arith.constant 0 : i32
      %eq3A_773 = arith.cmpi eq, %jit3A_771, %eq3A_772 : i32
      %jit3A_774 = arith.constant 1 : i32
      %select_n3A_775 = arith.select %eq3A_773, %jit3A_774, %jit3A_771 : i32
      %rem3A_776 = arith.remsi %scan3A_758, %select_n3A_775 : i32
      %ne3A_777 = arith.constant 0 : i32
      %ne3A_778 = arith.cmpi ne, %rem3A_776, %ne3A_777 : i32
      %lt3A_779 = arith.constant 0 : i32
      %lt3A_780 = arith.cmpi slt, %rem3A_776, %lt3A_779 : i32
      %lt3A_781 = arith.constant 0 : i32
      %lt3A_782 = arith.cmpi slt, %select_n3A_775, %lt3A_781 : i32
      %ne3A_783 = arith.xori %lt3A_780, %lt3A_782 : i1
      %and3A_784 = arith.andi %ne3A_783, %ne3A_778 : i1
      %add3A_785 = arith.addi %rem3A_776, %select_n3A_775 : i32
      %select_n3A_786 = arith.select %and3A_784, %add3A_785, %rem3A_776 : i32
      %eq3A_787 = arith.constant 1 : i32
      %eq3A_788 = arith.cmpi eq, %select_n3A_786, %eq3A_787 : i32
      %convert_element_type3A_789 = arith.extui %eq3A_788 : i1 to i32
      %cond3A_790 = arith.constant 0 : i32
      %cond3A_791 = arith.cmpi ne, %convert_element_type3A_789, %cond3A_790 : i32
      scf.if %cond3A_791 {
        %add3A_792 = arith.constant 1 : i32
        %add3A_793 = arith.addi %scan3A_758, %add3A_792 : i32
        %lt3A_794 = arith.constant 25 : i32
        %lt3A_795 = arith.cmpi slt, %add3A_793, %lt3A_794 : i32
        %convert_element_type3A_796 = arith.extui %lt3A_795 : i1 to i32
        %cond3A_797 = arith.constant 0 : i32
        %cond3A_798 = arith.cmpi ne, %convert_element_type3A_796, %cond3A_797 : i32
        scf.if %cond3A_798 {
          %add3A_808 = arith.constant 1 : i32
          %add3A_809 = arith.addi %scan3A_758, %add3A_808 : i32
          %mul3A_810 = arith.constant 10000 : i32
          %mul3A_811 = arith.muli %add3A_809, %mul3A_810 : i32
          %add3A_812 = arith.addi %mul3A_2, %mul3A_811 : i32
          %dma_start3A_813 = tpu.memref_slice %arg2[%add3A_812] : memref<8000000xf32, #tpu.memory_space<hbm>> -> memref<10000xf32, #tpu.memory_space<hbm>>
          %dma_start3A_814 = tpu.memref_slice %arg2[%add3A_812] : memref<8000000xf32, #tpu.memory_space<hbm>> -> memref<10000xf32, #tpu.memory_space<hbm>>
          tpu.enqueue_dma source(%dma_start3A_814 : memref<10000xf32, #tpu.memory_space<hbm>>) target(%arg6 : memref<10000xf32, #tpu.memory_space<vmem>>) target_semaphore(%arg22 : memref<!tpu.dma_semaphore, #tpu.memory_space<semaphore_mem>>)
          %dma_start3A_815 = tpu.memref_slice %arg3[%add3A_812] : memref<8000000xi32, #tpu.memory_space<hbm>> -> memref<10000xi32, #tpu.memory_space<hbm>>
          %dma_start3A_816 = tpu.memref_slice %arg3[%add3A_812] : memref<8000000xi32, #tpu.memory_space<hbm>> -> memref<10000xi32, #tpu.memory_space<hbm>>
          tpu.enqueue_dma source(%dma_start3A_816 : memref<10000xi32, #tpu.memory_space<hbm>>) target(%arg8 : memref<10000xi32, #tpu.memory_space<vmem>>) target_semaphore(%arg22 : memref<!tpu.dma_semaphore, #tpu.memory_space<semaphore_mem>>)
        } else {
        }
        %dma_wait3A = arith.constant 0 : i32
        %dma_wait3A_799 = tpu.memref_slice %arg2[%dma_wait3A] : memref<8000000xf32, #tpu.memory_space<hbm>> -> memref<10000xf32, #tpu.memory_space<hbm>>
        %dma_wait3A_800 = arith.constant 0 : i32
        %dma_wait3A_801 = tpu.memref_slice %arg2[%dma_wait3A_800] : memref<8000000xf32, #tpu.memory_space<hbm>> -> memref<10000xf32, #tpu.memory_space<hbm>>
        tpu.wait_dma2 semaphore(%arg23 : memref<!tpu.dma_semaphore, #tpu.memory_space<semaphore_mem>>) src(%dma_wait3A_801 : memref<10000xf32, #tpu.memory_space<hbm>>) dst(%arg7 : memref<10000xf32, #tpu.memory_space<vmem>>)
        %dma_wait3A_802 = arith.constant 0 : i32
        %dma_wait3A_803 = tpu.memref_slice %arg3[%dma_wait3A_802] : memref<8000000xi32, #tpu.memory_space<hbm>> -> memref<10000xi32, #tpu.memory_space<hbm>>
        %dma_wait3A_804 = arith.constant 0 : i32
        %dma_wait3A_805 = tpu.memref_slice %arg3[%dma_wait3A_804] : memref<8000000xi32, #tpu.memory_space<hbm>> -> memref<10000xi32, #tpu.memory_space<hbm>>
        tpu.wait_dma2 semaphore(%arg23 : memref<!tpu.dma_semaphore, #tpu.memory_space<semaphore_mem>>) src(%dma_wait3A_805 : memref<10000xi32, #tpu.memory_space<hbm>>) dst(%arg9 : memref<10000xi32, #tpu.memory_space<vmem>>)
        %parallel_loop3A = arith.constant 0 : i32
        %parallel_loop3A_806 = arith.constant 625 : i32
        %parallel_loop3A_807 = arith.constant 5 : i32
        scf.for %parallel_loop3A_808 = %parallel_loop3A to %parallel_loop3A_806 step %parallel_loop3A_807  : i32 {
          %parallel_loop3A_809 = arith.constant 0 : i32
          %parallel_loop3A_810 = arith.addi %parallel_loop3A_808, %parallel_loop3A_809 : i32
          %parallel_loop3A_811 = arith.constant 16 : i32
          %parallel_loop3A_812 = arith.muli %parallel_loop3A_810, %parallel_loop3A_811 : i32
          %parallel_loop3A_813 = arith.index_cast %parallel_loop3A_812 : i32 to index
          %parallel_loop3A_814 = tpu.vector_load %arg7[%parallel_loop3A_813] {strides = array<i32>} : memref<10000xf32, #tpu.memory_space<vmem>>, vector<16xf32>,
          %parallel_loop3A_815 = arith.index_cast %parallel_loop3A_812 : i32 to index
          %parallel_loop3A_816 = tpu.vector_load %arg9[%parallel_loop3A_815] {strides = array<i32>} : memref<10000xi32, #tpu.memory_space<vmem>>, vector<16xi32>,
          %parallel_loop3A_817 = arith.sitofp %parallel_loop3A_816 : vector<16xi32> to vector<16xf32>
          %parallel_loop3A_818 = arith.subf %parallel_loop3A_814, %parallel_loop3A_817 : vector<16xf32>
          %parallel_loop3A_819 = math.absf %parallel_loop3A_818 : vector<16xf32>
          %parallel_loop3A_820 = arith.constant 16 : i32
          %parallel_loop3A_821 = vector.broadcast %parallel_loop3A_820 : i32 to vector<16xi32>
          %parallel_loop3A_822 = arith.muli %parallel_loop3A_816, %parallel_loop3A_821 : vector<16xi32>
          %parallel_loop3A_823 = arith.addi %parallel_loop3A_822, %iota3A : vector<16xi32>
          tpu.vector_store_idx %arg10[%parallel_loop3A_823], %parallel_loop3A_819 {add = true} : memref<256xf32, #tpu.memory_space<vmem>>[vector<16xi32>], vector<16xf32>,
          tpu.vector_store_idx %arg15[%parallel_loop3A_823], %broadcast_in_dim3A_324 {add = true} : memref<256xf32, #tpu.memory_space<vmem>>[vector<16xi32>], vector<16xf32>,
          %parallel_loop3A_824 = arith.constant 1 : i32
          %parallel_loop3A_825 = arith.addi %parallel_loop3A_808, %parallel_loop3A_824 : i32
          %parallel_loop3A_826 = arith.constant 16 : i32
          %parallel_loop3A_827 = arith.muli %parallel_loop3A_825, %parallel_loop3A_826 : i32
          %parallel_loop3A_828 = arith.index_cast %parallel_loop3A_827 : i32 to index
          %parallel_loop3A_829 = tpu.vector_load %arg7[%parallel_loop3A_828] {strides = array<i32>} : memref<10000xf32, #tpu.memory_space<vmem>>, vector<16xf32>,
          %parallel_loop3A_830 = arith.index_cast %parallel_loop3A_827 : i32 to index
          %parallel_loop3A_831 = tpu.vector_load %arg9[%parallel_loop3A_830] {strides = array<i32>} : memref<10000xi32, #tpu.memory_space<vmem>>, vector<16xi32>,
          %parallel_loop3A_832 = arith.sitofp %parallel_loop3A_831 : vector<16xi32> to vector<16xf32>
          %parallel_loop3A_833 = arith.subf %parallel_loop3A_829, %parallel_loop3A_832 : vector<16xf32>
          %parallel_loop3A_834 = math.absf %parallel_loop3A_833 : vector<16xf32>
          %parallel_loop3A_835 = arith.constant 16 : i32
          %parallel_loop3A_836 = vector.broadcast %parallel_loop3A_835 : i32 to vector<16xi32>
          %parallel_loop3A_837 = arith.muli %parallel_loop3A_831, %parallel_loop3A_836 : vector<16xi32>
          %parallel_loop3A_838 = arith.addi %parallel_loop3A_837, %iota3A : vector<16xi32>
          tpu.vector_store_idx %arg11[%parallel_loop3A_838], %parallel_loop3A_834 {add = true} : memref<256xf32, #tpu.memory_space<vmem>>[vector<16xi32>], vector<16xf32>,
          tpu.vector_store_idx %arg16[%parallel_loop3A_838], %broadcast_in_dim3A_324 {add = true} : memref<256xf32, #tpu.memory_space<vmem>>[vector<16xi32>], vector<16xf32>,
          %parallel_loop3A_839 = arith.constant 2 : i32
          %parallel_loop3A_840 = arith.addi %parallel_loop3A_808, %parallel_loop3A_839 : i32
          %parallel_loop3A_841 = arith.constant 16 : i32
          %parallel_loop3A_842 = arith.muli %parallel_loop3A_840, %parallel_loop3A_841 : i32
          %parallel_loop3A_843 = arith.index_cast %parallel_loop3A_842 : i32 to index
          %parallel_loop3A_844 = tpu.vector_load %arg7[%parallel_loop3A_843] {strides = array<i32>} : memref<10000xf32, #tpu.memory_space<vmem>>, vector<16xf32>,
          %parallel_loop3A_845 = arith.index_cast %parallel_loop3A_842 : i32 to index
          %parallel_loop3A_846 = tpu.vector_load %arg9[%parallel_loop3A_845] {strides = array<i32>} : memref<10000xi32, #tpu.memory_space<vmem>>, vector<16xi32>,
          %parallel_loop3A_847 = arith.sitofp %parallel_loop3A_846 : vector<16xi32> to vector<16xf32>
          %parallel_loop3A_848 = arith.subf %parallel_loop3A_844, %parallel_loop3A_847 : vector<16xf32>
          %parallel_loop3A_849 = math.absf %parallel_loop3A_848 : vector<16xf32>
          %parallel_loop3A_850 = arith.constant 16 : i32
          %parallel_loop3A_851 = vector.broadcast %parallel_loop3A_850 : i32 to vector<16xi32>
          %parallel_loop3A_852 = arith.muli %parallel_loop3A_846, %parallel_loop3A_851 : vector<16xi32>
          %parallel_loop3A_853 = arith.addi %parallel_loop3A_852, %iota3A : vector<16xi32>
          tpu.vector_store_idx %arg12[%parallel_loop3A_853], %parallel_loop3A_849 {add = true} : memref<256xf32, #tpu.memory_space<vmem>>[vector<16xi32>], vector<16xf32>,
          tpu.vector_store_idx %arg17[%parallel_loop3A_853], %broadcast_in_dim3A_324 {add = true} : memref<256xf32, #tpu.memory_space<vmem>>[vector<16xi32>], vector<16xf32>,
          %parallel_loop3A_854 = arith.constant 3 : i32
          %parallel_loop3A_855 = arith.addi %parallel_loop3A_808, %parallel_loop3A_854 : i32
          %parallel_loop3A_856 = arith.constant 16 : i32
          %parallel_loop3A_857 = arith.muli %parallel_loop3A_855, %parallel_loop3A_856 : i32
          %parallel_loop3A_858 = arith.index_cast %parallel_loop3A_857 : i32 to index
          %parallel_loop3A_859 = tpu.vector_load %arg7[%parallel_loop3A_858] {strides = array<i32>} : memref<10000xf32, #tpu.memory_space<vmem>>, vector<16xf32>,
          %parallel_loop3A_860 = arith.index_cast %parallel_loop3A_857 : i32 to index
          %parallel_loop3A_861 = tpu.vector_load %arg9[%parallel_loop3A_860] {strides = array<i32>} : memref<10000xi32, #tpu.memory_space<vmem>>, vector<16xi32>,
          %parallel_loop3A_862 = arith.sitofp %parallel_loop3A_861 : vector<16xi32> to vector<16xf32>
          %parallel_loop3A_863 = arith.subf %parallel_loop3A_859, %parallel_loop3A_862 : vector<16xf32>
          %parallel_loop3A_864 = math.absf %parallel_loop3A_863 : vector<16xf32>
          %parallel_loop3A_865 = arith.constant 16 : i32
          %parallel_loop3A_866 = vector.broadcast %parallel_loop3A_865 : i32 to vector<16xi32>
          %parallel_loop3A_867 = arith.muli %parallel_loop3A_861, %parallel_loop3A_866 : vector<16xi32>
          %parallel_loop3A_868 = arith.addi %parallel_loop3A_867, %iota3A : vector<16xi32>
          tpu.vector_store_idx %arg13[%parallel_loop3A_868], %parallel_loop3A_864 {add = true} : memref<256xf32, #tpu.memory_space<vmem>>[vector<16xi32>], vector<16xf32>,
          tpu.vector_store_idx %arg18[%parallel_loop3A_868], %broadcast_in_dim3A_324 {add = true} : memref<256xf32, #tpu.memory_space<vmem>>[vector<16xi32>], vector<16xf32>,
          %parallel_loop3A_869 = arith.constant 4 : i32
          %parallel_loop3A_870 = arith.addi %parallel_loop3A_808, %parallel_loop3A_869 : i32
          %parallel_loop3A_871 = arith.constant 16 : i32
          %parallel_loop3A_872 = arith.muli %parallel_loop3A_870, %parallel_loop3A_871 : i32
          %parallel_loop3A_873 = arith.index_cast %parallel_loop3A_872 : i32 to index
          %parallel_loop3A_874 = tpu.vector_load %arg7[%parallel_loop3A_873] {strides = array<i32>} : memref<10000xf32, #tpu.memory_space<vmem>>, vector<16xf32>,
          %parallel_loop3A_875 = arith.index_cast %parallel_loop3A_872 : i32 to index
          %parallel_loop3A_876 = tpu.vector_load %arg9[%parallel_loop3A_875] {strides = array<i32>} : memref<10000xi32, #tpu.memory_space<vmem>>, vector<16xi32>,
          %parallel_loop3A_877 = arith.sitofp %parallel_loop3A_876 : vector<16xi32> to vector<16xf32>
          %parallel_loop3A_878 = arith.subf %parallel_loop3A_874, %parallel_loop3A_877 : vector<16xf32>
          %parallel_loop3A_879 = math.absf %parallel_loop3A_878 : vector<16xf32>
          %parallel_loop3A_880 = arith.constant 16 : i32
          %parallel_loop3A_881 = vector.broadcast %parallel_loop3A_880 : i32 to vector<16xi32>
          %parallel_loop3A_882 = arith.muli %parallel_loop3A_876, %parallel_loop3A_881 : vector<16xi32>
          %parallel_loop3A_883 = arith.addi %parallel_loop3A_882, %iota3A : vector<16xi32>
          tpu.vector_store_idx %arg14[%parallel_loop3A_883], %parallel_loop3A_879 {add = true} : memref<256xf32, #tpu.memory_space<vmem>>[vector<16xi32>], vector<16xf32>,
          tpu.vector_store_idx %arg19[%parallel_loop3A_883], %broadcast_in_dim3A_324 {add = true} : memref<256xf32, #tpu.memory_space<vmem>>[vector<16xi32>], vector<16xf32>,
        } {sc.loop_unroll_factor = 5 : i64, sc.parallel_access}
      } else {
      }
    }
    %scan3A_334 = arith.constant 25 : i32
    %broadcast_in_dim3A_335 = arith.constant 0.000000e+00 : f32
    %broadcast_in_dim3A_336 = vector.broadcast %broadcast_in_dim3A_335 : f32 to vector<16xf32>
    %broadcast_in_dim3A_337 = arith.constant 0.000000e+00 : f32
    %broadcast_in_dim3A_338 = vector.broadcast %broadcast_in_dim3A_337 : f32 to vector<16xf32>
    %mul3A_339 = arith.constant 16 : i32
    %mul3A_340 = vector.broadcast %mul3A_339 : i32 to vector<16xi32>
    %mul3A_341 = arith.muli %iota3A, %mul3A_340 : vector<16xi32>
    %add3A_342 = arith.constant 0 : i32
    %add3A_343 = vector.broadcast %add3A_342 : i32 to vector<16xi32>
    %add3A_344 = arith.addi %mul3A_341, %add3A_343 : vector<16xi32>
    %gather3A = tpu.vector_load_idx %arg10[%add3A_344] : memref<256xf32, #tpu.memory_space<vmem>>[vector<16xi32>], vector<16xf32>,
    %add3A_345 = arith.addf %broadcast_in_dim3A_336, %gather3A : vector<16xf32>
    %gather3A_346 = tpu.vector_load_idx %arg11[%add3A_344] : memref<256xf32, #tpu.memory_space<vmem>>[vector<16xi32>], vector<16xf32>,
    %add3A_347 = arith.addf %add3A_345, %gather3A_346 : vector<16xf32>
    %gather3A_348 = tpu.vector_load_idx %arg12[%add3A_344] : memref<256xf32, #tpu.memory_space<vmem>>[vector<16xi32>], vector<16xf32>,
    %add3A_349 = arith.addf %add3A_347, %gather3A_348 : vector<16xf32>
    %gather3A_350 = tpu.vector_load_idx %arg13[%add3A_344] : memref<256xf32, #tpu.memory_space<vmem>>[vector<16xi32>], vector<16xf32>,
    %add3A_351 = arith.addf %add3A_349, %gather3A_350 : vector<16xf32>
    %gather3A_352 = tpu.vector_load_idx %arg14[%add3A_344] : memref<256xf32, #tpu.memory_space<vmem>>[vector<16xi32>], vector<16xf32>,
    %add3A_353 = arith.addf %add3A_351, %gather3A_352 : vector<16xf32>
    %gather3A_354 = tpu.vector_load_idx %arg15[%add3A_344] : memref<256xf32, #tpu.memory_space<vmem>>[vector<16xi32>], vector<16xf32>,
    %add3A_355 = arith.addf %broadcast_in_dim3A_338, %gather3A_354 : vector<16xf32>
    %gather3A_356 = tpu.vector_load_idx %arg16[%add3A_344] : memref<256xf32, #tpu.memory_space<vmem>>[vector<16xi32>], vector<16xf32>,
    %add3A_357 = arith.addf %add3A_355, %gather3A_356 : vector<16xf32>
    %gather3A_358 = tpu.vector_load_idx %arg17[%add3A_344] : memref<256xf32, #tpu.memory_space<vmem>>[vector<16xi32>], vector<16xf32>,
    %add3A_359 = arith.addf %add3A_357, %gather3A_358 : vector<16xf32>
    %gather3A_360 = tpu.vector_load_idx %arg18[%add3A_344] : memref<256xf32, #tpu.memory_space<vmem>>[vector<16xi32>], vector<16xf32>,
    %add3A_361 = arith.addf %add3A_359, %gather3A_360 : vector<16xf32>
    %gather3A_362 = tpu.vector_load_idx %arg19[%add3A_344] : memref<256xf32, #tpu.memory_space<vmem>>[vector<16xi32>], vector<16xf32>,
    %add3A_363 = arith.addf %add3A_361, %gather3A_362 : vector<16xf32>
    %mul3A_364 = arith.constant 16 : i32
    %mul3A_365 = vector.broadcast %mul3A_364 : i32 to vector<16xi32>
    %mul3A_366 = arith.muli %iota3A, %mul3A_365 : vector<16xi32>
    %add3A_367 = arith.constant 1 : i32
    %add3A_368 = vector.broadcast %add3A_367 : i32 to vector<16xi32>
    %add3A_369 = arith.addi %mul3A_366, %add3A_368 : vector<16xi32>
    %gather3A_370 = tpu.vector_load_idx %arg10[%add3A_369] : memref<256xf32, #tpu.memory_space<vmem>>[vector<16xi32>], vector<16xf32>,
    %add3A_371 = arith.addf %add3A_353, %gather3A_370 : vector<16xf32>
    %gather3A_372 = tpu.vector_load_idx %arg11[%add3A_369] : memref<256xf32, #tpu.memory_space<vmem>>[vector<16xi32>], vector<16xf32>,
    %add3A_373 = arith.addf %add3A_371, %gather3A_372 : vector<16xf32>
    %gather3A_374 = tpu.vector_load_idx %arg12[%add3A_369] : memref<256xf32, #tpu.memory_space<vmem>>[vector<16xi32>], vector<16xf32>,
    %add3A_375 = arith.addf %add3A_373, %gather3A_374 : vector<16xf32>
    %gather3A_376 = tpu.vector_load_idx %arg13[%add3A_369] : memref<256xf32, #tpu.memory_space<vmem>>[vector<16xi32>], vector<16xf32>,
    %add3A_377 = arith.addf %add3A_375, %gather3A_376 : vector<16xf32>
    %gather3A_378 = tpu.vector_load_idx %arg14[%add3A_369] : memref<256xf32, #tpu.memory_space<vmem>>[vector<16xi32>], vector<16xf32>,
    %add3A_379 = arith.addf %add3A_377, %gather3A_378 : vector<16xf32>
    %gather3A_380 = tpu.vector_load_idx %arg15[%add3A_369] : memref<256xf32, #tpu.memory_space<vmem>>[vector<16xi32>], vector<16xf32>,
    %add3A_381 = arith.addf %add3A_363, %gather3A_380 : vector<16xf32>
    %gather3A_382 = tpu.vector_load_idx %arg16[%add3A_369] : memref<256xf32, #tpu.memory_space<vmem>>[vector<16xi32>], vector<16xf32>,
    %add3A_383 = arith.addf %add3A_381, %gather3A_382 : vector<16xf32>
    %gather3A_384 = tpu.vector_load_idx %arg17[%add3A_369] : memref<256xf32, #tpu.memory_space<vmem>>[vector<16xi32>], vector<16xf32>,
    %add3A_385 = arith.addf %add3A_383, %gather3A_384 : vector<16xf32>
    %gather3A_386 = tpu.vector_load_idx %arg18[%add3A_369] : memref<256xf32, #tpu.memory_space<vmem>>[vector<16xi32>], vector<16xf32>,
    %add3A_387 = arith.addf %add3A_385, %gather3A_386 : vector<16xf32>
    %gather3A_388 = tpu.vector_load_idx %arg19[%add3A_369] : memref<256xf32, #tpu.memory_space<vmem>>[vector<16xi32>], vector<16xf32>,
    %add3A_389 = arith.addf %add3A_387, %gather3A_388 : vector<16xf32>
    %mul3A_390 = arith.constant 16 : i32
    %mul3A_391 = vector.broadcast %mul3A_390 : i32 to vector<16xi32>
    %mul3A_392 = arith.muli %iota3A, %mul3A_391 : vector<16xi32>
    %add3A_393 = arith.constant 2 : i32
    %add3A_394 = vector.broadcast %add3A_393 : i32 to vector<16xi32>
    %add3A_395 = arith.addi %mul3A_392, %add3A_394 : vector<16xi32>
    %gather3A_396 = tpu.vector_load_idx %arg10[%add3A_395] : memref<256xf32, #tpu.memory_space<vmem>>[vector<16xi32>], vector<16xf32>,
    %add3A_397 = arith.addf %add3A_379, %gather3A_396 : vector<16xf32>
    %gather3A_398 = tpu.vector_load_idx %arg11[%add3A_395] : memref<256xf32, #tpu.memory_space<vmem>>[vector<16xi32>], vector<16xf32>,
    %add3A_399 = arith.addf %add3A_397, %gather3A_398 : vector<16xf32>
    %gather3A_400 = tpu.vector_load_idx %arg12[%add3A_395] : memref<256xf32, #tpu.memory_space<vmem>>[vector<16xi32>], vector<16xf32>,
    %add3A_401 = arith.addf %add3A_399, %gather3A_400 : vector<16xf32>
    %gather3A_402 = tpu.vector_load_idx %arg13[%add3A_395] : memref<256xf32, #tpu.memory_space<vmem>>[vector<16xi32>], vector<16xf32>,
    %add3A_403 = arith.addf %add3A_401, %gather3A_402 : vector<16xf32>
    %gather3A_404 = tpu.vector_load_idx %arg14[%add3A_395] : memref<256xf32, #tpu.memory_space<vmem>>[vector<16xi32>], vector<16xf32>,
    %add3A_405 = arith.addf %add3A_403, %gather3A_404 : vector<16xf32>
    %gather3A_406 = tpu.vector_load_idx %arg15[%add3A_395] : memref<256xf32, #tpu.memory_space<vmem>>[vector<16xi32>], vector<16xf32>,
    %add3A_407 = arith.addf %add3A_389, %gather3A_406 : vector<16xf32>
    %gather3A_408 = tpu.vector_load_idx %arg16[%add3A_395] : memref<256xf32, #tpu.memory_space<vmem>>[vector<16xi32>], vector<16xf32>,
    %add3A_409 = arith.addf %add3A_407, %gather3A_408 : vector<16xf32>
    %gather3A_410 = tpu.vector_load_idx %arg17[%add3A_395] : memref<256xf32, #tpu.memory_space<vmem>>[vector<16xi32>], vector<16xf32>,
    %add3A_411 = arith.addf %add3A_409, %gather3A_410 : vector<16xf32>
    %gather3A_412 = tpu.vector_load_idx %arg18[%add3A_395] : memref<256xf32, #tpu.memory_space<vmem>>[vector<16xi32>], vector<16xf32>,
    %add3A_413 = arith.addf %add3A_411, %gather3A_412 : vector<16xf32>
    %gather3A_414 = tpu.vector_load_idx %arg19[%add3A_395] : memref<256xf32, #tpu.memory_space<vmem>>[vector<16xi32>], vector<16xf32>,
    %add3A_415 = arith.addf %add3A_413, %gather3A_414 : vector<16xf32>
    %mul3A_416 = arith.constant 16 : i32
    %mul3A_417 = vector.broadcast %mul3A_416 : i32 to vector<16xi32>
    %mul3A_418 = arith.muli %iota3A, %mul3A_417 : vector<16xi32>
    %add3A_419 = arith.constant 3 : i32
    %add3A_420 = vector.broadcast %add3A_419 : i32 to vector<16xi32>
    %add3A_421 = arith.addi %mul3A_418, %add3A_420 : vector<16xi32>
    %gather3A_422 = tpu.vector_load_idx %arg10[%add3A_421] : memref<256xf32, #tpu.memory_space<vmem>>[vector<16xi32>], vector<16xf32>,
    %add3A_423 = arith.addf %add3A_405, %gather3A_422 : vector<16xf32>
    %gather3A_424 = tpu.vector_load_idx %arg11[%add3A_421] : memref<256xf32, #tpu.memory_space<vmem>>[vector<16xi32>], vector<16xf32>,
    %add3A_425 = arith.addf %add3A_423, %gather3A_424 : vector<16xf32>
    %gather3A_426 = tpu.vector_load_idx %arg12[%add3A_421] : memref<256xf32, #tpu.memory_space<vmem>>[vector<16xi32>], vector<16xf32>,
    %add3A_427 = arith.addf %add3A_425, %gather3A_426 : vector<16xf32>
    %gather3A_428 = tpu.vector_load_idx %arg13[%add3A_421] : memref<256xf32, #tpu.memory_space<vmem>>[vector<16xi32>], vector<16xf32>,
    %add3A_429 = arith.addf %add3A_427, %gather3A_428 : vector<16xf32>
    %gather3A_430 = tpu.vector_load_idx %arg14[%add3A_421] : memref<256xf32, #tpu.memory_space<vmem>>[vector<16xi32>], vector<16xf32>,
    %add3A_431 = arith.addf %add3A_429, %gather3A_430 : vector<16xf32>
    %gather3A_432 = tpu.vector_load_idx %arg15[%add3A_421] : memref<256xf32, #tpu.memory_space<vmem>>[vector<16xi32>], vector<16xf32>,
    %add3A_433 = arith.addf %add3A_415, %gather3A_432 : vector<16xf32>
    %gather3A_434 = tpu.vector_load_idx %arg16[%add3A_421] : memref<256xf32, #tpu.memory_space<vmem>>[vector<16xi32>], vector<16xf32>,
    %add3A_435 = arith.addf %add3A_433, %gather3A_434 : vector<16xf32>
    %gather3A_436 = tpu.vector_load_idx %arg17[%add3A_421] : memref<256xf32, #tpu.memory_space<vmem>>[vector<16xi32>], vector<16xf32>,
    %add3A_437 = arith.addf %add3A_435, %gather3A_436 : vector<16xf32>
    %gather3A_438 = tpu.vector_load_idx %arg18[%add3A_421] : memref<256xf32, #tpu.memory_space<vmem>>[vector<16xi32>], vector<16xf32>,
    %add3A_439 = arith.addf %add3A_437, %gather3A_438 : vector<16xf32>
    %gather3A_440 = tpu.vector_load_idx %arg19[%add3A_421] : memref<256xf32, #tpu.memory_space<vmem>>[vector<16xi32>], vector<16xf32>,
    %add3A_441 = arith.addf %add3A_439, %gather3A_440 : vector<16xf32>
    %mul3A_442 = arith.constant 16 : i32
    %mul3A_443 = vector.broadcast %mul3A_442 : i32 to vector<16xi32>
    %mul3A_444 = arith.muli %iota3A, %mul3A_443 : vector<16xi32>
    %add3A_445 = arith.constant 4 : i32
    %add3A_446 = vector.broadcast %add3A_445 : i32 to vector<16xi32>
    %add3A_447 = arith.addi %mul3A_444, %add3A_446 : vector<16xi32>
    %gather3A_448 = tpu.vector_load_idx %arg10[%add3A_447] : memref<256xf32, #tpu.memory_space<vmem>>[vector<16xi32>], vector<16xf32>,
    %add3A_449 = arith.addf %add3A_431, %gather3A_448 : vector<16xf32>
    %gather3A_450 = tpu.vector_load_idx %arg11[%add3A_447] : memref<256xf32, #tpu.memory_space<vmem>>[vector<16xi32>], vector<16xf32>,
    %add3A_451 = arith.addf %add3A_449, %gather3A_450 : vector<16xf32>
    %gather3A_452 = tpu.vector_load_idx %arg12[%add3A_447] : memref<256xf32, #tpu.memory_space<vmem>>[vector<16xi32>], vector<16xf32>,
    %add3A_453 = arith.addf %add3A_451, %gather3A_452 : vector<16xf32>
    %gather3A_454 = tpu.vector_load_idx %arg13[%add3A_447] : memref<256xf32, #tpu.memory_space<vmem>>[vector<16xi32>], vector<16xf32>,
    %add3A_455 = arith.addf %add3A_453, %gather3A_454 : vector<16xf32>
    %gather3A_456 = tpu.vector_load_idx %arg14[%add3A_447] : memref<256xf32, #tpu.memory_space<vmem>>[vector<16xi32>], vector<16xf32>,
    %add3A_457 = arith.addf %add3A_455, %gather3A_456 : vector<16xf32>
    %gather3A_458 = tpu.vector_load_idx %arg15[%add3A_447] : memref<256xf32, #tpu.memory_space<vmem>>[vector<16xi32>], vector<16xf32>,
    %add3A_459 = arith.addf %add3A_441, %gather3A_458 : vector<16xf32>
    %gather3A_460 = tpu.vector_load_idx %arg16[%add3A_447] : memref<256xf32, #tpu.memory_space<vmem>>[vector<16xi32>], vector<16xf32>,
    %add3A_461 = arith.addf %add3A_459, %gather3A_460 : vector<16xf32>
    %gather3A_462 = tpu.vector_load_idx %arg17[%add3A_447] : memref<256xf32, #tpu.memory_space<vmem>>[vector<16xi32>], vector<16xf32>,
    %add3A_463 = arith.addf %add3A_461, %gather3A_462 : vector<16xf32>
    %gather3A_464 = tpu.vector_load_idx %arg18[%add3A_447] : memref<256xf32, #tpu.memory_space<vmem>>[vector<16xi32>], vector<16xf32>,
    %add3A_465 = arith.addf %add3A_463, %gather3A_464 : vector<16xf32>
    %gather3A_466 = tpu.vector_load_idx %arg19[%add3A_447] : memref<256xf32, #tpu.memory_space<vmem>>[vector<16xi32>], vector<16xf32>,
    %add3A_467 = arith.addf %add3A_465, %gather3A_466 : vector<16xf32>
    %mul3A_468 = arith.constant 16 : i32
    %mul3A_469 = vector.broadcast %mul3A_468 : i32 to vector<16xi32>
    %mul3A_470 = arith.muli %iota3A, %mul3A_469 : vector<16xi32>
    %add3A_471 = arith.constant 5 : i32
    %add3A_472 = vector.broadcast %add3A_471 : i32 to vector<16xi32>
    %add3A_473 = arith.addi %mul3A_470, %add3A_472 : vector<16xi32>
    %gather3A_474 = tpu.vector_load_idx %arg10[%add3A_473] : memref<256xf32, #tpu.memory_space<vmem>>[vector<16xi32>], vector<16xf32>,
    %add3A_475 = arith.addf %add3A_457, %gather3A_474 : vector<16xf32>
    %gather3A_476 = tpu.vector_load_idx %arg11[%add3A_473] : memref<256xf32, #tpu.memory_space<vmem>>[vector<16xi32>], vector<16xf32>,
    %add3A_477 = arith.addf %add3A_475, %gather3A_476 : vector<16xf32>
    %gather3A_478 = tpu.vector_load_idx %arg12[%add3A_473] : memref<256xf32, #tpu.memory_space<vmem>>[vector<16xi32>], vector<16xf32>,
    %add3A_479 = arith.addf %add3A_477, %gather3A_478 : vector<16xf32>
    %gather3A_480 = tpu.vector_load_idx %arg13[%add3A_473] : memref<256xf32, #tpu.memory_space<vmem>>[vector<16xi32>], vector<16xf32>,
    %add3A_481 = arith.addf %add3A_479, %gather3A_480 : vector<16xf32>
    %gather3A_482 = tpu.vector_load_idx %arg14[%add3A_473] : memref<256xf32, #tpu.memory_space<vmem>>[vector<16xi32>], vector<16xf32>,
    %add3A_483 = arith.addf %add3A_481, %gather3A_482 : vector<16xf32>
    %gather3A_484 = tpu.vector_load_idx %arg15[%add3A_473] : memref<256xf32, #tpu.memory_space<vmem>>[vector<16xi32>], vector<16xf32>,
    %add3A_485 = arith.addf %add3A_467, %gather3A_484 : vector<16xf32>
    %gather3A_486 = tpu.vector_load_idx %arg16[%add3A_473] : memref<256xf32, #tpu.memory_space<vmem>>[vector<16xi32>], vector<16xf32>,
    %add3A_487 = arith.addf %add3A_485, %gather3A_486 : vector<16xf32>
    %gather3A_488 = tpu.vector_load_idx %arg17[%add3A_473] : memref<256xf32, #tpu.memory_space<vmem>>[vector<16xi32>], vector<16xf32>,
    %add3A_489 = arith.addf %add3A_487, %gather3A_488 : vector<16xf32>
    %gather3A_490 = tpu.vector_load_idx %arg18[%add3A_473] : memref<256xf32, #tpu.memory_space<vmem>>[vector<16xi32>], vector<16xf32>,
    %add3A_491 = arith.addf %add3A_489, %gather3A_490 : vector<16xf32>
    %gather3A_492 = tpu.vector_load_idx %arg19[%add3A_473] : memref<256xf32, #tpu.memory_space<vmem>>[vector<16xi32>], vector<16xf32>,
    %add3A_493 = arith.addf %add3A_491, %gather3A_492 : vector<16xf32>
    %mul3A_494 = arith.constant 16 : i32
    %mul3A_495 = vector.broadcast %mul3A_494 : i32 to vector<16xi32>
    %mul3A_496 = arith.muli %iota3A, %mul3A_495 : vector<16xi32>
    %add3A_497 = arith.constant 6 : i32
    %add3A_498 = vector.broadcast %add3A_497 : i32 to vector<16xi32>
    %add3A_499 = arith.addi %mul3A_496, %add3A_498 : vector<16xi32>
    %gather3A_500 = tpu.vector_load_idx %arg10[%add3A_499] : memref<256xf32, #tpu.memory_space<vmem>>[vector<16xi32>], vector<16xf32>,
    %add3A_501 = arith.addf %add3A_483, %gather3A_500 : vector<16xf32>
    %gather3A_502 = tpu.vector_load_idx %arg11[%add3A_499] : memref<256xf32, #tpu.memory_space<vmem>>[vector<16xi32>], vector<16xf32>,
    %add3A_503 = arith.addf %add3A_501, %gather3A_502 : vector<16xf32>
    %gather3A_504 = tpu.vector_load_idx %arg12[%add3A_499] : memref<256xf32, #tpu.memory_space<vmem>>[vector<16xi32>], vector<16xf32>,
    %add3A_505 = arith.addf %add3A_503, %gather3A_504 : vector<16xf32>
    %gather3A_506 = tpu.vector_load_idx %arg13[%add3A_499] : memref<256xf32, #tpu.memory_space<vmem>>[vector<16xi32>], vector<16xf32>,
    %add3A_507 = arith.addf %add3A_505, %gather3A_506 : vector<16xf32>
    %gather3A_508 = tpu.vector_load_idx %arg14[%add3A_499] : memref<256xf32, #tpu.memory_space<vmem>>[vector<16xi32>], vector<16xf32>,
    %add3A_509 = arith.addf %add3A_507, %gather3A_508 : vector<16xf32>
    %gather3A_510 = tpu.vector_load_idx %arg15[%add3A_499] : memref<256xf32, #tpu.memory_space<vmem>>[vector<16xi32>], vector<16xf32>,
    %add3A_511 = arith.addf %add3A_493, %gather3A_510 : vector<16xf32>
    %gather3A_512 = tpu.vector_load_idx %arg16[%add3A_499] : memref<256xf32, #tpu.memory_space<vmem>>[vector<16xi32>], vector<16xf32>,
    %add3A_513 = arith.addf %add3A_511, %gather3A_512 : vector<16xf32>
    %gather3A_514 = tpu.vector_load_idx %arg17[%add3A_499] : memref<256xf32, #tpu.memory_space<vmem>>[vector<16xi32>], vector<16xf32>,
    %add3A_515 = arith.addf %add3A_513, %gather3A_514 : vector<16xf32>
    %gather3A_516 = tpu.vector_load_idx %arg18[%add3A_499] : memref<256xf32, #tpu.memory_space<vmem>>[vector<16xi32>], vector<16xf32>,
    %add3A_517 = arith.addf %add3A_515, %gather3A_516 : vector<16xf32>
    %gather3A_518 = tpu.vector_load_idx %arg19[%add3A_499] : memref<256xf32, #tpu.memory_space<vmem>>[vector<16xi32>], vector<16xf32>,
    %add3A_519 = arith.addf %add3A_517, %gather3A_518 : vector<16xf32>
    %mul3A_520 = arith.constant 16 : i32
    %mul3A_521 = vector.broadcast %mul3A_520 : i32 to vector<16xi32>
    %mul3A_522 = arith.muli %iota3A, %mul3A_521 : vector<16xi32>
    %add3A_523 = arith.constant 7 : i32
    %add3A_524 = vector.broadcast %add3A_523 : i32 to vector<16xi32>
    %add3A_525 = arith.addi %mul3A_522, %add3A_524 : vector<16xi32>
    %gather3A_526 = tpu.vector_load_idx %arg10[%add3A_525] : memref<256xf32, #tpu.memory_space<vmem>>[vector<16xi32>], vector<16xf32>,
    %add3A_527 = arith.addf %add3A_509, %gather3A_526 : vector<16xf32>
    %gather3A_528 = tpu.vector_load_idx %arg11[%add3A_525] : memref<256xf32, #tpu.memory_space<vmem>>[vector<16xi32>], vector<16xf32>,
    %add3A_529 = arith.addf %add3A_527, %gather3A_528 : vector<16xf32>
    %gather3A_530 = tpu.vector_load_idx %arg12[%add3A_525] : memref<256xf32, #tpu.memory_space<vmem>>[vector<16xi32>], vector<16xf32>,
    %add3A_531 = arith.addf %add3A_529, %gather3A_530 : vector<16xf32>
    %gather3A_532 = tpu.vector_load_idx %arg13[%add3A_525] : memref<256xf32, #tpu.memory_space<vmem>>[vector<16xi32>], vector<16xf32>,
    %add3A_533 = arith.addf %add3A_531, %gather3A_532 : vector<16xf32>
    %gather3A_534 = tpu.vector_load_idx %arg14[%add3A_525] : memref<256xf32, #tpu.memory_space<vmem>>[vector<16xi32>], vector<16xf32>,
    %add3A_535 = arith.addf %add3A_533, %gather3A_534 : vector<16xf32>
    %gather3A_536 = tpu.vector_load_idx %arg15[%add3A_525] : memref<256xf32, #tpu.memory_space<vmem>>[vector<16xi32>], vector<16xf32>,
    %add3A_537 = arith.addf %add3A_519, %gather3A_536 : vector<16xf32>
    %gather3A_538 = tpu.vector_load_idx %arg16[%add3A_525] : memref<256xf32, #tpu.memory_space<vmem>>[vector<16xi32>], vector<16xf32>,
    %add3A_539 = arith.addf %add3A_537, %gather3A_538 : vector<16xf32>
    %gather3A_540 = tpu.vector_load_idx %arg17[%add3A_525] : memref<256xf32, #tpu.memory_space<vmem>>[vector<16xi32>], vector<16xf32>,
    %add3A_541 = arith.addf %add3A_539, %gather3A_540 : vector<16xf32>
    %gather3A_542 = tpu.vector_load_idx %arg18[%add3A_525] : memref<256xf32, #tpu.memory_space<vmem>>[vector<16xi32>], vector<16xf32>,
    %add3A_543 = arith.addf %add3A_541, %gather3A_542 : vector<16xf32>
    %gather3A_544 = tpu.vector_load_idx %arg19[%add3A_525] : memref<256xf32, #tpu.memory_space<vmem>>[vector<16xi32>], vector<16xf32>,
    %add3A_545 = arith.addf %add3A_543, %gather3A_544 : vector<16xf32>
    %mul3A_546 = arith.constant 16 : i32
    %mul3A_547 = vector.broadcast %mul3A_546 : i32 to vector<16xi32>
    %mul3A_548 = arith.muli %iota3A, %mul3A_547 : vector<16xi32>
    %add3A_549 = arith.constant 8 : i32
    %add3A_550 = vector.broadcast %add3A_549 : i32 to vector<16xi32>
    %add3A_551 = arith.addi %mul3A_548, %add3A_550 : vector<16xi32>
    %gather3A_552 = tpu.vector_load_idx %arg10[%add3A_551] : memref<256xf32, #tpu.memory_space<vmem>>[vector<16xi32>], vector<16xf32>,
    %add3A_553 = arith.addf %add3A_535, %gather3A_552 : vector<16xf32>
    %gather3A_554 = tpu.vector_load_idx %arg11[%add3A_551] : memref<256xf32, #tpu.memory_space<vmem>>[vector<16xi32>], vector<16xf32>,
    %add3A_555 = arith.addf %add3A_553, %gather3A_554 : vector<16xf32>
    %gather3A_556 = tpu.vector_load_idx %arg12[%add3A_551] : memref<256xf32, #tpu.memory_space<vmem>>[vector<16xi32>], vector<16xf32>,
    %add3A_557 = arith.addf %add3A_555, %gather3A_556 : vector<16xf32>
    %gather3A_558 = tpu.vector_load_idx %arg13[%add3A_551] : memref<256xf32, #tpu.memory_space<vmem>>[vector<16xi32>], vector<16xf32>,
    %add3A_559 = arith.addf %add3A_557, %gather3A_558 : vector<16xf32>
    %gather3A_560 = tpu.vector_load_idx %arg14[%add3A_551] : memref<256xf32, #tpu.memory_space<vmem>>[vector<16xi32>], vector<16xf32>,
    %add3A_561 = arith.addf %add3A_559, %gather3A_560 : vector<16xf32>
    %gather3A_562 = tpu.vector_load_idx %arg15[%add3A_551] : memref<256xf32, #tpu.memory_space<vmem>>[vector<16xi32>], vector<16xf32>,
    %add3A_563 = arith.addf %add3A_545, %gather3A_562 : vector<16xf32>
    %gather3A_564 = tpu.vector_load_idx %arg16[%add3A_551] : memref<256xf32, #tpu.memory_space<vmem>>[vector<16xi32>], vector<16xf32>,
    %add3A_565 = arith.addf %add3A_563, %gather3A_564 : vector<16xf32>
    %gather3A_566 = tpu.vector_load_idx %arg17[%add3A_551] : memref<256xf32, #tpu.memory_space<vmem>>[vector<16xi32>], vector<16xf32>,
    %add3A_567 = arith.addf %add3A_565, %gather3A_566 : vector<16xf32>
    %gather3A_568 = tpu.vector_load_idx %arg18[%add3A_551] : memref<256xf32, #tpu.memory_space<vmem>>[vector<16xi32>], vector<16xf32>,
    %add3A_569 = arith.addf %add3A_567, %gather3A_568 : vector<16xf32>
    %gather3A_570 = tpu.vector_load_idx %arg19[%add3A_551] : memref<256xf32, #tpu.memory_space<vmem>>[vector<16xi32>], vector<16xf32>,
    %add3A_571 = arith.addf %add3A_569, %gather3A_570 : vector<16xf32>
    %mul3A_572 = arith.constant 16 : i32
    %mul3A_573 = vector.broadcast %mul3A_572 : i32 to vector<16xi32>
    %mul3A_574 = arith.muli %iota3A, %mul3A_573 : vector<16xi32>
    %add3A_575 = arith.constant 9 : i32
    %add3A_576 = vector.broadcast %add3A_575 : i32 to vector<16xi32>
    %add3A_577 = arith.addi %mul3A_574, %add3A_576 : vector<16xi32>
    %gather3A_578 = tpu.vector_load_idx %arg10[%add3A_577] : memref<256xf32, #tpu.memory_space<vmem>>[vector<16xi32>], vector<16xf32>,
    %add3A_579 = arith.addf %add3A_561, %gather3A_578 : vector<16xf32>
    %gather3A_580 = tpu.vector_load_idx %arg11[%add3A_577] : memref<256xf32, #tpu.memory_space<vmem>>[vector<16xi32>], vector<16xf32>,
    %add3A_581 = arith.addf %add3A_579, %gather3A_580 : vector<16xf32>
    %gather3A_582 = tpu.vector_load_idx %arg12[%add3A_577] : memref<256xf32, #tpu.memory_space<vmem>>[vector<16xi32>], vector<16xf32>,
    %add3A_583 = arith.addf %add3A_581, %gather3A_582 : vector<16xf32>
    %gather3A_584 = tpu.vector_load_idx %arg13[%add3A_577] : memref<256xf32, #tpu.memory_space<vmem>>[vector<16xi32>], vector<16xf32>,
    %add3A_585 = arith.addf %add3A_583, %gather3A_584 : vector<16xf32>
    %gather3A_586 = tpu.vector_load_idx %arg14[%add3A_577] : memref<256xf32, #tpu.memory_space<vmem>>[vector<16xi32>], vector<16xf32>,
    %add3A_587 = arith.addf %add3A_585, %gather3A_586 : vector<16xf32>
    %gather3A_588 = tpu.vector_load_idx %arg15[%add3A_577] : memref<256xf32, #tpu.memory_space<vmem>>[vector<16xi32>], vector<16xf32>,
    %add3A_589 = arith.addf %add3A_571, %gather3A_588 : vector<16xf32>
    %gather3A_590 = tpu.vector_load_idx %arg16[%add3A_577] : memref<256xf32, #tpu.memory_space<vmem>>[vector<16xi32>], vector<16xf32>,
    %add3A_591 = arith.addf %add3A_589, %gather3A_590 : vector<16xf32>
    %gather3A_592 = tpu.vector_load_idx %arg17[%add3A_577] : memref<256xf32, #tpu.memory_space<vmem>>[vector<16xi32>], vector<16xf32>,
    %add3A_593 = arith.addf %add3A_591, %gather3A_592 : vector<16xf32>
    %gather3A_594 = tpu.vector_load_idx %arg18[%add3A_577] : memref<256xf32, #tpu.memory_space<vmem>>[vector<16xi32>], vector<16xf32>,
    %add3A_595 = arith.addf %add3A_593, %gather3A_594 : vector<16xf32>
    %gather3A_596 = tpu.vector_load_idx %arg19[%add3A_577] : memref<256xf32, #tpu.memory_space<vmem>>[vector<16xi32>], vector<16xf32>,
    %add3A_597 = arith.addf %add3A_595, %gather3A_596 : vector<16xf32>
    %mul3A_598 = arith.constant 16 : i32
    %mul3A_599 = vector.broadcast %mul3A_598 : i32 to vector<16xi32>
    %mul3A_600 = arith.muli %iota3A, %mul3A_599 : vector<16xi32>
    %add3A_601 = arith.constant 10 : i32
    %add3A_602 = vector.broadcast %add3A_601 : i32 to vector<16xi32>
    %add3A_603 = arith.addi %mul3A_600, %add3A_602 : vector<16xi32>
    %gather3A_604 = tpu.vector_load_idx %arg10[%add3A_603] : memref<256xf32, #tpu.memory_space<vmem>>[vector<16xi32>], vector<16xf32>,
    %add3A_605 = arith.addf %add3A_587, %gather3A_604 : vector<16xf32>
    %gather3A_606 = tpu.vector_load_idx %arg11[%add3A_603] : memref<256xf32, #tpu.memory_space<vmem>>[vector<16xi32>], vector<16xf32>,
    %add3A_607 = arith.addf %add3A_605, %gather3A_606 : vector<16xf32>
    %gather3A_608 = tpu.vector_load_idx %arg12[%add3A_603] : memref<256xf32, #tpu.memory_space<vmem>>[vector<16xi32>], vector<16xf32>,
    %add3A_609 = arith.addf %add3A_607, %gather3A_608 : vector<16xf32>
    %gather3A_610 = tpu.vector_load_idx %arg13[%add3A_603] : memref<256xf32, #tpu.memory_space<vmem>>[vector<16xi32>], vector<16xf32>,
    %add3A_611 = arith.addf %add3A_609, %gather3A_610 : vector<16xf32>
    %gather3A_612 = tpu.vector_load_idx %arg14[%add3A_603] : memref<256xf32, #tpu.memory_space<vmem>>[vector<16xi32>], vector<16xf32>,
    %add3A_613 = arith.addf %add3A_611, %gather3A_612 : vector<16xf32>
    %gather3A_614 = tpu.vector_load_idx %arg15[%add3A_603] : memref<256xf32, #tpu.memory_space<vmem>>[vector<16xi32>], vector<16xf32>,
    %add3A_615 = arith.addf %add3A_597, %gather3A_614 : vector<16xf32>
    %gather3A_616 = tpu.vector_load_idx %arg16[%add3A_603] : memref<256xf32, #tpu.memory_space<vmem>>[vector<16xi32>], vector<16xf32>,
    %add3A_617 = arith.addf %add3A_615, %gather3A_616 : vector<16xf32>
    %gather3A_618 = tpu.vector_load_idx %arg17[%add3A_603] : memref<256xf32, #tpu.memory_space<vmem>>[vector<16xi32>], vector<16xf32>,
    %add3A_619 = arith.addf %add3A_617, %gather3A_618 : vector<16xf32>
    %gather3A_620 = tpu.vector_load_idx %arg18[%add3A_603] : memref<256xf32, #tpu.memory_space<vmem>>[vector<16xi32>], vector<16xf32>,
    %add3A_621 = arith.addf %add3A_619, %gather3A_620 : vector<16xf32>
    %gather3A_622 = tpu.vector_load_idx %arg19[%add3A_603] : memref<256xf32, #tpu.memory_space<vmem>>[vector<16xi32>], vector<16xf32>,
    %add3A_623 = arith.addf %add3A_621, %gather3A_622 : vector<16xf32>
    %mul3A_624 = arith.constant 16 : i32
    %mul3A_625 = vector.broadcast %mul3A_624 : i32 to vector<16xi32>
    %mul3A_626 = arith.muli %iota3A, %mul3A_625 : vector<16xi32>
    %add3A_627 = arith.constant 11 : i32
    %add3A_628 = vector.broadcast %add3A_627 : i32 to vector<16xi32>
    %add3A_629 = arith.addi %mul3A_626, %add3A_628 : vector<16xi32>
    %gather3A_630 = tpu.vector_load_idx %arg10[%add3A_629] : memref<256xf32, #tpu.memory_space<vmem>>[vector<16xi32>], vector<16xf32>,
    %add3A_631 = arith.addf %add3A_613, %gather3A_630 : vector<16xf32>
    %gather3A_632 = tpu.vector_load_idx %arg11[%add3A_629] : memref<256xf32, #tpu.memory_space<vmem>>[vector<16xi32>], vector<16xf32>,
    %add3A_633 = arith.addf %add3A_631, %gather3A_632 : vector<16xf32>
    %gather3A_634 = tpu.vector_load_idx %arg12[%add3A_629] : memref<256xf32, #tpu.memory_space<vmem>>[vector<16xi32>], vector<16xf32>,
    %add3A_635 = arith.addf %add3A_633, %gather3A_634 : vector<16xf32>
    %gather3A_636 = tpu.vector_load_idx %arg13[%add3A_629] : memref<256xf32, #tpu.memory_space<vmem>>[vector<16xi32>], vector<16xf32>,
    %add3A_637 = arith.addf %add3A_635, %gather3A_636 : vector<16xf32>
    %gather3A_638 = tpu.vector_load_idx %arg14[%add3A_629] : memref<256xf32, #tpu.memory_space<vmem>>[vector<16xi32>], vector<16xf32>,
    %add3A_639 = arith.addf %add3A_637, %gather3A_638 : vector<16xf32>
    %gather3A_640 = tpu.vector_load_idx %arg15[%add3A_629] : memref<256xf32, #tpu.memory_space<vmem>>[vector<16xi32>], vector<16xf32>,
    %add3A_641 = arith.addf %add3A_623, %gather3A_640 : vector<16xf32>
    %gather3A_642 = tpu.vector_load_idx %arg16[%add3A_629] : memref<256xf32, #tpu.memory_space<vmem>>[vector<16xi32>], vector<16xf32>,
    %add3A_643 = arith.addf %add3A_641, %gather3A_642 : vector<16xf32>
    %gather3A_644 = tpu.vector_load_idx %arg17[%add3A_629] : memref<256xf32, #tpu.memory_space<vmem>>[vector<16xi32>], vector<16xf32>,
    %add3A_645 = arith.addf %add3A_643, %gather3A_644 : vector<16xf32>
    %gather3A_646 = tpu.vector_load_idx %arg18[%add3A_629] : memref<256xf32, #tpu.memory_space<vmem>>[vector<16xi32>], vector<16xf32>,
    %add3A_647 = arith.addf %add3A_645, %gather3A_646 : vector<16xf32>
    %gather3A_648 = tpu.vector_load_idx %arg19[%add3A_629] : memref<256xf32, #tpu.memory_space<vmem>>[vector<16xi32>], vector<16xf32>,
    %add3A_649 = arith.addf %add3A_647, %gather3A_648 : vector<16xf32>
    %mul3A_650 = arith.constant 16 : i32
    %mul3A_651 = vector.broadcast %mul3A_650 : i32 to vector<16xi32>
    %mul3A_652 = arith.muli %iota3A, %mul3A_651 : vector<16xi32>
    %add3A_653 = arith.constant 12 : i32
    %add3A_654 = vector.broadcast %add3A_653 : i32 to vector<16xi32>
    %add3A_655 = arith.addi %mul3A_652, %add3A_654 : vector<16xi32>
    %gather3A_656 = tpu.vector_load_idx %arg10[%add3A_655] : memref<256xf32, #tpu.memory_space<vmem>>[vector<16xi32>], vector<16xf32>,
    %add3A_657 = arith.addf %add3A_639, %gather3A_656 : vector<16xf32>
    %gather3A_658 = tpu.vector_load_idx %arg11[%add3A_655] : memref<256xf32, #tpu.memory_space<vmem>>[vector<16xi32>], vector<16xf32>,
    %add3A_659 = arith.addf %add3A_657, %gather3A_658 : vector<16xf32>
    %gather3A_660 = tpu.vector_load_idx %arg12[%add3A_655] : memref<256xf32, #tpu.memory_space<vmem>>[vector<16xi32>], vector<16xf32>,
    %add3A_661 = arith.addf %add3A_659, %gather3A_660 : vector<16xf32>
    %gather3A_662 = tpu.vector_load_idx %arg13[%add3A_655] : memref<256xf32, #tpu.memory_space<vmem>>[vector<16xi32>], vector<16xf32>,
    %add3A_663 = arith.addf %add3A_661, %gather3A_662 : vector<16xf32>
    %gather3A_664 = tpu.vector_load_idx %arg14[%add3A_655] : memref<256xf32, #tpu.memory_space<vmem>>[vector<16xi32>], vector<16xf32>,
    %add3A_665 = arith.addf %add3A_663, %gather3A_664 : vector<16xf32>
    %gather3A_666 = tpu.vector_load_idx %arg15[%add3A_655] : memref<256xf32, #tpu.memory_space<vmem>>[vector<16xi32>], vector<16xf32>,
    %add3A_667 = arith.addf %add3A_649, %gather3A_666 : vector<16xf32>
    %gather3A_668 = tpu.vector_load_idx %arg16[%add3A_655] : memref<256xf32, #tpu.memory_space<vmem>>[vector<16xi32>], vector<16xf32>,
    %add3A_669 = arith.addf %add3A_667, %gather3A_668 : vector<16xf32>
    %gather3A_670 = tpu.vector_load_idx %arg17[%add3A_655] : memref<256xf32, #tpu.memory_space<vmem>>[vector<16xi32>], vector<16xf32>,
    %add3A_671 = arith.addf %add3A_669, %gather3A_670 : vector<16xf32>
    %gather3A_672 = tpu.vector_load_idx %arg18[%add3A_655] : memref<256xf32, #tpu.memory_space<vmem>>[vector<16xi32>], vector<16xf32>,
    %add3A_673 = arith.addf %add3A_671, %gather3A_672 : vector<16xf32>
    %gather3A_674 = tpu.vector_load_idx %arg19[%add3A_655] : memref<256xf32, #tpu.memory_space<vmem>>[vector<16xi32>], vector<16xf32>,
    %add3A_675 = arith.addf %add3A_673, %gather3A_674 : vector<16xf32>
    %mul3A_676 = arith.constant 16 : i32
    %mul3A_677 = vector.broadcast %mul3A_676 : i32 to vector<16xi32>
    %mul3A_678 = arith.muli %iota3A, %mul3A_677 : vector<16xi32>
    %add3A_679 = arith.constant 13 : i32
    %add3A_680 = vector.broadcast %add3A_679 : i32 to vector<16xi32>
    %add3A_681 = arith.addi %mul3A_678, %add3A_680 : vector<16xi32>
    %gather3A_682 = tpu.vector_load_idx %arg10[%add3A_681] : memref<256xf32, #tpu.memory_space<vmem>>[vector<16xi32>], vector<16xf32>,
    %add3A_683 = arith.addf %add3A_665, %gather3A_682 : vector<16xf32>
    %gather3A_684 = tpu.vector_load_idx %arg11[%add3A_681] : memref<256xf32, #tpu.memory_space<vmem>>[vector<16xi32>], vector<16xf32>,
    %add3A_685 = arith.addf %add3A_683, %gather3A_684 : vector<16xf32>
    %gather3A_686 = tpu.vector_load_idx %arg12[%add3A_681] : memref<256xf32, #tpu.memory_space<vmem>>[vector<16xi32>], vector<16xf32>,
    %add3A_687 = arith.addf %add3A_685, %gather3A_686 : vector<16xf32>
    %gather3A_688 = tpu.vector_load_idx %arg13[%add3A_681] : memref<256xf32, #tpu.memory_space<vmem>>[vector<16xi32>], vector<16xf32>,
    %add3A_689 = arith.addf %add3A_687, %gather3A_688 : vector<16xf32>
    %gather3A_690 = tpu.vector_load_idx %arg14[%add3A_681] : memref<256xf32, #tpu.memory_space<vmem>>[vector<16xi32>], vector<16xf32>,
    %add3A_691 = arith.addf %add3A_689, %gather3A_690 : vector<16xf32>
    %gather3A_692 = tpu.vector_load_idx %arg15[%add3A_681] : memref<256xf32, #tpu.memory_space<vmem>>[vector<16xi32>], vector<16xf32>,
    %add3A_693 = arith.addf %add3A_675, %gather3A_692 : vector<16xf32>
    %gather3A_694 = tpu.vector_load_idx %arg16[%add3A_681] : memref<256xf32, #tpu.memory_space<vmem>>[vector<16xi32>], vector<16xf32>,
    %add3A_695 = arith.addf %add3A_693, %gather3A_694 : vector<16xf32>
    %gather3A_696 = tpu.vector_load_idx %arg17[%add3A_681] : memref<256xf32, #tpu.memory_space<vmem>>[vector<16xi32>], vector<16xf32>,
    %add3A_697 = arith.addf %add3A_695, %gather3A_696 : vector<16xf32>
    %gather3A_698 = tpu.vector_load_idx %arg18[%add3A_681] : memref<256xf32, #tpu.memory_space<vmem>>[vector<16xi32>], vector<16xf32>,
    %add3A_699 = arith.addf %add3A_697, %gather3A_698 : vector<16xf32>
    %gather3A_700 = tpu.vector_load_idx %arg19[%add3A_681] : memref<256xf32, #tpu.memory_space<vmem>>[vector<16xi32>], vector<16xf32>,
    %add3A_701 = arith.addf %add3A_699, %gather3A_700 : vector<16xf32>
    %mul3A_702 = arith.constant 16 : i32
    %mul3A_703 = vector.broadcast %mul3A_702 : i32 to vector<16xi32>
    %mul3A_704 = arith.muli %iota3A, %mul3A_703 : vector<16xi32>
    %add3A_705 = arith.constant 14 : i32
    %add3A_706 = vector.broadcast %add3A_705 : i32 to vector<16xi32>
    %add3A_707 = arith.addi %mul3A_704, %add3A_706 : vector<16xi32>
    %gather3A_708 = tpu.vector_load_idx %arg10[%add3A_707] : memref<256xf32, #tpu.memory_space<vmem>>[vector<16xi32>], vector<16xf32>,
    %add3A_709 = arith.addf %add3A_691, %gather3A_708 : vector<16xf32>
    %gather3A_710 = tpu.vector_load_idx %arg11[%add3A_707] : memref<256xf32, #tpu.memory_space<vmem>>[vector<16xi32>], vector<16xf32>,
    %add3A_711 = arith.addf %add3A_709, %gather3A_710 : vector<16xf32>
    %gather3A_712 = tpu.vector_load_idx %arg12[%add3A_707] : memref<256xf32, #tpu.memory_space<vmem>>[vector<16xi32>], vector<16xf32>,
    %add3A_713 = arith.addf %add3A_711, %gather3A_712 : vector<16xf32>
    %gather3A_714 = tpu.vector_load_idx %arg13[%add3A_707] : memref<256xf32, #tpu.memory_space<vmem>>[vector<16xi32>], vector<16xf32>,
    %add3A_715 = arith.addf %add3A_713, %gather3A_714 : vector<16xf32>
    %gather3A_716 = tpu.vector_load_idx %arg14[%add3A_707] : memref<256xf32, #tpu.memory_space<vmem>>[vector<16xi32>], vector<16xf32>,
    %add3A_717 = arith.addf %add3A_715, %gather3A_716 : vector<16xf32>
    %gather3A_718 = tpu.vector_load_idx %arg15[%add3A_707] : memref<256xf32, #tpu.memory_space<vmem>>[vector<16xi32>], vector<16xf32>,
    %add3A_719 = arith.addf %add3A_701, %gather3A_718 : vector<16xf32>
    %gather3A_720 = tpu.vector_load_idx %arg16[%add3A_707] : memref<256xf32, #tpu.memory_space<vmem>>[vector<16xi32>], vector<16xf32>,
    %add3A_721 = arith.addf %add3A_719, %gather3A_720 : vector<16xf32>
    %gather3A_722 = tpu.vector_load_idx %arg17[%add3A_707] : memref<256xf32, #tpu.memory_space<vmem>>[vector<16xi32>], vector<16xf32>,
    %add3A_723 = arith.addf %add3A_721, %gather3A_722 : vector<16xf32>
    %gather3A_724 = tpu.vector_load_idx %arg18[%add3A_707] : memref<256xf32, #tpu.memory_space<vmem>>[vector<16xi32>], vector<16xf32>,
    %add3A_725 = arith.addf %add3A_723, %gather3A_724 : vector<16xf32>
    %gather3A_726 = tpu.vector_load_idx %arg19[%add3A_707] : memref<256xf32, #tpu.memory_space<vmem>>[vector<16xi32>], vector<16xf32>,
    %add3A_727 = arith.addf %add3A_725, %gather3A_726 : vector<16xf32>
    %mul3A_728 = arith.constant 16 : i32
    %mul3A_729 = vector.broadcast %mul3A_728 : i32 to vector<16xi32>
    %mul3A_730 = arith.muli %iota3A, %mul3A_729 : vector<16xi32>
    %add3A_731 = arith.constant 15 : i32
    %add3A_732 = vector.broadcast %add3A_731 : i32 to vector<16xi32>
    %add3A_733 = arith.addi %mul3A_730, %add3A_732 : vector<16xi32>
    %gather3A_734 = tpu.vector_load_idx %arg10[%add3A_733] : memref<256xf32, #tpu.memory_space<vmem>>[vector<16xi32>], vector<16xf32>,
    %add3A_735 = arith.addf %add3A_717, %gather3A_734 : vector<16xf32>
    %gather3A_736 = tpu.vector_load_idx %arg11[%add3A_733] : memref<256xf32, #tpu.memory_space<vmem>>[vector<16xi32>], vector<16xf32>,
    %add3A_737 = arith.addf %add3A_735, %gather3A_736 : vector<16xf32>
    %gather3A_738 = tpu.vector_load_idx %arg12[%add3A_733] : memref<256xf32, #tpu.memory_space<vmem>>[vector<16xi32>], vector<16xf32>,
    %add3A_739 = arith.addf %add3A_737, %gather3A_738 : vector<16xf32>
    %gather3A_740 = tpu.vector_load_idx %arg13[%add3A_733] : memref<256xf32, #tpu.memory_space<vmem>>[vector<16xi32>], vector<16xf32>,
    %add3A_741 = arith.addf %add3A_739, %gather3A_740 : vector<16xf32>
    %gather3A_742 = tpu.vector_load_idx %arg14[%add3A_733] : memref<256xf32, #tpu.memory_space<vmem>>[vector<16xi32>], vector<16xf32>,
    %add3A_743 = arith.addf %add3A_741, %gather3A_742 : vector<16xf32>
    %gather3A_744 = tpu.vector_load_idx %arg15[%add3A_733] : memref<256xf32, #tpu.memory_space<vmem>>[vector<16xi32>], vector<16xf32>,
    %add3A_745 = arith.addf %add3A_727, %gather3A_744 : vector<16xf32>
    %gather3A_746 = tpu.vector_load_idx %arg16[%add3A_733] : memref<256xf32, #tpu.memory_space<vmem>>[vector<16xi32>], vector<16xf32>,
    %add3A_747 = arith.addf %add3A_745, %gather3A_746 : vector<16xf32>
    %gather3A_748 = tpu.vector_load_idx %arg17[%add3A_733] : memref<256xf32, #tpu.memory_space<vmem>>[vector<16xi32>], vector<16xf32>,
    %add3A_749 = arith.addf %add3A_747, %gather3A_748 : vector<16xf32>
    %gather3A_750 = tpu.vector_load_idx %arg18[%add3A_733] : memref<256xf32, #tpu.memory_space<vmem>>[vector<16xi32>], vector<16xf32>,
    %add3A_751 = arith.addf %add3A_749, %gather3A_750 : vector<16xf32>
    %gather3A_752 = tpu.vector_load_idx %arg19[%add3A_733] : memref<256xf32, #tpu.memory_space<vmem>>[vector<16xi32>], vector<16xf32>,
    %add3A_753 = arith.addf %add3A_751, %gather3A_752 : vector<16xf32>
    %swap3A_754 = arith.constant 0 : index
    %swap3A_755 = tpu.vector_load %arg20[%swap3A_754] {strides = array<i32>} : memref<16xf32, #tpu.memory_space<vmem>>, vector<16xf32>,
    tpu.vector_store %arg20[%swap3A_754], %add3A_743 {strides = array<i32>} : memref<16xf32, #tpu.memory_space<vmem>>, vector<16xf32>,
    %swap3A_756 = arith.constant 0 : index
    %swap3A_757 = tpu.vector_load %arg21[%swap3A_756] {strides = array<i32>} : memref<16xf32, #tpu.memory_space<vmem>>, vector<16xf32>,
    tpu.vector_store %arg21[%swap3A_756], %add3A_753 {strides = array<i32>} : memref<16xf32, #tpu.memory_space<vmem>>, vector<16xf32>,
    "tpu.region"() ({
      %run_scoped3A = tpu.sem_alloc : memref<!tpu.dma_semaphore, #tpu.memory_space<semaphore_mem>>
      %dma_start3A_758 = arith.constant 0 : i32
      %dma_start3A_759 = tpu.memref_slice %arg4[%add3A, %dma_start3A_758] : memref<32x16xf32, #tpu.memory_space<hbm>> -> memref<1x16xf32, #tpu.memory_space<hbm>>
      %dma_start3A_760 = tpu.memref_squeeze %dma_start3A_759 : memref<1x16xf32, #tpu.memory_space<hbm>> -> memref<16xf32, #tpu.memory_space<hbm>>
      %dma_start3A_761 = arith.constant 0 : i32
      %dma_start3A_762 = tpu.memref_slice %arg4[%add3A, %dma_start3A_761] : memref<32x16xf32, #tpu.memory_space<hbm>> -> memref<1x16xf32, #tpu.memory_space<hbm>>
      %dma_start3A_763 = tpu.memref_squeeze %dma_start3A_762 : memref<1x16xf32, #tpu.memory_space<hbm>> -> memref<16xf32, #tpu.memory_space<hbm>>
      tpu.enqueue_dma source(%arg20 : memref<16xf32, #tpu.memory_space<vmem>>) target(%dma_start3A_763 : memref<16xf32, #tpu.memory_space<hbm>>) target_semaphore(%run_scoped3A : memref<!tpu.dma_semaphore, #tpu.memory_space<semaphore_mem>>)
      %dma_wait3A = arith.constant 0 : i32
      %dma_wait3A_764 = tpu.memref_slice %arg4[%add3A, %dma_wait3A] : memref<32x16xf32, #tpu.memory_space<hbm>> -> memref<1x16xf32, #tpu.memory_space<hbm>>
      %dma_wait3A_765 = tpu.memref_squeeze %dma_wait3A_764 : memref<1x16xf32, #tpu.memory_space<hbm>> -> memref<16xf32, #tpu.memory_space<hbm>>
      %dma_wait3A_766 = arith.constant 0 : i32
      %dma_wait3A_767 = tpu.memref_slice %arg4[%add3A, %dma_wait3A_766] : memref<32x16xf32, #tpu.memory_space<hbm>> -> memref<1x16xf32, #tpu.memory_space<hbm>>
      %dma_wait3A_768 = tpu.memref_squeeze %dma_wait3A_767 : memref<1x16xf32, #tpu.memory_space<hbm>> -> memref<16xf32, #tpu.memory_space<hbm>>
      tpu.wait_dma2 semaphore(%run_scoped3A : memref<!tpu.dma_semaphore, #tpu.memory_space<semaphore_mem>>) src(%arg20 : memref<16xf32, #tpu.memory_space<vmem>>) dst(%dma_wait3A_768 : memref<16xf32, #tpu.memory_space<hbm>>)
      tpu.yield
    }) : () -> ()
    "tpu.region"() ({
      %run_scoped3A = tpu.sem_alloc : memref<!tpu.dma_semaphore, #tpu.memory_space<semaphore_mem>>
      %dma_start3A_758 = arith.constant 0 : i32
      %dma_start3A_759 = tpu.memref_slice %arg5[%add3A, %dma_start3A_758] : memref<32x16xf32, #tpu.memory_space<hbm>> -> memref<1x16xf32, #tpu.memory_space<hbm>>
      %dma_start3A_760 = tpu.memref_squeeze %dma_start3A_759 : memref<1x16xf32, #tpu.memory_space<hbm>> -> memref<16xf32, #tpu.memory_space<hbm>>
      %dma_start3A_761 = arith.constant 0 : i32
      %dma_start3A_762 = tpu.memref_slice %arg5[%add3A, %dma_start3A_761] : memref<32x16xf32, #tpu.memory_space<hbm>> -> memref<1x16xf32, #tpu.memory_space<hbm>>
      %dma_start3A_763 = tpu.memref_squeeze %dma_start3A_762 : memref<1x16xf32, #tpu.memory_space<hbm>> -> memref<16xf32, #tpu.memory_space<hbm>>
      tpu.enqueue_dma source(%arg21 : memref<16xf32, #tpu.memory_space<vmem>>) target(%dma_start3A_763 : memref<16xf32, #tpu.memory_space<hbm>>) target_semaphore(%run_scoped3A : memref<!tpu.dma_semaphore, #tpu.memory_space<semaphore_mem>>)
      %dma_wait3A = arith.constant 0 : i32
      %dma_wait3A_764 = tpu.memref_slice %arg5[%add3A, %dma_wait3A] : memref<32x16xf32, #tpu.memory_space<hbm>> -> memref<1x16xf32, #tpu.memory_space<hbm>>
      %dma_wait3A_765 = tpu.memref_squeeze %dma_wait3A_764 : memref<1x16xf32, #tpu.memory_space<hbm>> -> memref<16xf32, #tpu.memory_space<hbm>>
      %dma_wait3A_766 = arith.constant 0 : i32
      %dma_wait3A_767 = tpu.memref_slice %arg5[%add3A, %dma_wait3A_766] : memref<32x16xf32, #tpu.memory_space<hbm>> -> memref<1x16xf32, #tpu.memory_space<hbm>>
      %dma_wait3A_768 = tpu.memref_squeeze %dma_wait3A_767 : memref<1x16xf32, #tpu.memory_space<hbm>> -> memref<16xf32, #tpu.memory_space<hbm>>
      tpu.wait_dma2 semaphore(%run_scoped3A : memref<!tpu.dma_semaphore, #tpu.memory_space<semaphore_mem>>) src(%arg21 : memref<16xf32, #tpu.memory_space<vmem>>) dst(%dma_wait3A_768 : memref<16xf32, #tpu.memory_space<hbm>>)
      tpu.yield
    }) : () -> ()
    return
  }
}

module attributes {stable_mosaic.version = 14 : i64} {
  func.func @_combine_body(%arg0: memref<32x16xf32, #tpu.memory_space<vmem>>, %arg1: memref<32x16xf32, #tpu.memory_space<vmem>>, %arg2: memref<1x1xf32, #tpu.memory_space<vmem>>) attributes {dimension_semantics = [], scalar_prefetch = 0 : i64, scratch_operands = 0 : i64, tpu.core_type = #tpu.core_type<tc>} {
    %get3A = arith.constant 0 : index
    %get3A_0 = arith.constant 0 : index
    %get3A_1 = vector.load %arg0[%get3A, %get3A_0] : memref<32x16xf32, #tpu.memory_space<vmem>>, vector<32x16xf32>
    %reduce_sum3A = arith.constant dense<0.000000e+00> : vector<16xf32>
    %reduce_sum3A_2 = vector.multi_reduction <add>, %get3A_1, %reduce_sum3A [0] : vector<32x16xf32> to vector<16xf32>
    %broadcast_in_dim3A = vector.shape_cast %reduce_sum3A_2 : vector<16xf32> to vector<1x16xf32>
    %get3A_3 = arith.constant 0 : index
    %get3A_4 = arith.constant 0 : index
    %get3A_5 = vector.load %arg1[%get3A_3, %get3A_4] : memref<32x16xf32, #tpu.memory_space<vmem>>, vector<32x16xf32>
    %reduce_sum3A_6 = arith.constant dense<0.000000e+00> : vector<16xf32>
    %reduce_sum3A_7 = vector.multi_reduction <add>, %get3A_5, %reduce_sum3A_6 [0] : vector<32x16xf32> to vector<16xf32>
    %broadcast_in_dim3A_8 = vector.shape_cast %reduce_sum3A_7 : vector<16xf32> to vector<1x16xf32>
    %gt3A = arith.constant 0.000000e+00 : f32
    %gt3A_9 = vector.broadcast %gt3A : f32 to vector<1x16xf32>
    %gt3A_10 = arith.cmpf ogt, %broadcast_in_dim3A_8, %gt3A_9 : vector<1x16xf32>
    %max3A = arith.constant 1.000000e+00 : f32
    %max3A_11 = vector.broadcast %max3A : f32 to vector<1x16xf32>
    %max3A_12 = arith.maximumf %broadcast_in_dim3A_8, %max3A_11 : vector<1x16xf32>
    %div3A = arith.divf %broadcast_in_dim3A, %max3A_12 : vector<1x16xf32>
    %jit3A = arith.constant 0.000000e+00 : f32
    %broadcast_in_dim3A_13 = vector.broadcast %jit3A : f32 to vector<1x16xf32>
    %select_n3A = arith.select %gt3A_10, %div3A, %broadcast_in_dim3A_13 : vector<1x16xi1>, vector<1x16xf32>
    %convert_element_type3A = arith.extui %gt3A_10 : vector<1x16xi1> to vector<1x16xi32>
    %convert_element_type3A_14 = arith.sitofp %convert_element_type3A : vector<1x16xi32> to vector<1x16xf32>
    %reduce_sum3A_15 = arith.constant dense<0.000000e+00> : vector<1xf32>
    %reduce_sum3A_16 = vector.multi_reduction <add>, %convert_element_type3A_14, %reduce_sum3A_15 [1] : vector<1x16xf32> to vector<1xf32>
    %broadcast_in_dim3A_17 = vector.shape_cast %reduce_sum3A_16 : vector<1xf32> to vector<1x1xf32>
    %max3A_18 = arith.constant 1.000000e+00 : f32
    %max3A_19 = vector.broadcast %max3A_18 : f32 to vector<1x1xf32>
    %max3A_20 = arith.maximumf %broadcast_in_dim3A_17, %max3A_19 : vector<1x1xf32>
    %reduce_sum3A_21 = arith.constant dense<0.000000e+00> : vector<1xf32>
    %reduce_sum3A_22 = vector.multi_reduction <add>, %select_n3A, %reduce_sum3A_21 [1] : vector<1x16xf32> to vector<1xf32>
    %broadcast_in_dim3A_23 = vector.shape_cast %reduce_sum3A_22 : vector<1xf32> to vector<1x1xf32>
    %div3A_24 = arith.divf %broadcast_in_dim3A_23, %max3A_20 : vector<1x1xf32>
    %swap3A = arith.constant 0 : index
    %swap3A_25 = arith.constant 0 : index
    %swap3A_26 = vector.load %arg2[%swap3A, %swap3A_25] : memref<1x1xf32, #tpu.memory_space<vmem>>, vector<1x1xf32>
    tpu.vector_store %arg2[%swap3A, %swap3A_25], %div3A_24 {strides = array<i32>} : memref<1x1xf32, #tpu.memory_space<vmem>>, vector<1x1xf32>,
    return
  }
}

</mosaic_0001>

<sc_bundles>
// kernel: _run.4.cloned.1.call-start
scs
__scs_entry_jumppad:
0x0: {  	(pc) =	sbr.rel $0x88, $3  }
0x1: {  	(tag) =	ssettag $0x0;
	lr =	simm.s32 $0x1  }
0x2: {  	[smem:$0x3F9F] =	sst lr;
	_ =	strace $0xD0000000  }
0x3: {  	_ = 	snop  }
0x4: {  	_ = 	snop  }
0x5: {  	_ = 	snop  }
0x6: {  	_ = 	snop  }
0x7: {  	_ = 	snop  }
__scs_overlays_trampoline_lowered:
0x8: {  	[smem:$0x3FAE] =	sst s0  }
0x9: {  	[smem:$0x3FAF] =	sst s1  }
0xa: {  	[smem:$0x3FB0] =	sst s2  }
0xb: {  	[smem:$0x3FB1] =	sst s3  }
0xc: {  	[smem:$0x3FB2] =	sst s4  }
0xd: {  	[smem:$0x3FB3] =	sst s5  }
0xe: {  	[smem:$0x3FB4] =	sst s6  }
0xf: {  	[smem:$0x3FB5] =	sst s7  }
0x10: {  	[smem:$0x3FB6] =	sst s8  }
0x11: {  	[smem:$0x3FB7] =	sst s9;
	s0 =	simm.s32 @!p0 $0x0  }
0x12: {  	s1 =	sld [smem:$0x3F9D];
	s0 =	simm.s32 @p0 $0x1  }
0x13: {  	[smem:$0x3FB8] =	sst s0;
	s0 =	simm.s32 @!p1 $0x0  }
0x14: {  	s2 =	sld [smem:$0x3F9C];
	s0 =	simm.s32 @p1 $0x1  }
0x15: {  	[smem:$0x3FB9] =	sst s0;
	s0 =	simm.s32 @!p2 $0x0  }
0x16: {  	s3 =	sld [smem:$0x3FDB];
	s0 =	simm.s32 @p2 $0x1  }
0x17: {  	s4 =	simm.s32 $0x1BF5;
	[smem:$0x3FBB] =	sst s0  }
0x18: {  	s0 =	sld [smem:$0x3F9E];
	_ =	swait.ge [sflag:s4], $0x0  }
0x19: {  	s7 =	sld [smem:$0x3F9F]  }
0x1a: {  	s8 =	sadd.s32 $0xFFFFE003, lr  }
0x1b: {  	s9 =	sadd.s32 $0xFFFFFEF7, lr;
	s5 =	simm.s32 $0xFFFFFFFF;
	p2 =	slt.u32 s8, $0xFFFFF086  }
0x1c: {  	p1 =	slt.u32 s9, $0xF7A;
	s5 =	simm.s32 @!p2 $0x0  }
0x1d: {  	s5 =	simm.s32 @p1 $0x1;
	p0 =	seq.s32 s7, s2  }
0x1e: {  	s7 =	smul.u32 @!p0 $0xF7A, s2;
	p2 =	seq.s32 @!p0 s5, $0x0  }
0x1f: {  	s9 =	smul.u32 $0xF7A, s1;
	s8 =	simm.s32 @!p0 $0x1BF5;
	p2 =	por !p2, p0  }
0x20: {  	[sflag:s8] =	ssyncset.s32 @!p0 $0xFFFFF086;
	s6 =	sadd.s32 @!p0 s3, s7;
	s7 =	simm.s32 @!p0 $0x108  }
0x21: {  	s3 =	sadd.s32 s3, s9;
	s6 =	sadd.s32 @!p0 $0x88, s6;
	s7 =	simm.s32 @p2 $0x1082  }
0x22: {  	[simem:s7], [sflag:s8] =	dma.local @!p0 [hbm:s6], $0xF7A  }
0x23: {  	s9 =	sor.u32 $0xD0000000, s2;
	s6 =	simm.s32 $0x108;
	_ =	swait.ge @!p0 [sflag:s8], $0x0  }
0x24: {  	s3 =	sadd.s32 $0x88, s3;
	s6 =	simm.s32 @!p1 $0x1082;
	[sflag:s4] =	ssyncset.s32 $0xFFFFF086  }
0x25: {  	[simem:s6], [sflag:s4] =	dma.local [hbm:s3], $0xF7A  }
0x26: {  	[smem:$0x3F9F] =	sst s1;
	(tag) =	ssettag s2;
	_ =	strace s9  }
0x27: {  	s1 =	sld [smem:$0x3FAF]  }
0x28: {  	s2 =	sld [smem:$0x3FB0]  }
0x29: {  	s4 =	sld [smem:$0x3FB2]  }
0x2a: {  	p0 =	seq.s32 s5, $0x0;
	s5 =	sld [smem:$0x3FB3]  }
0x2b: {  	s6 =	sld [smem:$0x3FB4]  }
0x2c: {  	s7 =	sld [smem:$0x3FB5]  }
0x2d: {  	s3 =	simm.s32 $0x108;
	s8 =	sld [smem:$0x3FB6]  }
0x2e: {  	s3 =	simm.s32 @!p0 $0x1082;
	s9 =	sld [smem:$0x3FB7]  }
0x2f: {  	lr =	sadd.s32 s0, s3;
	s0 =	sld [smem:$0x3FAE]  }
0x30: {  	s3 =	sld [smem:$0x3FB1]  }
0x31: {  	[smem:$0x3FBA] =	sst s10  }
0x32: {  	s10 =	sld [smem:$0x3FB8];
	_ =	sdelay $0x3  }
0x33: {  	p0 =	seq.s32 s10, $0x1;
	s10 =	sld [smem:$0x3FBA];
	_ =	sdelay $0x3  }
0x34: {  	[smem:$0x3FBA] =	sst s10  }
0x35: {  	s10 =	sld [smem:$0x3FB9];
	_ =	sdelay $0x3  }
0x36: {  	p1 =	seq.s32 s10, $0x1;
	s10 =	sld [smem:$0x3FBA];
	_ =	sdelay $0x3  }
0x37: {  	[smem:$0x3FBA] =	sst s10  }
0x38: {  	s10 =	sld [smem:$0x3FBB]  }
0x39: {  	_ = 	snop;
	(pc) =	sbr.ind lr, $3  }
0x3a: {  	_ = 	snop  }
0x3b: {  	_ = 	snop  }
0x3c: {  	p2 =	seq.s32 s10, $0x1;
	s10 =	sld [smem:$0x3FBA]  }
0x3d: {  	_ =	shalt  }
0x3e: {  	_ =	shalt  }
0x3f: {  	_ =	shalt  }
0x40: {  	_ =	shalt  }
0x41: {  	_ =	shalt  }
0x42: {  	_ =	shalt  }
0x43: {  	_ =	shalt  }
0x44: {  	_ =	shalt  }
0x45: {  	_ =	shalt  }
0x46: {  	_ =	shalt  }
0x47: {  	_ =	shalt  }
0x48: {  	_ =	shalt  }
0x49: {  	_ =	shalt  }
0x4a: {  	_ =	shalt  }
0x4b: {  	_ =	shalt  }
0x4c: {  	_ =	shalt  }
0x4d: {  	_ =	shalt  }
0x4e: {  	_ =	shalt  }
0x4f: {  	_ =	shalt  }
0x50: {  	_ =	shalt  }
0x51: {  	_ =	shalt  }
0x52: {  	_ =	shalt  }
0x53: {  	_ =	shalt  }
0x54: {  	_ =	shalt  }
0x55: {  	_ =	shalt  }
0x56: {  	_ =	shalt  }
0x57: {  	_ =	shalt  }
0x58: {  	_ =	shalt  }
0x59: {  	_ =	shalt  }
0x5a: {  	_ =	shalt  }
0x5b: {  	_ =	shalt  }
0x5c: {  	_ =	shalt  }
0x5d: {  	_ =	shalt  }
0x5e: {  	_ =	shalt  }
0x5f: {  	_ =	shalt  }
0x60: {  	_ =	shalt  }
0x61: {  	_ =	shalt  }
0x62: {  	_ =	shalt  }
0x63: {  	_ =	shalt  }
0x64: {  	_ =	shalt  }
0x65: {  	_ =	shalt  }
0x66: {  	_ =	shalt  }
0x67: {  	_ =	shalt  }
0x68: {  	_ =	shalt  }
0x69: {  	_ =	shalt  }
0x6a: {  	_ =	shalt  }
0x6b: {  	_ =	shalt  }
0x6c: {  	_ =	shalt  }
0x6d: {  	_ =	shalt  }
0x6e: {  	_ =	shalt  }
0x6f: {  	_ =	shalt  }
0x70: {  	_ =	shalt  }
0x71: {  	_ =	shalt  }
0x72: {  	_ =	shalt  }
0x73: {  	_ =	shalt  }
0x74: {  	_ =	shalt  }
0x75: {  	_ =	shalt  }
0x76: {  	_ =	shalt  }
0x77: {  	_ =	shalt  }
0x78: {  	_ =	shalt  }
0x79: {  	_ =	shalt  }
0x7a: {  	_ =	shalt  }
0x7b: {  	_ =	shalt  }
0x7c: {  	_ =	shalt  }
0x7d: {  	_ =	shalt  }
0x7e: {  	_ =	shalt  }
0x7f: {  	_ =	shalt  }
0x80: {  	_ =	shalt  }
0x81: {  	_ =	shalt  }
0x82: {  	_ =	shalt  }
0x83: {  	_ =	shalt  }
0x84: {  	_ =	shalt  }
0x85: {  	_ =	shalt  }
0x86: {  	_ =	shalt  }
0x87: {  	_ =	shalt  }
.Lfunc_end0:
.L_simem_size_0:
called_computation_lowered:
.L_overlay_start_0:
0x88: {  	s2 =	sld [smem:$0x3FD9]  }
0x89: {  	s3 =	sld [smem:$0x3FFE];
	_ =	sdelay $0x1  }
0x8a: {  	s1 =	srdreg.scid  }
0x8b: {  	s0 =	sand.u32 $0x1, s1  }
0x8c: {  	s17 =	sshll.u32 s0, $0xA;
	s2 =	sadd.s32 s3, s2  }
0x8d: {  	s2 =	sadd.s32 s2, s17  }
0x8e: {  	[smem:$0x3FC6] =	sst s2  }
0x8f: {  	_ = 	snop  }
0x90: {  	s2 =	sld [smem:$0x3FC9]  }
0x91: {  	s18 =	sld [smem:$0x3FC8];
	(tm) =	ssettm $0x1  }
0x92: {  	s4 =	sld [smem:$0x3FFB];
	_ =	sdelay $0x3  }
0x93: {  	_ =	strace s4  }
0x94: {  	s4 =	sld [smem:$0x3FFC];
	_ =	sdelay $0x3  }
0x95: {  	_ =	strace s4  }
0x96: {  	s4 =	sld [smem:$0x3FFD];
	_ =	sdelay $0x3  }
0x97: {  	_ =	strace s4  }
0x98: {  	_ =	strace $0x8FFFFFFF  }
0x99: {  	s19 =	sld [smem:$0x3FDB];
	_ =	sdelay $0x1  }
0x9a: {  	s5 =	simm.s32 $_scs_section_size  }
0x9b: {  	s6 =	simm.s32 $_size__tile_overlayer_lowered;
	s7 =	simm.s32 $_tile_overlayer_lowered  }
0x9c: {  	s22 =	simm.s32 $0x1BFF;
	s21 =	sshll.u32 s7, $0x1;
	s4 =	sadd.s32 s5, s19  }
0x9d: {  	s8 =	simm.s32 $0x0;
	s20 =	sshll.u32 s6, $0x1;
	s6 =	sadd.s32 s21, s4  }
0x9e: {  	[timem:s8], [sflag:s22] =	dma.local [hbm:s6], s20  }
0x9f: {  	_ =	swait.ge [sflag:s22], s20  }
0xa0: {  	s5 =	ssub.s32 $0x0, s20;
	[sflag:s22] =	ssyncset.done $0x0  }
0xa1: {  	[sflag:s22] =	ssyncadd.s32 s5;
	_ =	sdelay $0x1  }
0xa2: {  	s23 =	simm.s32 $0x1B8B  }
0xa3: {  	_ =	swait.ge [sflag:s23], $0x1  }
0xa4: {  	[sflag:s23] =	ssyncset.done $0x0  }
0xa5: {  	s25 =	simm.s32 $0x1B8E;
	s24 =	sld [smem:$0x3FFE];
	[sflag:s23] =	ssyncadd.s32 $0xFFFFFFFF  }
0xa6: {  	s26 =	simm.s32 $execute0_lowered;
	[smem:$0x3FD2] =	sst s25  }
0xa7: {  	s6 =	sshll.u32 s26, $0x1;
	_ =	strace $0x80000046;
	[dreg:$0x1] =	wrdreg $0xFFFFFFFF  }
0xa8: {  	s28 =	simm.s32 $_size_execute0_lowered;
	s4 =	sadd.s32 s4, s6;
	[dreg:$0x0] =	wrdreg $0x0  }
0xa9: {  	s6 =	sshll.u32 s28, $0x1;
	[dreg:$0x2] =	wrdreg s4  }
0xaa: {  	[dreg:$0x3] =	wrdreg s6  }
0xab: {  	[dreg:$0x4] =	wrdreg $0xC0  }
0xac: {  	_ =	task [dreg:s8], $0x5FFFF  }
0xad: {  	[dreg:$0x1] =	wrdreg $0xFFFFFFFF  }
0xae: {  	[dreg:$0x0] =	wrdreg $0x60  }
0xaf: {  	[dreg:$0x2] =	wrdreg s2  }
0xb0: {  	[dreg:$0x3] =	wrdreg s18  }
0xb1: {  	[dreg:$0x4] =	wrdreg s24  }
0xb2: {  	[dreg:$0x5] =	wrdreg $0x9  }
0xb3: {  	_ =	task.clear_ibuf [dreg:s8], $0x6FFFF;
	_ =	strace $0x90000046  }
0xb4: {  	s29 =	simm.s32 $0x9;
	_ =	strace $0x80000048  }
0xb5: {  	_ =	swait.ge [sflag:s29], $0x1  }
0xb6: {  	[sflag:s29] =	ssyncadd.s32 $0xFFFFFFFF  }
0xb7: {  	_ =	strace $0x90000048  }
0xb8: {  	_ =	sfence  }
0xb9: {  	s30 =	sld [smem:$0x0];
	_ =	sdelay $0x2  }
0xba: {  	s31 =	sshll.u32 s1, $0xD;
	s1 =	sshrl.u32 s1, $0x2  }
0xbb: {  	s3 =	sand.u32 $0x4000, s31;
	s1 =	sadd.s32 s1, s30  }
0xbc: {  	s0 =	sor.u32 s3, s0;
	s1 =	sshll.u32 s1, $0x11  }
0xbd: {  	s0 =	sor.u32 s1, s0  }
0xbe: {  	s0 =	sadd.s32 $0x8F2B, s0  }
0xbf: {  	[sflag:s0] =	ssyncadd.remote.s32 $0x1  }
0xc0: {  	_ =	sfence.sel $0xFFFF  }
0xc1: {  	[dreg:$0x0] =	wrdreg $0xFFFFFFFF;
	(pc) =	sbr.abs _section_cstart, $3  }
0xc2: {  	[dreg:$0x1] =	wrdreg $0xFFFFFFFF  }
0xc3: {  	_ =	task.clear_ibuf [dreg:s8], $0x2FFFF;
	_ =	strace $0x9FFFFFFF  }
0xc4: {  	(tm) =	ssettm $0x7FFFFFFF  }
0xc5: {  	_ =	shalt  }
tec
execute0_lowered:
.L_overlay_start_1:
0x0: {  	(tag) =	ssettag $0x1  }
0x1: {  	s1 =	rddreg [dreg:$0x0]  }
0x2: {  	s3 =	rddreg [dreg:$0x1]  }
0x3: {  	s0 =	srdreg.scid;
	s4 =	stileid.u32  }
0x4: {  	s2 =	rddreg [dreg:$0x2];
	s12 =	simm.s32 $0x2;
	s13 =	simm.s32 $0x9E00  }
0x5: {  	s14 =	simm.s32 $0xA300;
	s15 =	simm.s32 $0x9F00;
	s16 =	simm.s32 $0xA400  }
0x6: {  	s17 =	simm.s32 $0xA000;
	s18 =	simm.s32 $0xA500;
	s19 =	simm.s32 $0xA100  }
0x7: {  	s20 =	simm.s32 $0xA600;
	s21 =	simm.s32 $0xA200;
	s22 =	simm.s32 $0xA700  }
0x8: {  	s24 =	simm.s32 $0x3;
	s0 =	sand.u32 $0x1, s0;
	s5 =	sshll.u32 s4, $0x1  }
0x9: {  	v0 =	vlaneseq.u32;
	s26 =	simm.s32 $0x1;
	s4 =	simm.s32 $0x0;
	s5 =	sor.u32 s0, s5  }
0xa: {  	s28 =	simm.s32 $0x0;
	v1 =	vmul.u32 $0x10, v0;
	[smem:$0x7FF] =	sst s4;
	s7 =	smul.u32 $0x3D090, s5  }
.Ltmp0:
0xb: {  	s0 =	ssub.s32 $0x2, s0;
	s5 =	sshll.u32 s5, $0x4;
	(pc) =	sbr.rel .LBB2_1-.Ltmp0, $4  }
0xc: {  	v2 =	vimm.f32 $0.0e+00;
	v3 =	vimm.f32 $1.000000000e+00;
	_ =	strace $0x80000047;
	s30 =	sshrl.u32 s0, $0x1;
	v4 =	vor.u32 $0x1, v1;
	s2 =	sadd.s32 s5, s2  }
0xd: {  	v5 =	vor.u32 $0x2, v1;
	v6 =	vor.u32 $0x3, v1;
	v7 =	vor.u32 $0x4, v1;
	s0 =	ssub.s32 s0, s30;
	s6 =	sshrl.u32 s7, $0x3;
	s7 =	sadd.s32 $0x2710, s7  }
0xe: {  	v8 =	vor.u32 $0x5, v1;
	v9 =	vor.u32 $0x6, v1;
	v10 =	vor.u32 $0x7, v1;
	s8 =	sadd.s32 $0xC00, s2;
	s9 =	sadd.s32 $0xE00, s2;
	s31 =	sadd.s32 s1, s6  }
0xf: {  	v11 =	vor.u32 $0x8, v1;
	v12 =	vor.u32 $0x9, v1;
	v13 =	vor.u32 $0xA, v1;
	s10 =	smax.u32 s0, $0x1;
	s6 =	sadd.s32 s3, s6;
	[dreg:$0x4] =	wrdreg s31  }
.LBB2_10:
0x10: {  	_ =	sdelay $0x3  }
0x11: {  	v14 =	vld.idx.msk [tilespmem:v1+s13+$0x0], $0xffff  }
0x12: {  	v15 =	vld.idx.msk [tilespmem:v1+s14+$0x0], $0xffff  }
0x13: {  	v16 =	vld.idx.msk [tilespmem:v1+s15+$0x0], $0xffff  }
0x14: {  	v17 =	vld.idx.msk [tilespmem:v1+s16+$0x0], $0xffff  }
0x15: {  	v18 =	vld.idx.msk [tilespmem:v1+s17+$0x0], $0xffff  }
0x16: {  	v19 =	vld.idx.msk [tilespmem:v1+s18+$0x0], $0xffff;
	v14 =	vadd.f32 $0.0e+00, v14  }
0x17: {  	v20 =	vld.idx.msk [tilespmem:v1+s19+$0x0], $0xffff;
	v15 =	vadd.f32 $0.0e+00, v15  }
0x18: {  	v28 =	vld.idx.msk [tilespmem:v1+s20+$0x0], $0xffff;
	v14 =	vadd.f32 v16, v14  }
0x19: {  	v21 =	vld.idx.msk [tilespmem:v1+s21+$0x0], $0xffff;
	v15 =	vadd.f32 v17, v15  }
0x1a: {  	v29 =	vld.idx.msk [tilespmem:v1+s22+$0x0], $0xffff;
	v14 =	vadd.f32 v18, v14  }
0x1b: {  	v30 =	vld.idx.msk [tilespmem:v4+s13+$0x0], $0xffff;
	v15 =	vadd.f32 v19, v15  }
0x1c: {  	v31 =	vld.idx.msk [tilespmem:v4+s14+$0x0], $0xffff;
	v14 =	vadd.f32 v20, v14  }
0x1d: {  	v32 =	vld.idx.msk [tilespmem:v4+s15+$0x0], $0xffff;
	v15 =	vadd.f32 v28, v15  }
0x1e: {  	v33 =	vld.idx.msk [tilespmem:v4+s16+$0x0], $0xffff;
	v14 =	vadd.f32 v21, v14  }
0x1f: {  	v34 =	vld.idx.msk [tilespmem:v4+s17+$0x0], $0xffff;
	v15 =	vadd.f32 v29, v15  }
0x20: {  	v35 =	vld.idx.msk [tilespmem:v4+s18+$0x0], $0xffff;
	v14 =	vadd.f32 v30, v14  }
0x21: {  	v36 =	vld.idx.msk [tilespmem:v4+s19+$0x0], $0xffff;
	v15 =	vadd.f32 v31, v15  }
0x22: {  	v37 =	vld.idx.msk [tilespmem:v4+s20+$0x0], $0xffff;
	v14 =	vadd.f32 v32, v14  }
0x23: {  	v38 =	vld.idx.msk [tilespmem:v4+s21+$0x0], $0xffff;
	v15 =	vadd.f32 v33, v15  }
0x24: {  	v39 =	vld.idx.msk [tilespmem:v4+s22+$0x0], $0xffff;
	v14 =	vadd.f32 v34, v14  }
0x25: {  	v40 =	vld.idx.msk [tilespmem:v5+s13+$0x0], $0xffff;
	v15 =	vadd.f32 v35, v15  }
0x26: {  	v41 =	vld.idx.msk [tilespmem:v5+s14+$0x0], $0xffff;
	v14 =	vadd.f32 v36, v14  }
0x27: {  	v42 =	vld.idx.msk [tilespmem:v5+s15+$0x0], $0xffff;
	v15 =	vadd.f32 v37, v15  }
0x28: {  	v43 =	vld.idx.msk [tilespmem:v5+s16+$0x0], $0xffff;
	v14 =	vadd.f32 v38, v14  }
0x29: {  	v44 =	vld.idx.msk [tilespmem:v5+s17+$0x0], $0xffff;
	v15 =	vadd.f32 v39, v15  }
0x2a: {  	v45 =	vld.idx.msk [tilespmem:v5+s18+$0x0], $0xffff;
	v14 =	vadd.f32 v40, v14  }
0x2b: {  	v46 =	vld.idx.msk [tilespmem:v5+s19+$0x0], $0xffff;
	v15 =	vadd.f32 v41, v15  }
0x2c: {  	v47 =	vld.idx.msk [tilespmem:v5+s20+$0x0], $0xffff;
	v14 =	vadd.f32 v42, v14  }
0x2d: {  	v48 =	vld.idx.msk [tilespmem:v5+s21+$0x0], $0xffff;
	v15 =	vadd.f32 v43, v15  }
0x2e: {  	v49 =	vld.idx.msk [tilespmem:v5+s22+$0x0], $0xffff;
	v14 =	vadd.f32 v44, v14  }
0x2f: {  	v50 =	vld.idx.msk [tilespmem:v6+s13+$0x0], $0xffff;
	v15 =	vadd.f32 v45, v15  }
0x30: {  	v51 =	vld.idx.msk [tilespmem:v6+s14+$0x0], $0xffff;
	v14 =	vadd.f32 v46, v14  }
0x31: {  	v52 =	vld.idx.msk [tilespmem:v6+s15+$0x0], $0xffff;
	v15 =	vadd.f32 v47, v15  }
0x32: {  	v53 =	vld.idx.msk [tilespmem:v6+s16+$0x0], $0xffff;
	v14 =	vadd.f32 v48, v14  }
0x33: {  	v54 =	vld.idx.msk [tilespmem:v6+s17+$0x0], $0xffff;
	v15 =	vadd.f32 v49, v15  }
0x34: {  	v55 =	vld.idx.msk [tilespmem:v6+s18+$0x0], $0xffff;
	v14 =	vadd.f32 v50, v14  }
0x35: {  	v56 =	vld.idx.msk [tilespmem:v6+s19+$0x0], $0xffff;
	v15 =	vadd.f32 v51, v15  }
0x36: {  	v57 =	vld.idx.msk [tilespmem:v6+s20+$0x0], $0xffff;
	v14 =	vadd.f32 v52, v14  }
0x37: {  	v58 =	vld.idx.msk [tilespmem:v6+s21+$0x0], $0xffff;
	v15 =	vadd.f32 v53, v15  }
0x38: {  	v59 =	vld.idx.msk [tilespmem:v6+s22+$0x0], $0xffff;
	v14 =	vadd.f32 v54, v14  }
0x39: {  	v60 =	vld.idx.msk [tilespmem:v7+s13+$0x0], $0xffff;
	v15 =	vadd.f32 v55, v15  }
0x3a: {  	v61 =	vld.idx.msk [tilespmem:v7+s14+$0x0], $0xffff;
	v14 =	vadd.f32 v56, v14  }
0x3b: {  	v62 =	vld.idx.msk [tilespmem:v7+s15+$0x0], $0xffff;
	v15 =	vadd.f32 v57, v15  }
0x3c: {  	v63 =	vld.idx.msk [tilespmem:v7+s16+$0x0], $0xffff;
	v14 =	vadd.f32 v58, v14  }
0x3d: {  	v24 =	vld.idx.msk [tilespmem:v7+s17+$0x0], $0xffff;
	v15 =	vadd.f32 v59, v15  }
0x3e: {  	v25 =	vld.idx.msk [tilespmem:v7+s18+$0x0], $0xffff;
	v14 =	vadd.f32 v60, v14  }
0x3f: {  	v26 =	vld.idx.msk [tilespmem:v7+s19+$0x0], $0xffff;
	v15 =	vadd.f32 v61, v15  }
0x40: {  	v27 =	vld.idx.msk [tilespmem:v7+s20+$0x0], $0xffff;
	v14 =	vadd.f32 v62, v14  }
0x41: {  	v28 =	vld.idx.msk [tilespmem:v7+s21+$0x0], $0xffff;
	v15 =	vadd.f32 v63, v15  }
0x42: {  	v29 =	vld.idx.msk [tilespmem:v7+s22+$0x0], $0xffff;
	v14 =	vadd.f32 v24, v14  }
0x43: {  	v30 =	vld.idx.msk [tilespmem:v8+s13+$0x0], $0xffff;
	v15 =	vadd.f32 v25, v15  }
0x44: {  	v31 =	vld.idx.msk [tilespmem:v8+s14+$0x0], $0xffff;
	v14 =	vadd.f32 v26, v14  }
0x45: {  	v32 =	vld.idx.msk [tilespmem:v8+s15+$0x0], $0xffff;
	v15 =	vadd.f32 v27, v15  }
0x46: {  	v33 =	vld.idx.msk [tilespmem:v8+s16+$0x0], $0xffff;
	v14 =	vadd.f32 v28, v14  }
0x47: {  	v34 =	vld.idx.msk [tilespmem:v8+s17+$0x0], $0xffff;
	v15 =	vadd.f32 v29, v15  }
0x48: {  	v35 =	vld.idx.msk [tilespmem:v8+s18+$0x0], $0xffff;
	v14 =	vadd.f32 v30, v14  }
0x49: {  	v36 =	vld.idx.msk [tilespmem:v8+s19+$0x0], $0xffff;
	v15 =	vadd.f32 v31, v15  }
0x4a: {  	v37 =	vld.idx.msk [tilespmem:v8+s20+$0x0], $0xffff;
	v14 =	vadd.f32 v32, v14  }
0x4b: {  	v38 =	vld.idx.msk [tilespmem:v8+s21+$0x0], $0xffff;
	v15 =	vadd.f32 v33, v15  }
0x4c: {  	v39 =	vld.idx.msk [tilespmem:v8+s22+$0x0], $0xffff;
	v14 =	vadd.f32 v34, v14  }
0x4d: {  	v40 =	vld.idx.msk [tilespmem:v9+s13+$0x0], $0xffff;
	v15 =	vadd.f32 v35, v15  }
0x4e: {  	v41 =	vld.idx.msk [tilespmem:v9+s14+$0x0], $0xffff;
	v14 =	vadd.f32 v36, v14  }
0x4f: {  	v42 =	vld.idx.msk [tilespmem:v9+s15+$0x0], $0xffff;
	v15 =	vadd.f32 v37, v15  }
0x50: {  	v43 =	vld.idx.msk [tilespmem:v9+s16+$0x0], $0xffff;
	v14 =	vadd.f32 v38, v14  }
0x51: {  	v44 =	vld.idx.msk [tilespmem:v9+s17+$0x0], $0xffff;
	v15 =	vadd.f32 v39, v15  }
0x52: {  	v45 =	vld.idx.msk [tilespmem:v9+s18+$0x0], $0xffff;
	v14 =	vadd.f32 v40, v14  }
0x53: {  	v46 =	vld.idx.msk [tilespmem:v9+s19+$0x0], $0xffff;
	v15 =	vadd.f32 v41, v15  }
0x54: {  	v47 =	vld.idx.msk [tilespmem:v9+s20+$0x0], $0xffff;
	v14 =	vadd.f32 v42, v14  }
0x55: {  	v48 =	vld.idx.msk [tilespmem:v9+s21+$0x0], $0xffff;
	v15 =	vadd.f32 v43, v15  }
0x56: {  	v49 =	vld.idx.msk [tilespmem:v9+s22+$0x0], $0xffff;
	v14 =	vadd.f32 v44, v14  }
0x57: {  	v50 =	vld.idx.msk [tilespmem:v10+s13+$0x0], $0xffff;
	v15 =	vadd.f32 v45, v15  }
0x58: {  	v51 =	vld.idx.msk [tilespmem:v10+s14+$0x0], $0xffff;
	v14 =	vadd.f32 v46, v14  }
0x59: {  	v52 =	vld.idx.msk [tilespmem:v10+s15+$0x0], $0xffff;
	v15 =	vadd.f32 v47, v15  }
0x5a: {  	v53 =	vld.idx.msk [tilespmem:v10+s16+$0x0], $0xffff;
	v14 =	vadd.f32 v48, v14  }
0x5b: {  	v54 =	vld.idx.msk [tilespmem:v10+s17+$0x0], $0xffff;
	v15 =	vadd.f32 v49, v15  }
0x5c: {  	v55 =	vld.idx.msk [tilespmem:v10+s18+$0x0], $0xffff;
	v14 =	vadd.f32 v50, v14  }
0x5d: {  	v56 =	vld.idx.msk [tilespmem:v10+s19+$0x0], $0xffff;
	v15 =	vadd.f32 v51, v15  }
0x5e: {  	v57 =	vld.idx.msk [tilespmem:v10+s20+$0x0], $0xffff;
	v14 =	vadd.f32 v52, v14  }
0x5f: {  	v58 =	vld.idx.msk [tilespmem:v10+s21+$0x0], $0xffff;
	v15 =	vadd.f32 v53, v15  }
0x60: {  	v59 =	vld.idx.msk [tilespmem:v10+s22+$0x0], $0xffff;
	v14 =	vadd.f32 v54, v14  }
0x61: {  	v60 =	vld.idx.msk [tilespmem:v11+s13+$0x0], $0xffff;
	v15 =	vadd.f32 v55, v15  }
0x62: {  	v61 =	vld.idx.msk [tilespmem:v11+s14+$0x0], $0xffff;
	v14 =	vadd.f32 v56, v14  }
0x63: {  	v62 =	vld.idx.msk [tilespmem:v11+s15+$0x0], $0xffff;
	v15 =	vadd.f32 v57, v15  }
0x64: {  	v63 =	vld.idx.msk [tilespmem:v11+s16+$0x0], $0xffff;
	v14 =	vadd.f32 v58, v14  }
0x65: {  	v24 =	vld.idx.msk [tilespmem:v11+s17+$0x0], $0xffff;
	v15 =	vadd.f32 v59, v15  }
0x66: {  	v25 =	vld.idx.msk [tilespmem:v11+s18+$0x0], $0xffff;
	v14 =	vadd.f32 v60, v14  }
0x67: {  	v26 =	vld.idx.msk [tilespmem:v11+s19+$0x0], $0xffff;
	v15 =	vadd.f32 v61, v15  }
0x68: {  	v27 =	vld.idx.msk [tilespmem:v11+s20+$0x0], $0xffff;
	v14 =	vadd.f32 v62, v14  }
0x69: {  	v28 =	vld.idx.msk [tilespmem:v11+s21+$0x0], $0xffff;
	v15 =	vadd.f32 v63, v15  }
0x6a: {  	v29 =	vld.idx.msk [tilespmem:v11+s22+$0x0], $0xffff;
	v14 =	vadd.f32 v24, v14  }
0x6b: {  	v30 =	vld.idx.msk [tilespmem:v12+s13+$0x0], $0xffff;
	v15 =	vadd.f32 v25, v15  }
0x6c: {  	v31 =	vld.idx.msk [tilespmem:v12+s14+$0x0], $0xffff;
	v14 =	vadd.f32 v26, v14  }
0x6d: {  	v32 =	vld.idx.msk [tilespmem:v12+s15+$0x0], $0xffff;
	v15 =	vadd.f32 v27, v15  }
0x6e: {  	v33 =	vld.idx.msk [tilespmem:v12+s16+$0x0], $0xffff;
	v14 =	vadd.f32 v28, v14  }
0x6f: {  	v34 =	vld.idx.msk [tilespmem:v12+s17+$0x0], $0xffff;
	v15 =	vadd.f32 v29, v15  }
0x70: {  	v35 =	vld.idx.msk [tilespmem:v12+s18+$0x0], $0xffff;
	v14 =	vadd.f32 v30, v14  }
0x71: {  	v36 =	vld.idx.msk [tilespmem:v12+s19+$0x0], $0xffff;
	v15 =	vadd.f32 v31, v15  }
0x72: {  	v37 =	vld.idx.msk [tilespmem:v12+s20+$0x0], $0xffff;
	v14 =	vadd.f32 v32, v14  }
0x73: {  	v38 =	vld.idx.msk [tilespmem:v12+s21+$0x0], $0xffff;
	v15 =	vadd.f32 v33, v15  }
0x74: {  	v39 =	vld.idx.msk [tilespmem:v12+s22+$0x0], $0xffff;
	v14 =	vadd.f32 v34, v14  }
0x75: {  	v40 =	vld.idx.msk [tilespmem:v13+s13+$0x0], $0xffff;
	v15 =	vadd.f32 v35, v15  }
0x76: {  	v41 =	vld.idx.msk [tilespmem:v13+s14+$0x0], $0xffff;
	v14 =	vadd.f32 v36, v14  }
0x77: {  	v42 =	vld.idx.msk [tilespmem:v13+s15+$0x0], $0xffff;
	v15 =	vadd.f32 v37, v15  }
0x78: {  	v43 =	vld.idx.msk [tilespmem:v13+s16+$0x0], $0xffff;
	v14 =	vadd.f32 v38, v14  }
0x79: {  	v44 =	vld.idx.msk [tilespmem:v13+s17+$0x0], $0xffff;
	v15 =	vadd.f32 v39, v15  }
0x7a: {  	v45 =	vld.idx.msk [tilespmem:v13+s18+$0x0], $0xffff;
	v46 =	vor.u32 $0xB, v1;
	v14 =	vadd.f32 v40, v14  }
0x7b: {  	v22 =	vld.idx.msk [tilespmem:v13+s19+$0x0], $0xffff;
	v15 =	vadd.f32 v41, v15  }
0x7c: {  	v47 =	vld.idx.msk [tilespmem:v13+s20+$0x0], $0xffff;
	v14 =	vadd.f32 v42, v14  }
0x7d: {  	v48 =	vld.idx.msk [tilespmem:v13+s21+$0x0], $0xffff;
	v15 =	vadd.f32 v43, v15  }
0x7e: {  	v49 =	vld.idx.msk [tilespmem:v13+s22+$0x0], $0xffff;
	v14 =	vadd.f32 v44, v14  }
0x7f: {  	v50 =	vld.idx.msk [tilespmem:v46+s13+$0x0], $0xffff;
	v15 =	vadd.f32 v45, v15  }
0x80: {  	v51 =	vld.idx.msk [tilespmem:v46+s14+$0x0], $0xffff;
	v14 =	vadd.f32 v22, v14  }
0x81: {  	v52 =	vld.idx.msk [tilespmem:v46+s15+$0x0], $0xffff;
	v15 =	vadd.f32 v47, v15  }
0x82: {  	v53 =	vld.idx.msk [tilespmem:v46+s16+$0x0], $0xffff;
	v14 =	vadd.f32 v48, v14  }
0x83: {  	v54 =	vld.idx.msk [tilespmem:v46+s17+$0x0], $0xffff;
	v15 =	vadd.f32 v49, v15  }
0x84: {  	v55 =	vld.idx.msk [tilespmem:v46+s18+$0x0], $0xffff;
	v56 =	vor.u32 $0xC, v1;
	v14 =	vadd.f32 v50, v14  }
0x85: {  	v57 =	vld.idx.msk [tilespmem:v46+s19+$0x0], $0xffff;
	v15 =	vadd.f32 v51, v15  }
0x86: {  	v58 =	vld.idx.msk [tilespmem:v46+s20+$0x0], $0xffff;
	v14 =	vadd.f32 v52, v14  }
0x87: {  	v59 =	vld.idx.msk [tilespmem:v46+s21+$0x0], $0xffff;
	v15 =	vadd.f32 v53, v15  }
0x88: {  	v60 =	vld.idx.msk [tilespmem:v46+s22+$0x0], $0xffff;
	v14 =	vadd.f32 v54, v14  }
0x89: {  	v61 =	vld.idx.msk [tilespmem:v56+s13+$0x0], $0xffff;
	v15 =	vadd.f32 v55, v15  }
0x8a: {  	v62 =	vld.idx.msk [tilespmem:v56+s14+$0x0], $0xffff;
	v14 =	vadd.f32 v57, v14  }
0x8b: {  	v63 =	vld.idx.msk [tilespmem:v56+s15+$0x0], $0xffff;
	v15 =	vadd.f32 v58, v15  }
0x8c: {  	v24 =	vld.idx.msk [tilespmem:v56+s16+$0x0], $0xffff;
	v14 =	vadd.f32 v59, v14  }
0x8d: {  	v25 =	vld.idx.msk [tilespmem:v56+s17+$0x0], $0xffff;
	v15 =	vadd.f32 v60, v15  }
0x8e: {  	v26 =	vld.idx.msk [tilespmem:v56+s18+$0x0], $0xffff;
	v27 =	vor.u32 $0xD, v1;
	v14 =	vadd.f32 v61, v14  }
0x8f: {  	v28 =	vld.idx.msk [tilespmem:v56+s19+$0x0], $0xffff;
	v15 =	vadd.f32 v62, v15  }
0x90: {  	v29 =	vld.idx.msk [tilespmem:v56+s20+$0x0], $0xffff;
	v14 =	vadd.f32 v63, v14  }
0x91: {  	v30 =	vld.idx.msk [tilespmem:v56+s21+$0x0], $0xffff;
	v15 =	vadd.f32 v24, v15  }
0x92: {  	v31 =	vld.idx.msk [tilespmem:v56+s22+$0x0], $0xffff;
	v14 =	vadd.f32 v25, v14  }
0x93: {  	v32 =	vld.idx.msk [tilespmem:v27+s13+$0x0], $0xffff;
	v15 =	vadd.f32 v26, v15  }
0x94: {  	v33 =	vld.idx.msk [tilespmem:v27+s14+$0x0], $0xffff;
	v14 =	vadd.f32 v28, v14  }
0x95: {  	v34 =	vld.idx.msk [tilespmem:v27+s15+$0x0], $0xffff;
	v15 =	vadd.f32 v29, v15  }
0x96: {  	v35 =	vld.idx.msk [tilespmem:v27+s16+$0x0], $0xffff;
	v14 =	vadd.f32 v30, v14  }
0x97: {  	v36 =	vld.idx.msk [tilespmem:v27+s17+$0x0], $0xffff;
	v15 =	vadd.f32 v31, v15  }
0x98: {  	v37 =	vld.idx.msk [tilespmem:v27+s18+$0x0], $0xffff;
	v38 =	vor.u32 $0xE, v1;
	v14 =	vadd.f32 v32, v14  }
0x99: {  	v39 =	vld.idx.msk [tilespmem:v27+s19+$0x0], $0xffff;
	v15 =	vadd.f32 v33, v15  }
0x9a: {  	v40 =	vld.idx.msk [tilespmem:v27+s20+$0x0], $0xffff;
	v14 =	vadd.f32 v34, v14  }
0x9b: {  	v41 =	vld.idx.msk [tilespmem:v27+s21+$0x0], $0xffff;
	v15 =	vadd.f32 v35, v15  }
0x9c: {  	v42 =	vld.idx.msk [tilespmem:v27+s22+$0x0], $0xffff;
	v14 =	vadd.f32 v36, v14  }
0x9d: {  	v43 =	vld.idx.msk [tilespmem:v38+s13+$0x0], $0xffff;
	v15 =	vadd.f32 v37, v15  }
0x9e: {  	v44 =	vld.idx.msk [tilespmem:v38+s14+$0x0], $0xffff;
	v14 =	vadd.f32 v39, v14  }
0x9f: {  	v45 =	vld.idx.msk [tilespmem:v38+s15+$0x0], $0xffff;
	v15 =	vadd.f32 v40, v15  }
0xa0: {  	v46 =	vld.idx.msk [tilespmem:v38+s16+$0x0], $0xffff;
	v14 =	vadd.f32 v41, v14  }
0xa1: {  	v47 =	vld.idx.msk [tilespmem:v38+s17+$0x0], $0xffff;
	v15 =	vadd.f32 v42, v15  }
0xa2: {  	v48 =	vld.idx.msk [tilespmem:v38+s18+$0x0], $0xffff;
	v49 =	vor.u32 $0xF, v1;
	v14 =	vadd.f32 v43, v14  }
0xa3: {  	v50 =	vld.idx.msk [tilespmem:v38+s19+$0x0], $0xffff;
	v15 =	vadd.f32 v44, v15  }
0xa4: {  	v51 =	vld.idx.msk [tilespmem:v38+s20+$0x0], $0xffff;
	v14 =	vadd.f32 v45, v14  }
0xa5: {  	v52 =	vld.idx.msk [tilespmem:v38+s21+$0x0], $0xffff;
	v15 =	vadd.f32 v46, v15  }
0xa6: {  	v53 =	vld.idx.msk [tilespmem:v38+s22+$0x0], $0xffff;
	v14 =	vadd.f32 v47, v14  }
0xa7: {  	v54 =	vld.idx.msk [tilespmem:v49+s13+$0x0], $0xffff;
	v15 =	vadd.f32 v48, v15  }
0xa8: {  	v55 =	vld.idx.msk [tilespmem:v49+s14+$0x0], $0xffff;
	v14 =	vadd.f32 v50, v14  }
0xa9: {  	v56 =	vld.idx.msk [tilespmem:v49+s15+$0x0], $0xffff;
	v15 =	vadd.f32 v51, v15  }
0xaa: {  	v57 =	vld.idx.msk [tilespmem:v49+s16+$0x0], $0xffff;
	v14 =	vadd.f32 v52, v14  }
0xab: {  	v58 =	vld.idx.msk [tilespmem:v49+s17+$0x0], $0xffff;
	v15 =	vadd.f32 v53, v15  }
0xac: {  	v59 =	vld.idx.msk [tilespmem:v49+s18+$0x0], $0xffff;
	v14 =	vadd.f32 v54, v14  }
0xad: {  	v60 =	vld.idx.msk [tilespmem:v49+s19+$0x0], $0xffff;
	v15 =	vadd.f32 v55, v15  }
0xae: {  	v61 =	vld.idx.msk [tilespmem:v49+s20+$0x0], $0xffff;
	v14 =	vadd.f32 v56, v14  }
0xaf: {  	v62 =	vld.idx.msk [tilespmem:v49+s21+$0x0], $0xffff;
	v15 =	vadd.f32 v57, v15  }
0xb0: {  	v63 =	vld.idx.msk [tilespmem:v49+s22+$0x0], $0xffff;
	v14 =	vadd.f32 v58, v14  }
0xb1: {  	v15 =	vadd.f32 v59, v15  }
0xb2: {  	v14 =	vadd.f32 v60, v14  }
0xb3: {  	v15 =	vadd.f32 v61, v15  }
0xb4: {  	v14 =	vadd.f32 v62, v14  }
0xb5: {  	v15 =	vadd.f32 v63, v15  }
0xb6: {  	[tilespmem:$0xA800] =	vst v14  }
0xb7: {  	s0 =	simm.s32 $0xA800;
	[tilespmem:$0xA880] =	vst v15  }
0xb8: {  	[hbm4b:s8+s4] =	stream.linear.scatter [tilespmem:s0], [sflag:$0x3], $0x80, $0x38;
	[tilespmem:$0xA900] =	vst v63  }
0xb9: {  	s28 =	sadd.s32 $0x1, s28;
	_ =	swait.ge [sflag:s24], $0x80  }
0xba: {  	p0 =	sne.s32 s28, s10;
	[sflag:s24] =	ssyncset.done $0x0  }
.Ltmp1:
0xbb: {  	s31 =	simm.s32 $0xA880;
	[sflag:s24] =	ssyncadd.s32 $0xFFFFFF80;
	(pc) =	sbr.rel @!p0 .LBB2_11-.Ltmp1, $4  }
0xbc: {  	[hbm4b:s9+s4] =	stream.linear.scatter [tilespmem:s31], [sflag:$0x3], $0x80, $0x38;
	[tilespmem:$0xA900] =	vst v63  }
0xbd: {  	_ =	swait.ge [sflag:s24], $0x80  }
0xbe: {  	[sflag:s24] =	ssyncset.done $0x0  }
0xbf: {  	[sflag:s24] =	ssyncadd.s32 $0xFFFFFF80  }
.LBB2_1:
0xc0: {  	[tilespmem:$0x9E00] =	vst v2  }
0xc1: {  	[tilespmem:$0x9F00] =	vst v2  }
0xc2: {  	[tilespmem:$0xA000] =	vst v2  }
0xc3: {  	[tilespmem:$0xA100] =	vst v2  }
0xc4: {  	[tilespmem:$0xA200] =	vst v2  }
0xc5: {  	[tilespmem:$0xA300] =	vst v2  }
0xc6: {  	[tilespmem:$0xA400] =	vst v2  }
0xc7: {  	[tilespmem:$0xA500] =	vst v2  }
0xc8: {  	[tilespmem:$0xA600] =	vst v2  }
0xc9: {  	[tilespmem:$0xA700] =	vst v2  }
0xca: {  	[tilespmem:$0x9E10] =	vst v2  }
0xcb: {  	[tilespmem:$0x9F10] =	vst v2  }
0xcc: {  	[tilespmem:$0xA010] =	vst v2  }
0xcd: {  	[tilespmem:$0xA110] =	vst v2  }
0xce: {  	[tilespmem:$0xA210] =	vst v2  }
0xcf: {  	[tilespmem:$0xA310] =	vst v2  }
0xd0: {  	[tilespmem:$0xA410] =	vst v2  }
0xd1: {  	[tilespmem:$0xA510] =	vst v2  }
0xd2: {  	[tilespmem:$0xA610] =	vst v2  }
0xd3: {  	[tilespmem:$0xA710] =	vst v2  }
0xd4: {  	[tilespmem:$0x9E20] =	vst v2  }
0xd5: {  	[tilespmem:$0x9F20] =	vst v2  }
0xd6: {  	[tilespmem:$0xA020] =	vst v2  }
0xd7: {  	[tilespmem:$0xA120] =	vst v2  }
0xd8: {  	[tilespmem:$0xA220] =	vst v2  }
0xd9: {  	[tilespmem:$0xA320] =	vst v2  }
0xda: {  	[tilespmem:$0xA420] =	vst v2  }
0xdb: {  	[tilespmem:$0xA520] =	vst v2  }
0xdc: {  	[tilespmem:$0xA620] =	vst v2  }
0xdd: {  	[tilespmem:$0xA720] =	vst v2  }
0xde: {  	[tilespmem:$0x9E30] =	vst v2  }
0xdf: {  	[tilespmem:$0x9F30] =	vst v2  }
0xe0: {  	[tilespmem:$0xA030] =	vst v2  }
0xe1: {  	[tilespmem:$0xA130] =	vst v2  }
0xe2: {  	[tilespmem:$0xA230] =	vst v2  }
0xe3: {  	[tilespmem:$0xA330] =	vst v2  }
0xe4: {  	[tilespmem:$0xA430] =	vst v2  }
0xe5: {  	[tilespmem:$0xA530] =	vst v2  }
0xe6: {  	[tilespmem:$0xA630] =	vst v2  }
0xe7: {  	[tilespmem:$0xA730] =	vst v2  }
0xe8: {  	[tilespmem:$0x9E40] =	vst v2  }
0xe9: {  	[tilespmem:$0x9F40] =	vst v2  }
0xea: {  	[tilespmem:$0xA040] =	vst v2  }
0xeb: {  	[tilespmem:$0xA140] =	vst v2  }
0xec: {  	[tilespmem:$0xA240] =	vst v2  }
0xed: {  	[tilespmem:$0xA340] =	vst v2  }
0xee: {  	[tilespmem:$0xA440] =	vst v2  }
0xef: {  	[tilespmem:$0xA540] =	vst v2  }
0xf0: {  	[tilespmem:$0xA640] =	vst v2  }
0xf1: {  	[tilespmem:$0xA740] =	vst v2  }
0xf2: {  	[tilespmem:$0x9E50] =	vst v2  }
0xf3: {  	[tilespmem:$0x9F50] =	vst v2  }
0xf4: {  	[tilespmem:$0xA050] =	vst v2  }
0xf5: {  	[tilespmem:$0xA150] =	vst v2  }
0xf6: {  	[tilespmem:$0xA250] =	vst v2  }
0xf7: {  	[tilespmem:$0xA350] =	vst v2  }
0xf8: {  	[tilespmem:$0xA450] =	vst v2  }
0xf9: {  	[tilespmem:$0xA550] =	vst v2  }
0xfa: {  	[tilespmem:$0xA650] =	vst v2  }
0xfb: {  	[tilespmem:$0xA750] =	vst v2  }
0xfc: {  	[tilespmem:$0x9E60] =	vst v2  }
0xfd: {  	[tilespmem:$0x9F60] =	vst v2  }
0xfe: {  	[tilespmem:$0xA060] =	vst v2  }
0xff: {  	[tilespmem:$0xA160] =	vst v2  }
0x100: {  	[tilespmem:$0xA260] =	vst v2  }
0x101: {  	[tilespmem:$0xA360] =	vst v2  }
0x102: {  	[tilespmem:$0xA460] =	vst v2  }
0x103: {  	[tilespmem:$0xA560] =	vst v2  }
0x104: {  	[tilespmem:$0xA660] =	vst v2  }
0x105: {  	[tilespmem:$0xA760] =	vst v2  }
0x106: {  	[tilespmem:$0x9E70] =	vst v2  }
0x107: {  	[tilespmem:$0x9F70] =	vst v2  }
0x108: {  	[tilespmem:$0xA070] =	vst v2  }
0x109: {  	[tilespmem:$0xA170] =	vst v2  }
0x10a: {  	[tilespmem:$0xA270] =	vst v2  }
0x10b: {  	[tilespmem:$0xA370] =	vst v2  }
0x10c: {  	[tilespmem:$0xA470] =	vst v2  }
0x10d: {  	[tilespmem:$0xA570] =	vst v2  }
0x10e: {  	[tilespmem:$0xA670] =	vst v2  }
0x10f: {  	[tilespmem:$0xA770] =	vst v2  }
0x110: {  	[tilespmem:$0x9E80] =	vst v2  }
0x111: {  	[tilespmem:$0x9F80] =	vst v2  }
0x112: {  	[tilespmem:$0xA080] =	vst v2  }
0x113: {  	[tilespmem:$0xA180] =	vst v2  }
0x114: {  	[tilespmem:$0xA280] =	vst v2  }
0x115: {  	[tilespmem:$0xA380] =	vst v2  }
0x116: {  	[tilespmem:$0xA480] =	vst v2  }
0x117: {  	[tilespmem:$0xA580] =	vst v2  }
0x118: {  	[tilespmem:$0xA680] =	vst v2  }
0x119: {  	[tilespmem:$0xA780] =	vst v2  }
0x11a: {  	[tilespmem:$0x9E90] =	vst v2  }
0x11b: {  	[tilespmem:$0x9F90] =	vst v2  }
0x11c: {  	[tilespmem:$0xA090] =	vst v2  }
0x11d: {  	[tilespmem:$0xA190] =	vst v2  }
0x11e: {  	[tilespmem:$0xA290] =	vst v2  }
0x11f: {  	[tilespmem:$0xA390] =	vst v2  }
0x120: {  	[tilespmem:$0xA490] =	vst v2  }
0x121: {  	[tilespmem:$0xA590] =	vst v2  }
0x122: {  	[tilespmem:$0xA690] =	vst v2  }
0x123: {  	[tilespmem:$0xA790] =	vst v2  }
0x124: {  	[tilespmem:$0x9EA0] =	vst v2  }
0x125: {  	[tilespmem:$0x9FA0] =	vst v2  }
0x126: {  	[tilespmem:$0xA0A0] =	vst v2  }
0x127: {  	[tilespmem:$0xA1A0] =	vst v2  }
0x128: {  	[tilespmem:$0xA2A0] =	vst v2  }
0x129: {  	[tilespmem:$0xA3A0] =	vst v2  }
0x12a: {  	[tilespmem:$0xA4A0] =	vst v2  }
0x12b: {  	[tilespmem:$0xA5A0] =	vst v2  }
0x12c: {  	[tilespmem:$0xA6A0] =	vst v2  }
0x12d: {  	[tilespmem:$0xA7A0] =	vst v2  }
0x12e: {  	[tilespmem:$0x9EB0] =	vst v2  }
0x12f: {  	[tilespmem:$0x9FB0] =	vst v2  }
0x130: {  	[tilespmem:$0xA0B0] =	vst v2  }
0x131: {  	[tilespmem:$0xA1B0] =	vst v2  }
0x132: {  	[tilespmem:$0xA2B0] =	vst v2  }
0x133: {  	[tilespmem:$0xA3B0] =	vst v2  }
0x134: {  	[tilespmem:$0xA4B0] =	vst v2  }
0x135: {  	[tilespmem:$0xA5B0] =	vst v2  }
0x136: {  	[tilespmem:$0xA6B0] =	vst v2  }
0x137: {  	[tilespmem:$0xA7B0] =	vst v2  }
0x138: {  	[tilespmem:$0x9EC0] =	vst v2  }
0x139: {  	[tilespmem:$0x9FC0] =	vst v2  }
0x13a: {  	[tilespmem:$0xA0C0] =	vst v2  }
0x13b: {  	[tilespmem:$0xA1C0] =	vst v2  }
0x13c: {  	[tilespmem:$0xA2C0] =	vst v2  }
0x13d: {  	[tilespmem:$0xA3C0] =	vst v2  }
0x13e: {  	[tilespmem:$0xA4C0] =	vst v2  }
0x13f: {  	[tilespmem:$0xA5C0] =	vst v2  }
0x140: {  	[tilespmem:$0xA6C0] =	vst v2  }
0x141: {  	[tilespmem:$0xA7C0] =	vst v2  }
0x142: {  	[tilespmem:$0x9ED0] =	vst v2  }
0x143: {  	[tilespmem:$0x9FD0] =	vst v2  }
0x144: {  	[tilespmem:$0xA0D0] =	vst v2  }
0x145: {  	[tilespmem:$0xA1D0] =	vst v2  }
0x146: {  	[tilespmem:$0xA2D0] =	vst v2  }
0x147: {  	[tilespmem:$0xA3D0] =	vst v2  }
0x148: {  	[tilespmem:$0xA4D0] =	vst v2  }
0x149: {  	[tilespmem:$0xA5D0] =	vst v2  }
0x14a: {  	[tilespmem:$0xA6D0] =	vst v2  }
0x14b: {  	[tilespmem:$0xA7D0] =	vst v2  }
0x14c: {  	[tilespmem:$0x9EE0] =	vst v2  }
0x14d: {  	[tilespmem:$0x9FE0] =	vst v2  }
0x14e: {  	[tilespmem:$0xA0E0] =	vst v2  }
0x14f: {  	[tilespmem:$0xA1E0] =	vst v2  }
0x150: {  	[tilespmem:$0xA2E0] =	vst v2  }
0x151: {  	[tilespmem:$0xA3E0] =	vst v2  }
0x152: {  	[tilespmem:$0xA4E0] =	vst v2  }
0x153: {  	[tilespmem:$0xA5E0] =	vst v2  }
0x154: {  	[tilespmem:$0xA6E0] =	vst v2  }
0x155: {  	[tilespmem:$0xA7E0] =	vst v2  }
0x156: {  	[tilespmem:$0x9EF0] =	vst v2  }
0x157: {  	[tilespmem:$0x9FF0] =	vst v2  }
0x158: {  	[tilespmem:$0xA0F0] =	vst v2  }
0x159: {  	[tilespmem:$0xA1F0] =	vst v2  }
0x15a: {  	[tilespmem:$0xA2F0] =	vst v2  }
0x15b: {  	[tilespmem:$0xA3F0] =	vst v2  }
0x15c: {  	[tilespmem:$0xA4F0] =	vst v2  }
0x15d: {  	[tilespmem:$0xA5F0] =	vst v2  }
.Ltmp2:
0x15e: {  	[tilespmem:$0xA6F0] =	vst v2;
	(pc) =	sbr.rel .LBB2_2-.Ltmp2, $4  }
0x15f: {  	[tilespmem:$0xA7F0] =	vst v2;
	s0 =	rddreg [dreg:$0x4]  }
0x160: {  	[tilespmem:s4], [sflag:$0x1] =	stream.linear.gather [hbm4b:s0+s4], $0x2710, $0x38;
	[tilespmem:$0xA900] =	vst v63  }
0x161: {  	s31 =	simm.s32 $0x4F00;
	s29 =	simm.s32 $0x0  }
0x162: {  	[tilespmem:s31], [sflag:$0x1] =	stream.linear.gather [hbm4b:s6+s4], $0x2710, $0x38;
	[tilespmem:$0xA900] =	vst v63  }
.LBB2_9:
0x163: {  	s29 =	sadd.s32 $0x1, s29  }
0x164: {  	p0 =	sne.s32 s29, $0x19  }
.Ltmp3:
0x165: {  	_ = 	snop;
	(pc) =	sbr.rel @!p0 .LBB2_10-.Ltmp3, $1  }
0x166: {  	_ =	sdelay $0x3  }
.LBB2_2:
0x167: {  	s30 =	sand.u32 $0x1, s29  }
0x168: {  	p0 =	seq.s32 s30, $0x1  }
.Ltmp4:
0x169: {  	_ = 	snop;
	(pc) =	sbr.rel @p0 .LBB2_6-.Ltmp4, $1  }
0x16a: {  	_ =	sdelay $0x3  }
0x16b: {  	p0 =	seq.s32 s29, $0x18  }
0x16c: {  	s0 =	smul.u32 @!p0 $0x2710, s29;
	_ =	sdelay $0x1  }
0x16d: {  	s0 =	sadd.s32 @!p0 s0, s7  }
0x16e: {  	s0 =	sshrl.u32 @!p0 s0, $0x3  }
0x16f: {  	s5 =	simm.s32 @!p0 $0x0;
	s11 =	simm.s32 @!p0 $0x2780;
	s2 =	sadd.s32 @!p0 s1, s0  }
0x170: {  	[tilespmem:s11], [sflag:$0x2] =	stream.linear.gather @!p0 [hbm4b:s2+s5], $0x2710, $0x38;
	[tilespmem:$0xA900] =	vst v63  }
0x171: {  	s0 =	sadd.s32 @!p0 s3, s0;
	s2 =	simm.s32 @!p0 $0x7680  }
0x172: {  	[tilespmem:s2], [sflag:$0x2] =	stream.linear.gather @!p0 [hbm4b:s0+s5], $0x2710, $0x38;
	[tilespmem:$0xA900] =	vst v63  }
0x173: {  	_ =	swait.ge [sflag:s26], $0x2710  }
0x174: {  	[sflag:s26] =	ssyncset.done $0x0  }
0x175: {  	[sflag:s26] =	ssyncadd.s32 $0xFFFFD8F0  }
0x176: {  	_ =	swait.ge [sflag:s26], $0x2710  }
0x177: {  	[sflag:s26] =	ssyncset.done $0x0  }
0x178: {  	s2 =	simm.s32 $0x4FC0;
	[sflag:s26] =	ssyncadd.s32 $0xFFFFD8F0  }
0x179: {  	v14 =	vld [tilespmem:s2+$0x30]  }
0x17a: {  	v15 =	vld [tilespmem:s2+$0xFFFFFF90]  }
0x17b: {  	v16 =	vld [tilespmem:s2+$0xFFFFFFE0]  }
0x17c: {  	s31 =	simm.s32 $0xC0;
	v17 =	vld [tilespmem:s2+$0xFFFFFF40]  }
0x17d: {  	v18 =	vld [tilespmem:s31+$0x30]  }
0x17e: {  	v19 =	vld [tilespmem:s31+$0xFFFFFF90]  }
0x17f: {  	v20 =	vld [tilespmem:s31+$0xFFFFFFE0];
	v21 =	vcvt.s32.f32 v15;
	v22 =	vshll.u32 v14, $0x4  }
0x180: {  	v23 =	vld [tilespmem:s31+$0xFFFFFF40];
	v14 =	vcvt.s32.f32 v14;
	v15 =	vshll.u32 v15, $0x4;
	v22 =	vor.u32 v0, v22  }
0x181: {  	v24 =	vcvt.s32.f32 v16;
	v16 =	vshll.u32 v16, $0x4;
	v15 =	vor.u32 v0, v15  }
0x182: {  	v26 =	vshll.u32 v17, $0x4;
	v16 =	vor.u32 v0, v16;
	v14 =	vsub.f32 v18, v14  }
0x183: {  	v25 =	vld [tilespmem:s2+$0x80];
	v17 =	vcvt.s32.f32 v17;
	v18 =	vor.u32 v0, v26;
	v19 =	vsub.f32 v19, v21  }
0x184: {  	v50 =	vld [tilespmem:s31+$0x80];
	v20 =	vsub.f32 v20, v24;
	v14 =	vand.u32 $0x7FFFFFFF, v14  }
0x185: {  	v17 =	vsub.f32 v23, v17;
	v19 =	vand.u32 $0x7FFFFFFF, v19;
	[tilespmem:v22+s13+$0x0] =	vst.idx.add.f32.msk $0xffff, v14  }
0x186: {  	[tilespmem:v15+s13+$0x0] =	vst.idx.add.f32.msk $0xffff, v19;
	v14 =	vand.u32 $0x7FFFFFFF, v20  }
0x187: {  	v17 =	vand.u32 $0x7FFFFFFF, v17;
	[tilespmem:v16+s13+$0x0] =	vst.idx.add.f32.msk $0xffff, v14  }
0x188: {  	[tilespmem:v18+s13+$0x0] =	vst.idx.add.f32.msk $0xffff, v17  }
0x189: {  	[tilespmem:v22+s14+$0x0] =	vst.idx.add.f32.msk $0xffff, v3  }
0x18a: {  	s0 =	simm.s32 $0x0;
	v19 =	vshll.u32 v25, $0x4;
	[tilespmem:v15+s14+$0x0] =	vst.idx.add.f32.msk $0xffff, v3  }
0x18b: {  	s11 =	sand.u32 $0x3FF0, s0;
	v14 =	vcvt.s32.f32 v25;
	v19 =	vor.u32 v0, v19;
	[tilespmem:v18+s14+$0x0] =	vst.idx.add.f32.msk $0xffff, v3  }
0x18c: {  	v17 =	vld [tilespmem:s11+$0x100]  }
0x18d: {  	v18 =	vld [tilespmem:s11+$0x5000];
	v14 =	vsub.f32 v50, v14  }
0x18e: {  	[tilespmem:v16+s14+$0x0] =	vst.idx.add.f32.msk $0xffff, v3  }
0x18f: {  	v15 =	vld [tilespmem:s2+$0xFFFFFFA0];
	v14 =	vand.u32 $0x7FFFFFFF, v14  }
0x190: {  	[tilespmem:v19+s13+$0x0] =	vst.idx.add.f32.msk $0xffff, v14  }
0x191: {  	[tilespmem:v19+s14+$0x0] =	vst.idx.add.f32.msk $0xffff, v3  }
0x192: {  	v51 =	vshll.u32 v18, $0x4;
	v19 =	vld [tilespmem:s2+$0x90]  }
0x193: {  	v20 =	vld [tilespmem:s2+$0xFFFFFF50];
	v18 =	vcvt.s32.f32 v18;
	v16 =	vor.u32 v0, v51  }
0x194: {  	v52 =	vld [tilespmem:s2+$0xFFFFFFF0]  }
0x195: {  	v14 =	vld [tilespmem:s31+$0x90];
	v17 =	vsub.f32 v17, v18  }
0x196: {  	v54 =	vld [tilespmem:s31+$0xFFFFFF50]  }
0x197: {  	v18 =	vld [tilespmem:s31+$0xFFFFFFF0];
	v17 =	vand.u32 $0x7FFFFFFF, v17;
	v53 =	vshll.u32 v19, $0x4  }
0x198: {  	[tilespmem:v16+s15+$0x0] =	vst.idx.add.f32.msk $0xffff, v17;
	v17 =	vcvt.s32.f32 v19;
	v22 =	vor.u32 v0, v53  }
0x199: {  	[tilespmem:v16+s16+$0x0] =	vst.idx.add.f32.msk $0xffff, v3;
	v16 =	vshll.u32 v52, $0x4  }
0x19a: {  	v21 =	vcvt.s32.f32 v52;
	v19 =	vld [tilespmem:s31+$0xFFFFFFA0];
	v14 =	vsub.f32 v14, v17;
	v16 =	vor.u32 v0, v16  }
0x19b: {  	v17 =	vld [tilespmem:s2+$0x50]  }
0x19c: {  	v18 =	vsub.f32 v18, v21;
	v55 =	vld [tilespmem:s31+$0x50];
	v14 =	vand.u32 $0x7FFFFFFF, v14  }
0x19d: {  	v56 =	vshll.u32 v20, $0x4;
	[tilespmem:v22+s15+$0x0] =	vst.idx.add.f32.msk $0xffff, v14  }
0x19e: {  	v18 =	vand.u32 $0x7FFFFFFF, v18;
	v14 =	vcvt.s32.f32 v20;
	v20 =	vor.u32 v0, v56;
	[tilespmem:v22+s16+$0x0] =	vst.idx.add.f32.msk $0xffff, v3  }
0x19f: {  	[tilespmem:v16+s15+$0x0] =	vst.idx.add.f32.msk $0xffff, v18  }
0x1a0: {  	v57 =	vld [tilespmem:s2+$0xA0];
	v14 =	vsub.f32 v54, v14  }
0x1a1: {  	v18 =	vshll.u32 v17, $0x4;
	v22 =	vld [tilespmem:s31+$0xA0]  }
0x1a2: {  	v17 =	vcvt.s32.f32 v17;
	[tilespmem:v16+s16+$0x0] =	vst.idx.add.f32.msk $0xffff, v3;
	v16 =	vor.u32 v0, v18;
	v14 =	vand.u32 $0x7FFFFFFF, v14  }
0x1a3: {  	v18 =	vshll.u32 v15, $0x4;
	[tilespmem:v20+s15+$0x0] =	vst.idx.add.f32.msk $0xffff, v14  }
0x1a4: {  	v14 =	vcvt.s32.f32 v15;
	v15 =	vsub.f32 v55, v17;
	v17 =	vor.u32 v0, v18;
	[tilespmem:v20+s16+$0x0] =	vst.idx.add.f32.msk $0xffff, v3  }
0x1a5: {  	v20 =	vld [tilespmem:s2+$0xFFFFFF60]  }
0x1a6: {  	v18 =	vsub.f32 v19, v14;
	v19 =	vld [tilespmem:s2+$0x0];
	v14 =	vand.u32 $0x7FFFFFFF, v15  }
0x1a7: {  	v15 =	vshll.u32 v57, $0x4;
	[tilespmem:v16+s17+$0x0] =	vst.idx.add.f32.msk $0xffff, v14  }
0x1a8: {  	v14 =	vor.u32 v0, v15;
	v15 =	vand.u32 $0x7FFFFFFF, v18;
	v18 =	vld [tilespmem:s31+$0x0]  }
0x1a9: {  	[tilespmem:v17+s15+$0x0] =	vst.idx.add.f32.msk $0xffff, v15  }
0x1aa: {  	[tilespmem:v17+s16+$0x0] =	vst.idx.add.f32.msk $0xffff, v3  }
0x1ab: {  	v15 =	vld [tilespmem:s2+$0xFFFFFFB0]  }
0x1ac: {  	v21 =	vcvt.s32.f32 v57;
	[tilespmem:v16+s18+$0x0] =	vst.idx.add.f32.msk $0xffff, v3;
	v17 =	vshll.u32 v19, $0x4  }
0x1ad: {  	v16 =	vld [tilespmem:s31+$0xFFFFFF60];
	v19 =	vcvt.s32.f32 v19;
	v17 =	vor.u32 v0, v17  }
0x1ae: {  	v21 =	vsub.f32 v22, v21;
	v58 =	vld [tilespmem:s31+$0xFFFFFFB0]  }
0x1af: {  	v60 =	vld [tilespmem:s2+$0x60];
	v18 =	vsub.f32 v18, v19  }
0x1b0: {  	v62 =	vld [tilespmem:s31+$0x60];
	v21 =	vand.u32 $0x7FFFFFFF, v21;
	v61 =	vshll.u32 v20, $0x4;
	v19 =	vshll.u32 v15, $0x4  }
0x1b1: {  	[tilespmem:v14+s17+$0x0] =	vst.idx.add.f32.msk $0xffff, v21;
	v59 =	vand.u32 $0x7FFFFFFF, v18;
	v15 =	vcvt.s32.f32 v15;
	v18 =	vor.u32 v0, v19  }
0x1b2: {  	[tilespmem:v17+s17+$0x0] =	vst.idx.add.f32.msk $0xffff, v59;
	v19 =	vcvt.s32.f32 v20;
	v20 =	vor.u32 v0, v61  }
0x1b3: {  	v15 =	vsub.f32 v58, v15;
	[tilespmem:v17+s18+$0x0] =	vst.idx.add.f32.msk $0xffff, v3  }
0x1b4: {  	v17 =	vsub.f32 v16, v19;
	v16 =	vld [tilespmem:s2+$0x10]  }
0x1b5: {  	v19 =	vand.u32 $0x7FFFFFFF, v15;
	v15 =	vld [tilespmem:s31+$0x10]  }
0x1b6: {  	v63 =	vcvt.s32.f32 v60;
	v17 =	vand.u32 $0x7FFFFFFF, v17;
	[tilespmem:v18+s17+$0x0] =	vst.idx.add.f32.msk $0xffff, v19  }
0x1b7: {  	[tilespmem:v20+s17+$0x0] =	vst.idx.add.f32.msk $0xffff, v17  }
0x1b8: {  	s25 =	simm.s32 $0x0;
	s23 =	simm.s32 $0x4FC0;
	s5 =	simm.s32 $0x250;
	v19 =	vshll.u32 v60, $0x4;
	v17 =	vsub.f32 v62, v63;
	[tilespmem:v20+s18+$0x0] =	vst.idx.add.f32.msk $0xffff, v3  }
.LBB2_4:
0x1b9: {  	s25 =	sadd.s32 $0x19, s25;
	[tilespmem:v18+s18+$0x0] =	vst.idx.add.f32.msk $0xffff, v3;
	s0 =	sadd.s32 $0x190, s0;
	s2 =	sadd.s32 $0x190, s2  }
0x1ba: {  	v18 =	vld [tilespmem:s2+$0xFFFFFFE0];
	p0 =	slt.u32 s25, $0x258  }
0x1bb: {  	v20 =	vld [tilespmem:s2+$0x30]  }
0x1bc: {  	v21 =	vld [tilespmem:s11+$0x4F80]  }
0x1bd: {  	[tilespmem:v14+s18+$0x0] =	vst.idx.add.f32.msk $0xffff, v3  }
0x1be: {  	v14 =	vld [tilespmem:s5+$0xFFFFFFE0]  }
0x1bf: {  	v22 =	vld [tilespmem:s11+$0x80]  }
0x1c0: {  	v24 =	vcvt.s32.f32 v16;
	v16 =	vshll.u32 v16, $0x4;
	v19 =	vor.u32 v0, v19;
	v23 =	vld [tilespmem:s2+$0x80]  }
0x1c1: {  	v16 =	vor.u32 v0, v16;
	v25 =	vld [tilespmem:s5+$0xFFFFFF90];
	v26 =	vcvt.s32.f32 v21;
	v21 =	vshll.u32 v21, $0x4  }
0x1c2: {  	v27 =	vld [tilespmem:s2+$0xFFFFFF90]  }
0x1c3: {  	v15 =	vsub.f32 v15, v24;
	v24 =	vld [tilespmem:s23+$0xB0]  }
0x1c4: {  	v17 =	vand.u32 $0x7FFFFFFF, v17;
	v22 =	vsub.f32 v22, v26;
	v26 =	vld [tilespmem:s31+$0xB0]  }
0x1c5: {  	v15 =	vand.u32 $0x7FFFFFFF, v15;
	[tilespmem:v19+s19+$0x0] =	vst.idx.add.f32.msk $0xffff, v17  }
0x1c6: {  	[tilespmem:v16+s19+$0x0] =	vst.idx.add.f32.msk $0xffff, v15  }
0x1c7: {  	v15 =	vor.u32 v0, v21;
	[tilespmem:v16+s20+$0x0] =	vst.idx.add.f32.msk $0xffff, v3  }
0x1c8: {  	v16 =	vld [tilespmem:s23+$0x20];
	v17 =	vcvt.s32.f32 v24;
	v21 =	vshll.u32 v24, $0x4  }
0x1c9: {  	v24 =	vld [tilespmem:s31+$0xFFFFFF70]  }
0x1ca: {  	v28 =	vld [tilespmem:s31+$0x20];
	v17 =	vsub.f32 v26, v17  }
0x1cb: {  	v22 =	vand.u32 $0x7FFFFFFF, v22;
	v21 =	vor.u32 v0, v21;
	v26 =	vld [tilespmem:s23+$0xFFFFFF70]  }
0x1cc: {  	[tilespmem:v15+s19+$0x0] =	vst.idx.add.f32.msk $0xffff, v22  }
0x1cd: {  	[tilespmem:v15+s20+$0x0] =	vst.idx.add.f32.msk $0xffff, v3;
	v15 =	vcvt.s32.f32 v16;
	v16 =	vshll.u32 v16, $0x4  }
0x1ce: {  	v22 =	vld [tilespmem:s23+$0xFFFFFFD0];
	v16 =	vor.u32 v0, v16  }
0x1cf: {  	v17 =	vand.u32 $0x7FFFFFFF, v17;
	v29 =	vld [tilespmem:s31+$0xFFFFFFD0];
	v15 =	vsub.f32 v28, v15  }
0x1d0: {  	v28 =	vcvt.s32.f32 v26;
	v26 =	vshll.u32 v26, $0x4;
	[tilespmem:v21+s19+$0x0] =	vst.idx.add.f32.msk $0xffff, v17  }
0x1d1: {  	[tilespmem:v21+s20+$0x0] =	vst.idx.add.f32.msk $0xffff, v3  }
0x1d2: {  	v15 =	vand.u32 $0x7FFFFFFF, v15;
	v17 =	vsub.f32 v24, v28;
	v21 =	vld [tilespmem:s11+$0x5080]  }
0x1d3: {  	v24 =	vcvt.s32.f32 v22;
	v22 =	vshll.u32 v22, $0x4;
	[tilespmem:v16+s21+$0x0] =	vst.idx.add.f32.msk $0xffff, v15  }
0x1d4: {  	[tilespmem:v16+s22+$0x0] =	vst.idx.add.f32.msk $0xffff, v3  }
0x1d5: {  	v16 =	vor.u32 v0, v22;
	v15 =	vsub.f32 v29, v24;
	[tilespmem:v19+s20+$0x0] =	vst.idx.add.f32.msk $0xffff, v3  }
0x1d6: {  	v19 =	vor.u32 v0, v26;
	v22 =	vld [tilespmem:s11+$0x180]  }
0x1d7: {  	v24 =	vld [tilespmem:s23+$0x70];
	v26 =	vshll.u32 v21, $0x4  }
0x1d8: {  	v28 =	vld [tilespmem:s31+$0x70]  }
0x1d9: {  	v15 =	vand.u32 $0x7FFFFFFF, v15;
	v29 =	vld [tilespmem:s2+$0xFFFFFF40]  }
0x1da: {  	v17 =	vand.u32 $0x7FFFFFFF, v17;
	v30 =	vld [tilespmem:s5+$0x80]  }
0x1db: {  	v31 =	vcvt.s32.f32 v27;
	[tilespmem:v19+s19+$0x0] =	vst.idx.add.f32.msk $0xffff, v17;
	v17 =	vcvt.s32.f32 v21  }
0x1dc: {  	v21 =	vcvt.s32.f32 v23;
	v23 =	vshll.u32 v23, $0x4;
	[tilespmem:v19+s20+$0x0] =	vst.idx.add.f32.msk $0xffff, v3;
	v19 =	vor.u32 v0, v26  }
0x1dd: {  	v23 =	vor.u32 v0, v23;
	v32 =	vshll.u32 v24, $0x4;
	v26 =	vld [tilespmem:s31+$0xFFFFFF80];
	v17 =	vsub.f32 v22, v17;
	s31 =	smov.u32 s5  }
0x1de: {  	v33 =	vcvt.s32.f32 v20;
	v20 =	vshll.u32 v20, $0x4;
	v24 =	vcvt.s32.f32 v24;
	v22 =	vld [tilespmem:s5+$0xFFFFFF40]  }
0x1df: {  	v20 =	vor.u32 v0, v20;
	v34 =	vld [tilespmem:s5+$0x30];
	v21 =	vsub.f32 v30, v21;
	v30 =	vor.u32 v0, v32  }
0x1e0: {  	v32 =	vcvt.s32.f32 v18;
	v18 =	vshll.u32 v18, $0x4;
	v17 =	vand.u32 $0x7FFFFFFF, v17;
	v35 =	vld [tilespmem:s23+$0xFFFFFF80];
	s23 =	smov.u32 s2  }
0x1e1: {  	v27 =	vshll.u32 v27, $0x4;
	v24 =	vsub.f32 v28, v24;
	v18 =	vor.u32 v0, v18;
	[tilespmem:v19+s21+$0x0] =	vst.idx.add.f32.msk $0xffff, v17  }
0x1e2: {  	v27 =	vor.u32 v0, v27;
	v17 =	vshll.u32 v29, $0x4;
	[tilespmem:v19+s22+$0x0] =	vst.idx.add.f32.msk $0xffff, v3  }
0x1e3: {  	v17 =	vor.u32 v0, v17;
	v19 =	vsub.f32 v25, v31;
	[tilespmem:v16+s21+$0x0] =	vst.idx.add.f32.msk $0xffff, v15;
	v15 =	vand.u32 $0x7FFFFFFF, v24  }
0x1e4: {  	v21 =	vand.u32 $0x7FFFFFFF, v21;
	v24 =	vcvt.s32.f32 v29;
	v25 =	vsub.f32 v34, v33;
	[tilespmem:v16+s22+$0x0] =	vst.idx.add.f32.msk $0xffff, v3  }
0x1e5: {  	v14 =	vsub.f32 v14, v32;
	v16 =	vshll.u32 v35, $0x4;
	[tilespmem:v30+s21+$0x0] =	vst.idx.add.f32.msk $0xffff, v15  }
0x1e6: {  	v15 =	vand.u32 $0x7FFFFFFF, v19;
	v19 =	vand.u32 $0x7FFFFFFF, v25;
	v25 =	vcvt.s32.f32 v35;
	[tilespmem:v30+s22+$0x0] =	vst.idx.add.f32.msk $0xffff, v3  }
0x1e7: {  	v22 =	vsub.f32 v22, v24;
	v16 =	vor.u32 v0, v16;
	[tilespmem:v20+s13+$0x0] =	vst.idx.add.f32.msk $0xffff, v19  }
0x1e8: {  	v14 =	vand.u32 $0x7FFFFFFF, v14;
	[tilespmem:v27+s13+$0x0] =	vst.idx.add.f32.msk $0xffff, v15;
	v15 =	vsub.f32 v26, v25  }
0x1e9: {  	v19 =	vand.u32 $0x7FFFFFFF, v22;
	[tilespmem:v18+s13+$0x0] =	vst.idx.add.f32.msk $0xffff, v14  }
0x1ea: {  	[tilespmem:v17+s13+$0x0] =	vst.idx.add.f32.msk $0xffff, v19  }
0x1eb: {  	v14 =	vand.u32 $0x7FFFFFFF, v15;
	[tilespmem:v20+s14+$0x0] =	vst.idx.add.f32.msk $0xffff, v3  }
0x1ec: {  	[tilespmem:v16+s21+$0x0] =	vst.idx.add.f32.msk $0xffff, v14  }
0x1ed: {  	[tilespmem:v17+s14+$0x0] =	vst.idx.add.f32.msk $0xffff, v3  }
0x1ee: {  	s11 =	sand.u32 $0x3FF0, s0;
	[tilespmem:v16+s22+$0x0] =	vst.idx.add.f32.msk $0xffff, v3  }
0x1ef: {  	v14 =	vld [tilespmem:s11+$0x100]  }
0x1f0: {  	v15 =	vld [tilespmem:s11+$0x5000]  }
0x1f1: {  	[tilespmem:v23+s13+$0x0] =	vst.idx.add.f32.msk $0xffff, v21  }
0x1f2: {  	[tilespmem:v23+s14+$0x0] =	vst.idx.add.f32.msk $0xffff, v3  }
0x1f3: {  	v16 =	vld [tilespmem:s5+$0x90]  }
0x1f4: {  	v17 =	vld [tilespmem:s2+$0x90]  }
0x1f5: {  	v19 =	vld [tilespmem:s2+$0xFFFFFF50];
	v20 =	vcvt.s32.f32 v15;
	v15 =	vshll.u32 v15, $0x4  }
0x1f6: {  	[tilespmem:v18+s14+$0x0] =	vst.idx.add.f32.msk $0xffff, v3;
	v15 =	vor.u32 v0, v15  }
0x1f7: {  	v18 =	vld [tilespmem:s2+$0xFFFFFFF0];
	v14 =	vsub.f32 v14, v20  }
0x1f8: {  	[tilespmem:v27+s14+$0x0] =	vst.idx.add.f32.msk $0xffff, v3  }
0x1f9: {  	v20 =	vld [tilespmem:s2+$0xFFFFFFA0];
	v21 =	vcvt.s32.f32 v17;
	v17 =	vshll.u32 v17, $0x4  }
0x1fa: {  	v14 =	vand.u32 $0x7FFFFFFF, v14;
	v22 =	vshll.u32 v19, $0x4;
	v23 =	vld [tilespmem:s5+$0xFFFFFFF0]  }
0x1fb: {  	[tilespmem:v15+s15+$0x0] =	vst.idx.add.f32.msk $0xffff, v14;
	v14 =	vsub.f32 v16, v21  }
0x1fc: {  	v17 =	vor.u32 v0, v17;
	v16 =	vld [tilespmem:s5+$0xFFFFFFA0]  }
0x1fd: {  	v21 =	vcvt.s32.f32 v18;
	v18 =	vshll.u32 v18, $0x4;
	[tilespmem:v15+s16+$0x0] =	vst.idx.add.f32.msk $0xffff, v3  }
0x1fe: {  	v18 =	vor.u32 v0, v18;
	v15 =	vshll.u32 v20, $0x4;
	v24 =	vld [tilespmem:s2+$0x50]  }
0x1ff: {  	v20 =	vcvt.s32.f32 v20;
	v25 =	vld [tilespmem:s5+$0xFFFFFF50];
	v21 =	vsub.f32 v23, v21  }
0x200: {  	v14 =	vand.u32 $0x7FFFFFFF, v14;
	v23 =	vld [tilespmem:s5+$0x50]  }
0x201: {  	v16 =	vsub.f32 v16, v20;
	[tilespmem:v17+s15+$0x0] =	vst.idx.add.f32.msk $0xffff, v14  }
0x202: {  	v14 =	vcvt.s32.f32 v19;
	v19 =	vor.u32 v0, v22;
	v20 =	vand.u32 $0x7FFFFFFF, v21;
	[tilespmem:v17+s16+$0x0] =	vst.idx.add.f32.msk $0xffff, v3  }
0x203: {  	v17 =	vcvt.s32.f32 v24;
	v21 =	vshll.u32 v24, $0x4;
	v22 =	vld [tilespmem:s2+$0xA0]  }
0x204: {  	v14 =	vsub.f32 v25, v14;
	[tilespmem:v18+s15+$0x0] =	vst.idx.add.f32.msk $0xffff, v20  }
0x205: {  	v17 =	vsub.f32 v23, v17;
	v20 =	vld [tilespmem:s5+$0xA0]  }
0x206: {  	v14 =	vand.u32 $0x7FFFFFFF, v14;
	[tilespmem:v18+s16+$0x0] =	vst.idx.add.f32.msk $0xffff, v3;
	v18 =	vor.u32 v0, v21  }
0x207: {  	[tilespmem:v19+s15+$0x0] =	vst.idx.add.f32.msk $0xffff, v14  }
0x208: {  	v15 =	vor.u32 v0, v15;
	[tilespmem:v19+s16+$0x0] =	vst.idx.add.f32.msk $0xffff, v3  }
0x209: {  	v19 =	vld [tilespmem:s2+$0xFFFFFF60]  }
0x20a: {  	v14 =	vand.u32 $0x7FFFFFFF, v17;
	v17 =	vcvt.s32.f32 v22;
	v22 =	vshll.u32 v22, $0x4;
	v21 =	vld [tilespmem:s2+$0x0]  }
0x20b: {  	[tilespmem:v18+s17+$0x0] =	vst.idx.add.f32.msk $0xffff, v14;
	v14 =	vor.u32 v0, v22  }
0x20c: {  	v16 =	vand.u32 $0x7FFFFFFF, v16;
	v17 =	vsub.f32 v20, v17;
	v22 =	vld [tilespmem:s5+$0x0]  }
0x20d: {  	[tilespmem:v15+s15+$0x0] =	vst.idx.add.f32.msk $0xffff, v16  }
0x20e: {  	v16 =	vshll.u32 v19, $0x4;
	[tilespmem:v15+s16+$0x0] =	vst.idx.add.f32.msk $0xffff, v3  }
0x20f: {  	v17 =	vand.u32 $0x7FFFFFFF, v17;
	v15 =	vld [tilespmem:s2+$0xFFFFFFB0];
	v20 =	vshll.u32 v21, $0x4  }
0x210: {  	v21 =	vcvt.s32.f32 v21;
	v20 =	vor.u32 v0, v20;
	[tilespmem:v14+s17+$0x0] =	vst.idx.add.f32.msk $0xffff, v17  }
0x211: {  	v17 =	vld [tilespmem:s5+$0xFFFFFFB0]  }
0x212: {  	v21 =	vsub.f32 v22, v21;
	[tilespmem:v18+s18+$0x0] =	vst.idx.add.f32.msk $0xffff, v3  }
0x213: {  	v22 =	vld [tilespmem:s5+$0xFFFFFF60]  }
0x214: {  	v21 =	vand.u32 $0x7FFFFFFF, v21;
	v18 =	vshll.u32 v15, $0x4;
	v23 =	vld [tilespmem:s2+$0x60]  }
0x215: {  	v15 =	vcvt.s32.f32 v15;
	v18 =	vor.u32 v0, v18;
	[tilespmem:v20+s17+$0x0] =	vst.idx.add.f32.msk $0xffff, v21  }
0x216: {  	v19 =	vcvt.s32.f32 v19;
	v21 =	vor.u32 v0, v16;
	v24 =	vld [tilespmem:s5+$0x60]  }
0x217: {  	v15 =	vsub.f32 v17, v15;
	[tilespmem:v20+s18+$0x0] =	vst.idx.add.f32.msk $0xffff, v3  }
.Ltmp5:
0x218: {  	v17 =	vsub.f32 v22, v19;
	v16 =	vld [tilespmem:s2+$0x10];
	(pc) =	sbr.rel @p0 .LBB2_4-.Ltmp5, $4  }
0x219: {  	v20 =	vand.u32 $0x7FFFFFFF, v15;
	v15 =	vld [tilespmem:s5+$0x10];
	v22 =	vcvt.s32.f32 v23;
	v19 =	vshll.u32 v23, $0x4  }
0x21a: {  	v17 =	vand.u32 $0x7FFFFFFF, v17;
	[tilespmem:v18+s17+$0x0] =	vst.idx.add.f32.msk $0xffff, v20  }
0x21b: {  	[tilespmem:v21+s17+$0x0] =	vst.idx.add.f32.msk $0xffff, v17;
	v17 =	vsub.f32 v24, v22  }
0x21c: {  	s5 =	sadd.s32 $0x190, s5;
	[tilespmem:v21+s18+$0x0] =	vst.idx.add.f32.msk $0xffff, v3  }
0x21d: {  	_ =	sdelay $0x3  }
0x21e: {  	[tilespmem:v18+s18+$0x0] =	vst.idx.add.f32.msk $0xffff, v3  }
0x21f: {  	[tilespmem:v14+s18+$0x0] =	vst.idx.add.f32.msk $0xffff, v3  }
0x220: {  	v47 =	vld [tilespmem:s31+$0xFFFFFF70]  }
0x221: {  	v20 =	vshll.u32 v16, $0x4;
	v19 =	vor.u32 v0, v19;
	v23 =	vld [tilespmem:s23+$0xFFFFFF70]  }
0x222: {  	v14 =	vcvt.s32.f32 v16;
	v18 =	vld [tilespmem:s11+$0x4F80];
	v44 =	vor.u32 v0, v20  }
0x223: {  	v45 =	vld [tilespmem:s11+$0x80]  }
0x224: {  	v21 =	vld [tilespmem:s31+$0xB0];
	v14 =	vsub.f32 v15, v14  }
0x225: {  	v17 =	vand.u32 $0x7FFFFFFF, v17;
	v15 =	vld [tilespmem:s23+$0xB0]  }
0x226: {  	v14 =	vand.u32 $0x7FFFFFFF, v14;
	[tilespmem:v19+s19+$0x0] =	vst.idx.add.f32.msk $0xffff, v17  }
0x227: {  	v46 =	vshll.u32 v18, $0x4;
	[tilespmem:v44+s19+$0x0] =	vst.idx.add.f32.msk $0xffff, v14  }
0x228: {  	v14 =	vcvt.s32.f32 v18;
	[tilespmem:v19+s20+$0x0] =	vst.idx.add.f32.msk $0xffff, v3;
	v17 =	vor.u32 v0, v46  }
0x229: {  	[tilespmem:v44+s20+$0x0] =	vst.idx.add.f32.msk $0xffff, v3  }
0x22a: {  	v48 =	vshll.u32 v15, $0x4;
	v54 =	vld [tilespmem:s23+$0x70];
	v14 =	vsub.f32 v45, v14  }
0x22b: {  	v15 =	vcvt.s32.f32 v15;
	v24 =	vld [tilespmem:s31+$0x70];
	v20 =	vor.u32 v0, v48  }
0x22c: {  	v16 =	vld [tilespmem:s23+$0x20];
	v14 =	vand.u32 $0x7FFFFFFF, v14  }
0x22d: {  	[tilespmem:v17+s19+$0x0] =	vst.idx.add.f32.msk $0xffff, v14;
	v14 =	vsub.f32 v21, v15  }
0x22e: {  	v22 =	vld [tilespmem:s31+$0x20]  }
0x22f: {  	[tilespmem:v17+s20+$0x0] =	vst.idx.add.f32.msk $0xffff, v3;
	v14 =	vand.u32 $0x7FFFFFFF, v14  }
0x230: {  	v49 =	vshll.u32 v23, $0x4;
	[tilespmem:v20+s19+$0x0] =	vst.idx.add.f32.msk $0xffff, v14  }
0x231: {  	v50 =	vor.u32 v0, v49;
	v14 =	vcvt.s32.f32 v23;
	[tilespmem:v20+s20+$0x0] =	vst.idx.add.f32.msk $0xffff, v3  }
0x232: {  	v51 =	vld [tilespmem:s11+$0x5080]  }
0x233: {  	v15 =	vld [tilespmem:s23+$0xFFFFFFD0];
	v14 =	vsub.f32 v47, v14  }
0x234: {  	v52 =	vshll.u32 v16, $0x4;
	v17 =	vld [tilespmem:s31+$0xFFFFFFD0]  }
0x235: {  	v16 =	vcvt.s32.f32 v16;
	v18 =	vor.u32 v0, v52;
	v53 =	vld [tilespmem:s11+$0x180];
	v14 =	vand.u32 $0x7FFFFFFF, v14  }
0x236: {  	v60 =	vshll.u32 v54, $0x4;
	[tilespmem:v50+s19+$0x0] =	vst.idx.add.f32.msk $0xffff, v14  }
0x237: {  	v61 =	vcvt.s32.f32 v54;
	v14 =	vsub.f32 v22, v16;
	[tilespmem:v50+s20+$0x0] =	vst.idx.add.f32.msk $0xffff, v3;
	v55 =	vshll.u32 v51, $0x4  }
0x238: {  	v20 =	vor.u32 v0, v60;
	v56 =	vcvt.s32.f32 v51;
	v57 =	vld [tilespmem:s23+$0xFFFFFF80];
	v16 =	vor.u32 v0, v55  }
0x239: {  	v58 =	vcvt.s32.f32 v15;
	v15 =	vshll.u32 v15, $0x4;
	v14 =	vand.u32 $0x7FFFFFFF, v14;
	v59 =	vld [tilespmem:s31+$0xFFFFFF80]  }
0x23a: {  	[tilespmem:v18+s21+$0x0] =	vst.idx.add.f32.msk $0xffff, v14;
	v14 =	vor.u32 v0, v15;
	v15 =	vsub.f32 v53, v56  }
0x23b: {  	[tilespmem:v18+s22+$0x0] =	vst.idx.add.f32.msk $0xffff, v3;
	v18 =	vsub.f32 v24, v61  }
0x23c: {  	v17 =	vsub.f32 v17, v58;
	v15 =	vand.u32 $0x7FFFFFFF, v15  }
0x23d: {  	v63 =	vand.u32 $0x7FFFFFFF, v18;
	[tilespmem:v16+s21+$0x0] =	vst.idx.add.f32.msk $0xffff, v15;
	v15 =	vshll.u32 v57, $0x4  }
0x23e: {  	v17 =	vand.u32 $0x7FFFFFFF, v17;
	v62 =	vcvt.s32.f32 v57;
	[tilespmem:v20+s21+$0x0] =	vst.idx.add.f32.msk $0xffff, v63;
	v15 =	vor.u32 v0, v15  }
0x23f: {  	p0 =	seq.s32 s30, $0x0;
	[tilespmem:v14+s21+$0x0] =	vst.idx.add.f32.msk $0xffff, v17  }
.Ltmp6:
0x240: {  	[tilespmem:v14+s22+$0x0] =	vst.idx.add.f32.msk $0xffff, v3;
	v14 =	vsub.f32 v59, v62;
	(pc) =	sbr.rel @p0 .LBB2_9-.Ltmp6, $4  }
0x241: {  	[tilespmem:v20+s22+$0x0] =	vst.idx.add.f32.msk $0xffff, v3  }
0x242: {  	[tilespmem:v16+s22+$0x0] =	vst.idx.add.f32.msk $0xffff, v3;
	v14 =	vand.u32 $0x7FFFFFFF, v14  }
0x243: {  	[tilespmem:v15+s21+$0x0] =	vst.idx.add.f32.msk $0xffff, v14  }
0x244: {  	[tilespmem:v15+s22+$0x0] =	vst.idx.add.f32.msk $0xffff, v3  }
.LBB2_6:
0x245: {  	p0 =	seq.s32 s29, $0x18  }
0x246: {  	s0 =	smul.u32 @!p0 $0x2710, s29;
	_ =	sdelay $0x1  }
0x247: {  	s0 =	sadd.s32 @!p0 s0, s7  }
0x248: {  	s0 =	sshrl.u32 @!p0 s0, $0x3  }
0x249: {  	s5 =	simm.s32 @!p0 $0x0;
	s2 =	sadd.s32 @!p0 s1, s0  }
0x24a: {  	[tilespmem:s5], [sflag:$0x1] =	stream.linear.gather @!p0 [hbm4b:s2+s5], $0x2710, $0x38;
	[tilespmem:$0xA900] =	vst v63  }
0x24b: {  	s0 =	sadd.s32 @!p0 s3, s0;
	s2 =	simm.s32 @!p0 $0x4F00  }
0x24c: {  	[tilespmem:s2], [sflag:$0x1] =	stream.linear.gather @!p0 [hbm4b:s0+s5], $0x2710, $0x38;
	[tilespmem:$0xA900] =	vst v63  }
0x24d: {  	_ =	swait.ge [sflag:s12], $0x2710  }
0x24e: {  	[sflag:s12] =	ssyncset.done $0x0  }
0x24f: {  	[sflag:s12] =	ssyncadd.s32 $0xFFFFD8F0  }
0x250: {  	_ =	swait.ge [sflag:s12], $0x2710  }
0x251: {  	[sflag:s12] =	ssyncset.done $0x0  }
0x252: {  	s2 =	simm.s32 $0x7740;
	[sflag:s12] =	ssyncadd.s32 $0xFFFFD8F0  }
0x253: {  	v14 =	vld [tilespmem:s2+$0x30]  }
0x254: {  	v15 =	vld [tilespmem:s2+$0xFFFFFF90]  }
0x255: {  	v16 =	vld [tilespmem:s2+$0xFFFFFFE0]  }
0x256: {  	s30 =	simm.s32 $0x2840;
	v17 =	vld [tilespmem:s2+$0xFFFFFF40]  }
0x257: {  	v18 =	vld [tilespmem:s30+$0x30]  }
0x258: {  	v19 =	vld [tilespmem:s30+$0xFFFFFF90]  }
0x259: {  	v20 =	vld [tilespmem:s30+$0xFFFFFFE0];
	v21 =	vcvt.s32.f32 v15;
	v22 =	vshll.u32 v14, $0x4  }
0x25a: {  	v23 =	vld [tilespmem:s30+$0xFFFFFF40];
	v14 =	vcvt.s32.f32 v14;
	v15 =	vshll.u32 v15, $0x4;
	v22 =	vor.u32 v0, v22  }
0x25b: {  	v24 =	vcvt.s32.f32 v16;
	v16 =	vshll.u32 v16, $0x4;
	v15 =	vor.u32 v0, v15  }
0x25c: {  	v26 =	vshll.u32 v17, $0x4;
	v16 =	vor.u32 v0, v16;
	v14 =	vsub.f32 v18, v14  }
0x25d: {  	v25 =	vld [tilespmem:s2+$0x80];
	v17 =	vcvt.s32.f32 v17;
	v18 =	vor.u32 v0, v26;
	v19 =	vsub.f32 v19, v21  }
0x25e: {  	v50 =	vld [tilespmem:s30+$0x80];
	v20 =	vsub.f32 v20, v24;
	v14 =	vand.u32 $0x7FFFFFFF, v14  }
0x25f: {  	v17 =	vsub.f32 v23, v17;
	v19 =	vand.u32 $0x7FFFFFFF, v19;
	[tilespmem:v22+s13+$0x0] =	vst.idx.add.f32.msk $0xffff, v14  }
0x260: {  	[tilespmem:v15+s13+$0x0] =	vst.idx.add.f32.msk $0xffff, v19;
	v14 =	vand.u32 $0x7FFFFFFF, v20  }
0x261: {  	v17 =	vand.u32 $0x7FFFFFFF, v17;
	[tilespmem:v16+s13+$0x0] =	vst.idx.add.f32.msk $0xffff, v14  }
0x262: {  	[tilespmem:v18+s13+$0x0] =	vst.idx.add.f32.msk $0xffff, v17  }
0x263: {  	[tilespmem:v22+s14+$0x0] =	vst.idx.add.f32.msk $0xffff, v3  }
0x264: {  	s0 =	simm.s32 $0x0;
	v19 =	vshll.u32 v25, $0x4;
	[tilespmem:v15+s14+$0x0] =	vst.idx.add.f32.msk $0xffff, v3  }
0x265: {  	s11 =	sand.u32 $0x3FF0, s0;
	v14 =	vcvt.s32.f32 v25;
	v19 =	vor.u32 v0, v19;
	[tilespmem:v18+s14+$0x0] =	vst.idx.add.f32.msk $0xffff, v3  }
0x266: {  	v17 =	vld [tilespmem:s11+$0x2880]  }
0x267: {  	v18 =	vld [tilespmem:s11+$0x7780];
	v14 =	vsub.f32 v50, v14  }
0x268: {  	[tilespmem:v16+s14+$0x0] =	vst.idx.add.f32.msk $0xffff, v3  }
0x269: {  	v15 =	vld [tilespmem:s2+$0xFFFFFFA0];
	v14 =	vand.u32 $0x7FFFFFFF, v14  }
0x26a: {  	[tilespmem:v19+s13+$0x0] =	vst.idx.add.f32.msk $0xffff, v14  }
0x26b: {  	[tilespmem:v19+s14+$0x0] =	vst.idx.add.f32.msk $0xffff, v3  }
0x26c: {  	v51 =	vshll.u32 v18, $0x4;
	v19 =	vld [tilespmem:s2+$0x90]  }
0x26d: {  	v20 =	vld [tilespmem:s2+$0xFFFFFF50];
	v18 =	vcvt.s32.f32 v18;
	v16 =	vor.u32 v0, v51  }
0x26e: {  	v52 =	vld [tilespmem:s2+$0xFFFFFFF0]  }
0x26f: {  	v14 =	vld [tilespmem:s30+$0x90];
	v17 =	vsub.f32 v17, v18  }
0x270: {  	v54 =	vld [tilespmem:s30+$0xFFFFFF50]  }
0x271: {  	v18 =	vld [tilespmem:s30+$0xFFFFFFF0];
	v17 =	vand.u32 $0x7FFFFFFF, v17;
	v53 =	vshll.u32 v19, $0x4  }
0x272: {  	[tilespmem:v16+s15+$0x0] =	vst.idx.add.f32.msk $0xffff, v17;
	v17 =	vcvt.s32.f32 v19;
	v22 =	vor.u32 v0, v53  }
0x273: {  	[tilespmem:v16+s16+$0x0] =	vst.idx.add.f32.msk $0xffff, v3;
	v16 =	vshll.u32 v52, $0x4  }
0x274: {  	v21 =	vcvt.s32.f32 v52;
	v19 =	vld [tilespmem:s30+$0xFFFFFFA0];
	v14 =	vsub.f32 v14, v17;
	v16 =	vor.u32 v0, v16  }
0x275: {  	v17 =	vld [tilespmem:s2+$0x50]  }
0x276: {  	v18 =	vsub.f32 v18, v21;
	v55 =	vld [tilespmem:s30+$0x50];
	v14 =	vand.u32 $0x7FFFFFFF, v14  }
0x277: {  	v56 =	vshll.u32 v20, $0x4;
	[tilespmem:v22+s15+$0x0] =	vst.idx.add.f32.msk $0xffff, v14  }
0x278: {  	v18 =	vand.u32 $0x7FFFFFFF, v18;
	v14 =	vcvt.s32.f32 v20;
	v20 =	vor.u32 v0, v56;
	[tilespmem:v22+s16+$0x0] =	vst.idx.add.f32.msk $0xffff, v3  }
0x279: {  	[tilespmem:v16+s15+$0x0] =	vst.idx.add.f32.msk $0xffff, v18  }
0x27a: {  	v57 =	vld [tilespmem:s2+$0xA0];
	v14 =	vsub.f32 v54, v14  }
0x27b: {  	v18 =	vshll.u32 v17, $0x4;
	v22 =	vld [tilespmem:s30+$0xA0]  }
0x27c: {  	v17 =	vcvt.s32.f32 v17;
	[tilespmem:v16+s16+$0x0] =	vst.idx.add.f32.msk $0xffff, v3;
	v16 =	vor.u32 v0, v18;
	v14 =	vand.u32 $0x7FFFFFFF, v14  }
0x27d: {  	v18 =	vshll.u32 v15, $0x4;
	[tilespmem:v20+s15+$0x0] =	vst.idx.add.f32.msk $0xffff, v14  }
0x27e: {  	v14 =	vcvt.s32.f32 v15;
	v15 =	vsub.f32 v55, v17;
	v17 =	vor.u32 v0, v18;
	[tilespmem:v20+s16+$0x0] =	vst.idx.add.f32.msk $0xffff, v3  }
0x27f: {  	v20 =	vld [tilespmem:s2+$0xFFFFFF60]  }
0x280: {  	v18 =	vsub.f32 v19, v14;
	v19 =	vld [tilespmem:s2+$0x0];
	v14 =	vand.u32 $0x7FFFFFFF, v15  }
0x281: {  	v15 =	vshll.u32 v57, $0x4;
	[tilespmem:v16+s17+$0x0] =	vst.idx.add.f32.msk $0xffff, v14  }
0x282: {  	v14 =	vor.u32 v0, v15;
	v15 =	vand.u32 $0x7FFFFFFF, v18;
	v18 =	vld [tilespmem:s30+$0x0]  }
0x283: {  	[tilespmem:v17+s15+$0x0] =	vst.idx.add.f32.msk $0xffff, v15  }
0x284: {  	[tilespmem:v17+s16+$0x0] =	vst.idx.add.f32.msk $0xffff, v3  }
0x285: {  	v15 =	vld [tilespmem:s2+$0xFFFFFFB0]  }
0x286: {  	v21 =	vcvt.s32.f32 v57;
	[tilespmem:v16+s18+$0x0] =	vst.idx.add.f32.msk $0xffff, v3;
	v17 =	vshll.u32 v19, $0x4  }
0x287: {  	v16 =	vld [tilespmem:s30+$0xFFFFFF60];
	v19 =	vcvt.s32.f32 v19;
	v17 =	vor.u32 v0, v17  }
0x288: {  	v21 =	vsub.f32 v22, v21;
	v58 =	vld [tilespmem:s30+$0xFFFFFFB0]  }
0x289: {  	v60 =	vld [tilespmem:s2+$0x60];
	v18 =	vsub.f32 v18, v19  }
0x28a: {  	v62 =	vld [tilespmem:s30+$0x60];
	v21 =	vand.u32 $0x7FFFFFFF, v21;
	v61 =	vshll.u32 v20, $0x4;
	v19 =	vshll.u32 v15, $0x4  }
0x28b: {  	[tilespmem:v14+s17+$0x0] =	vst.idx.add.f32.msk $0xffff, v21;
	v59 =	vand.u32 $0x7FFFFFFF, v18;
	v15 =	vcvt.s32.f32 v15;
	v18 =	vor.u32 v0, v19  }
0x28c: {  	[tilespmem:v17+s17+$0x0] =	vst.idx.add.f32.msk $0xffff, v59;
	v19 =	vcvt.s32.f32 v20;
	v20 =	vor.u32 v0, v61  }
0x28d: {  	v15 =	vsub.f32 v58, v15;
	[tilespmem:v17+s18+$0x0] =	vst.idx.add.f32.msk $0xffff, v3  }
0x28e: {  	v17 =	vsub.f32 v16, v19;
	v16 =	vld [tilespmem:s2+$0x10]  }
0x28f: {  	v19 =	vand.u32 $0x7FFFFFFF, v15;
	v15 =	vld [tilespmem:s30+$0x10]  }
0x290: {  	v63 =	vcvt.s32.f32 v60;
	v17 =	vand.u32 $0x7FFFFFFF, v17;
	[tilespmem:v18+s17+$0x0] =	vst.idx.add.f32.msk $0xffff, v19  }
0x291: {  	[tilespmem:v20+s17+$0x0] =	vst.idx.add.f32.msk $0xffff, v17  }
0x292: {  	s25 =	simm.s32 $0x0;
	s23 =	simm.s32 $0x7740;
	s5 =	simm.s32 $0x29D0;
	v19 =	vshll.u32 v60, $0x4;
	v17 =	vsub.f32 v62, v63;
	[tilespmem:v20+s18+$0x0] =	vst.idx.add.f32.msk $0xffff, v3  }
.LBB2_7:
0x293: {  	s25 =	sadd.s32 $0x19, s25;
	[tilespmem:v18+s18+$0x0] =	vst.idx.add.f32.msk $0xffff, v3;
	s0 =	sadd.s32 $0x190, s0;
	s2 =	sadd.s32 $0x190, s2  }
0x294: {  	v18 =	vld [tilespmem:s2+$0xFFFFFFE0];
	p0 =	slt.u32 s25, $0x258  }
0x295: {  	v20 =	vld [tilespmem:s2+$0x30]  }
0x296: {  	v21 =	vld [tilespmem:s11+$0x7700]  }
0x297: {  	[tilespmem:v14+s18+$0x0] =	vst.idx.add.f32.msk $0xffff, v3  }
0x298: {  	v14 =	vld [tilespmem:s5+$0xFFFFFFE0]  }
0x299: {  	v22 =	vld [tilespmem:s11+$0x2800]  }
0x29a: {  	v24 =	vcvt.s32.f32 v16;
	v16 =	vshll.u32 v16, $0x4;
	v19 =	vor.u32 v0, v19;
	v23 =	vld [tilespmem:s2+$0x80]  }
0x29b: {  	v16 =	vor.u32 v0, v16;
	v25 =	vld [tilespmem:s5+$0xFFFFFF90];
	v26 =	vcvt.s32.f32 v21;
	v21 =	vshll.u32 v21, $0x4  }
0x29c: {  	v27 =	vld [tilespmem:s2+$0xFFFFFF90]  }
0x29d: {  	v15 =	vsub.f32 v15, v24;
	v24 =	vld [tilespmem:s23+$0xB0]  }
0x29e: {  	v17 =	vand.u32 $0x7FFFFFFF, v17;
	v22 =	vsub.f32 v22, v26;
	v26 =	vld [tilespmem:s30+$0xB0]  }
0x29f: {  	v15 =	vand.u32 $0x7FFFFFFF, v15;
	[tilespmem:v19+s19+$0x0] =	vst.idx.add.f32.msk $0xffff, v17  }
0x2a0: {  	[tilespmem:v16+s19+$0x0] =	vst.idx.add.f32.msk $0xffff, v15  }
0x2a1: {  	v15 =	vor.u32 v0, v21;
	[tilespmem:v16+s20+$0x0] =	vst.idx.add.f32.msk $0xffff, v3  }
0x2a2: {  	v16 =	vld [tilespmem:s23+$0x20];
	v17 =	vcvt.s32.f32 v24;
	v21 =	vshll.u32 v24, $0x4  }
0x2a3: {  	v24 =	vld [tilespmem:s30+$0xFFFFFF70]  }
0x2a4: {  	v28 =	vld [tilespmem:s30+$0x20];
	v17 =	vsub.f32 v26, v17  }
0x2a5: {  	v22 =	vand.u32 $0x7FFFFFFF, v22;
	v21 =	vor.u32 v0, v21;
	v26 =	vld [tilespmem:s23+$0xFFFFFF70]  }
0x2a6: {  	[tilespmem:v15+s19+$0x0] =	vst.idx.add.f32.msk $0xffff, v22  }
0x2a7: {  	[tilespmem:v15+s20+$0x0] =	vst.idx.add.f32.msk $0xffff, v3;
	v15 =	vcvt.s32.f32 v16;
	v16 =	vshll.u32 v16, $0x4  }
0x2a8: {  	v22 =	vld [tilespmem:s23+$0xFFFFFFD0];
	v16 =	vor.u32 v0, v16  }
0x2a9: {  	v17 =	vand.u32 $0x7FFFFFFF, v17;
	v29 =	vld [tilespmem:s30+$0xFFFFFFD0];
	v15 =	vsub.f32 v28, v15  }
0x2aa: {  	v28 =	vcvt.s32.f32 v26;
	v26 =	vshll.u32 v26, $0x4;
	[tilespmem:v21+s19+$0x0] =	vst.idx.add.f32.msk $0xffff, v17  }
0x2ab: {  	[tilespmem:v21+s20+$0x0] =	vst.idx.add.f32.msk $0xffff, v3  }
0x2ac: {  	v15 =	vand.u32 $0x7FFFFFFF, v15;
	v17 =	vsub.f32 v24, v28;
	v21 =	vld [tilespmem:s11+$0x7800]  }
0x2ad: {  	v24 =	vcvt.s32.f32 v22;
	v22 =	vshll.u32 v22, $0x4;
	[tilespmem:v16+s21+$0x0] =	vst.idx.add.f32.msk $0xffff, v15  }
0x2ae: {  	[tilespmem:v16+s22+$0x0] =	vst.idx.add.f32.msk $0xffff, v3  }
0x2af: {  	v16 =	vor.u32 v0, v22;
	v15 =	vsub.f32 v29, v24;
	[tilespmem:v19+s20+$0x0] =	vst.idx.add.f32.msk $0xffff, v3  }
0x2b0: {  	v19 =	vor.u32 v0, v26;
	v22 =	vld [tilespmem:s11+$0x2900]  }
0x2b1: {  	v24 =	vld [tilespmem:s23+$0x70];
	v26 =	vshll.u32 v21, $0x4  }
0x2b2: {  	v28 =	vld [tilespmem:s30+$0x70]  }
0x2b3: {  	v15 =	vand.u32 $0x7FFFFFFF, v15;
	v29 =	vld [tilespmem:s2+$0xFFFFFF40]  }
0x2b4: {  	v17 =	vand.u32 $0x7FFFFFFF, v17;
	v30 =	vld [tilespmem:s5+$0x80]  }
0x2b5: {  	v31 =	vcvt.s32.f32 v27;
	[tilespmem:v19+s19+$0x0] =	vst.idx.add.f32.msk $0xffff, v17;
	v17 =	vcvt.s32.f32 v21  }
0x2b6: {  	v21 =	vcvt.s32.f32 v23;
	v23 =	vshll.u32 v23, $0x4;
	[tilespmem:v19+s20+$0x0] =	vst.idx.add.f32.msk $0xffff, v3;
	v19 =	vor.u32 v0, v26  }
0x2b7: {  	v23 =	vor.u32 v0, v23;
	v32 =	vshll.u32 v24, $0x4;
	v26 =	vld [tilespmem:s30+$0xFFFFFF80];
	v17 =	vsub.f32 v22, v17;
	s30 =	smov.u32 s5  }
0x2b8: {  	v33 =	vcvt.s32.f32 v20;
	v20 =	vshll.u32 v20, $0x4;
	v24 =	vcvt.s32.f32 v24;
	v22 =	vld [tilespmem:s5+$0xFFFFFF40]  }
0x2b9: {  	v20 =	vor.u32 v0, v20;
	v34 =	vld [tilespmem:s5+$0x30];
	v21 =	vsub.f32 v30, v21;
	v30 =	vor.u32 v0, v32  }
0x2ba: {  	v32 =	vcvt.s32.f32 v18;
	v18 =	vshll.u32 v18, $0x4;
	v17 =	vand.u32 $0x7FFFFFFF, v17;
	v35 =	vld [tilespmem:s23+$0xFFFFFF80];
	s23 =	smov.u32 s2  }
0x2bb: {  	v27 =	vshll.u32 v27, $0x4;
	v24 =	vsub.f32 v28, v24;
	v18 =	vor.u32 v0, v18;
	[tilespmem:v19+s21+$0x0] =	vst.idx.add.f32.msk $0xffff, v17  }
0x2bc: {  	v27 =	vor.u32 v0, v27;
	v17 =	vshll.u32 v29, $0x4;
	[tilespmem:v19+s22+$0x0] =	vst.idx.add.f32.msk $0xffff, v3  }
0x2bd: {  	v17 =	vor.u32 v0, v17;
	v19 =	vsub.f32 v25, v31;
	[tilespmem:v16+s21+$0x0] =	vst.idx.add.f32.msk $0xffff, v15;
	v15 =	vand.u32 $0x7FFFFFFF, v24  }
0x2be: {  	v21 =	vand.u32 $0x7FFFFFFF, v21;
	v24 =	vcvt.s32.f32 v29;
	v25 =	vsub.f32 v34, v33;
	[tilespmem:v16+s22+$0x0] =	vst.idx.add.f32.msk $0xffff, v3  }
0x2bf: {  	v14 =	vsub.f32 v14, v32;
	v16 =	vshll.u32 v35, $0x4;
	[tilespmem:v30+s21+$0x0] =	vst.idx.add.f32.msk $0xffff, v15  }
0x2c0: {  	v15 =	vand.u32 $0x7FFFFFFF, v19;
	v19 =	vand.u32 $0x7FFFFFFF, v25;
	v25 =	vcvt.s32.f32 v35;
	[tilespmem:v30+s22+$0x0] =	vst.idx.add.f32.msk $0xffff, v3  }
0x2c1: {  	v22 =	vsub.f32 v22, v24;
	v16 =	vor.u32 v0, v16;
	[tilespmem:v20+s13+$0x0] =	vst.idx.add.f32.msk $0xffff, v19  }
0x2c2: {  	v14 =	vand.u32 $0x7FFFFFFF, v14;
	[tilespmem:v27+s13+$0x0] =	vst.idx.add.f32.msk $0xffff, v15;
	v15 =	vsub.f32 v26, v25  }
0x2c3: {  	v19 =	vand.u32 $0x7FFFFFFF, v22;
	[tilespmem:v18+s13+$0x0] =	vst.idx.add.f32.msk $0xffff, v14  }
0x2c4: {  	[tilespmem:v17+s13+$0x0] =	vst.idx.add.f32.msk $0xffff, v19  }
0x2c5: {  	v14 =	vand.u32 $0x7FFFFFFF, v15;
	[tilespmem:v20+s14+$0x0] =	vst.idx.add.f32.msk $0xffff, v3  }
0x2c6: {  	[tilespmem:v16+s21+$0x0] =	vst.idx.add.f32.msk $0xffff, v14  }
0x2c7: {  	[tilespmem:v17+s14+$0x0] =	vst.idx.add.f32.msk $0xffff, v3  }
0x2c8: {  	s11 =	sand.u32 $0x3FF0, s0;
	[tilespmem:v16+s22+$0x0] =	vst.idx.add.f32.msk $0xffff, v3  }
0x2c9: {  	v14 =	vld [tilespmem:s11+$0x2880]  }
0x2ca: {  	v15 =	vld [tilespmem:s11+$0x7780]  }
0x2cb: {  	[tilespmem:v23+s13+$0x0] =	vst.idx.add.f32.msk $0xffff, v21  }
0x2cc: {  	[tilespmem:v23+s14+$0x0] =	vst.idx.add.f32.msk $0xffff, v3  }
0x2cd: {  	v16 =	vld [tilespmem:s5+$0x90]  }
0x2ce: {  	v17 =	vld [tilespmem:s2+$0x90]  }
0x2cf: {  	v19 =	vld [tilespmem:s2+$0xFFFFFF50];
	v20 =	vcvt.s32.f32 v15;
	v15 =	vshll.u32 v15, $0x4  }
0x2d0: {  	[tilespmem:v18+s14+$0x0] =	vst.idx.add.f32.msk $0xffff, v3;
	v15 =	vor.u32 v0, v15  }
0x2d1: {  	v18 =	vld [tilespmem:s2+$0xFFFFFFF0];
	v14 =	vsub.f32 v14, v20  }
0x2d2: {  	[tilespmem:v27+s14+$0x0] =	vst.idx.add.f32.msk $0xffff, v3  }
0x2d3: {  	v20 =	vld [tilespmem:s2+$0xFFFFFFA0];
	v21 =	vcvt.s32.f32 v17;
	v17 =	vshll.u32 v17, $0x4  }
0x2d4: {  	v14 =	vand.u32 $0x7FFFFFFF, v14;
	v22 =	vshll.u32 v19, $0x4;
	v23 =	vld [tilespmem:s5+$0xFFFFFFF0]  }
0x2d5: {  	[tilespmem:v15+s15+$0x0] =	vst.idx.add.f32.msk $0xffff, v14;
	v14 =	vsub.f32 v16, v21  }
0x2d6: {  	v17 =	vor.u32 v0, v17;
	v16 =	vld [tilespmem:s5+$0xFFFFFFA0]  }
0x2d7: {  	v21 =	vcvt.s32.f32 v18;
	v18 =	vshll.u32 v18, $0x4;
	[tilespmem:v15+s16+$0x0] =	vst.idx.add.f32.msk $0xffff, v3  }
0x2d8: {  	v18 =	vor.u32 v0, v18;
	v15 =	vshll.u32 v20, $0x4;
	v24 =	vld [tilespmem:s2+$0x50]  }
0x2d9: {  	v20 =	vcvt.s32.f32 v20;
	v25 =	vld [tilespmem:s5+$0xFFFFFF50];
	v21 =	vsub.f32 v23, v21  }
0x2da: {  	v14 =	vand.u32 $0x7FFFFFFF, v14;
	v23 =	vld [tilespmem:s5+$0x50]  }
0x2db: {  	v16 =	vsub.f32 v16, v20;
	[tilespmem:v17+s15+$0x0] =	vst.idx.add.f32.msk $0xffff, v14  }
0x2dc: {  	v14 =	vcvt.s32.f32 v19;
	v19 =	vor.u32 v0, v22;
	v20 =	vand.u32 $0x7FFFFFFF, v21;
	[tilespmem:v17+s16+$0x0] =	vst.idx.add.f32.msk $0xffff, v3  }
0x2dd: {  	v17 =	vcvt.s32.f32 v24;
	v21 =	vshll.u32 v24, $0x4;
	v22 =	vld [tilespmem:s2+$0xA0]  }
0x2de: {  	v14 =	vsub.f32 v25, v14;
	[tilespmem:v18+s15+$0x0] =	vst.idx.add.f32.msk $0xffff, v20  }
0x2df: {  	v17 =	vsub.f32 v23, v17;
	v20 =	vld [tilespmem:s5+$0xA0]  }
0x2e0: {  	v14 =	vand.u32 $0x7FFFFFFF, v14;
	[tilespmem:v18+s16+$0x0] =	vst.idx.add.f32.msk $0xffff, v3;
	v18 =	vor.u32 v0, v21  }
0x2e1: {  	[tilespmem:v19+s15+$0x0] =	vst.idx.add.f32.msk $0xffff, v14  }
0x2e2: {  	v15 =	vor.u32 v0, v15;
	[tilespmem:v19+s16+$0x0] =	vst.idx.add.f32.msk $0xffff, v3  }
0x2e3: {  	v19 =	vld [tilespmem:s2+$0xFFFFFF60]  }
0x2e4: {  	v14 =	vand.u32 $0x7FFFFFFF, v17;
	v17 =	vcvt.s32.f32 v22;
	v22 =	vshll.u32 v22, $0x4;
	v21 =	vld [tilespmem:s2+$0x0]  }
0x2e5: {  	[tilespmem:v18+s17+$0x0] =	vst.idx.add.f32.msk $0xffff, v14;
	v14 =	vor.u32 v0, v22  }
0x2e6: {  	v16 =	vand.u32 $0x7FFFFFFF, v16;
	v17 =	vsub.f32 v20, v17;
	v22 =	vld [tilespmem:s5+$0x0]  }
0x2e7: {  	[tilespmem:v15+s15+$0x0] =	vst.idx.add.f32.msk $0xffff, v16  }
0x2e8: {  	v16 =	vshll.u32 v19, $0x4;
	[tilespmem:v15+s16+$0x0] =	vst.idx.add.f32.msk $0xffff, v3  }
0x2e9: {  	v17 =	vand.u32 $0x7FFFFFFF, v17;
	v15 =	vld [tilespmem:s2+$0xFFFFFFB0];
	v20 =	vshll.u32 v21, $0x4  }
0x2ea: {  	v21 =	vcvt.s32.f32 v21;
	v20 =	vor.u32 v0, v20;
	[tilespmem:v14+s17+$0x0] =	vst.idx.add.f32.msk $0xffff, v17  }
0x2eb: {  	v17 =	vld [tilespmem:s5+$0xFFFFFFB0]  }
0x2ec: {  	v21 =	vsub.f32 v22, v21;
	[tilespmem:v18+s18+$0x0] =	vst.idx.add.f32.msk $0xffff, v3  }
0x2ed: {  	v22 =	vld [tilespmem:s5+$0xFFFFFF60]  }
0x2ee: {  	v21 =	vand.u32 $0x7FFFFFFF, v21;
	v18 =	vshll.u32 v15, $0x4;
	v23 =	vld [tilespmem:s2+$0x60]  }
0x2ef: {  	v15 =	vcvt.s32.f32 v15;
	v18 =	vor.u32 v0, v18;
	[tilespmem:v20+s17+$0x0] =	vst.idx.add.f32.msk $0xffff, v21  }
0x2f0: {  	v19 =	vcvt.s32.f32 v19;
	v21 =	vor.u32 v0, v16;
	v24 =	vld [tilespmem:s5+$0x60]  }
0x2f1: {  	v15 =	vsub.f32 v17, v15;
	[tilespmem:v20+s18+$0x0] =	vst.idx.add.f32.msk $0xffff, v3  }
.Ltmp7:
0x2f2: {  	v17 =	vsub.f32 v22, v19;
	v16 =	vld [tilespmem:s2+$0x10];
	(pc) =	sbr.rel @p0 .LBB2_7-.Ltmp7, $4  }
0x2f3: {  	v20 =	vand.u32 $0x7FFFFFFF, v15;
	v15 =	vld [tilespmem:s5+$0x10];
	v22 =	vcvt.s32.f32 v23;
	v19 =	vshll.u32 v23, $0x4  }
0x2f4: {  	v17 =	vand.u32 $0x7FFFFFFF, v17;
	[tilespmem:v18+s17+$0x0] =	vst.idx.add.f32.msk $0xffff, v20  }
0x2f5: {  	[tilespmem:v21+s17+$0x0] =	vst.idx.add.f32.msk $0xffff, v17;
	v17 =	vsub.f32 v24, v22  }
0x2f6: {  	s5 =	sadd.s32 $0x190, s5;
	[tilespmem:v21+s18+$0x0] =	vst.idx.add.f32.msk $0xffff, v3  }
0x2f7: {  	_ =	sdelay $0x3  }
0x2f8: {  	[tilespmem:v18+s18+$0x0] =	vst.idx.add.f32.msk $0xffff, v3  }
0x2f9: {  	[tilespmem:v14+s18+$0x0] =	vst.idx.add.f32.msk $0xffff, v3  }
0x2fa: {  	v47 =	vld [tilespmem:s30+$0xFFFFFF70]  }
0x2fb: {  	v20 =	vshll.u32 v16, $0x4;
	v19 =	vor.u32 v0, v19;
	v23 =	vld [tilespmem:s23+$0xFFFFFF70]  }
0x2fc: {  	v14 =	vcvt.s32.f32 v16;
	v18 =	vld [tilespmem:s11+$0x7700];
	v44 =	vor.u32 v0, v20  }
0x2fd: {  	v45 =	vld [tilespmem:s11+$0x2800]  }
0x2fe: {  	v21 =	vld [tilespmem:s30+$0xB0];
	v14 =	vsub.f32 v15, v14  }
0x2ff: {  	v17 =	vand.u32 $0x7FFFFFFF, v17;
	v15 =	vld [tilespmem:s23+$0xB0]  }
0x300: {  	v14 =	vand.u32 $0x7FFFFFFF, v14;
	[tilespmem:v19+s19+$0x0] =	vst.idx.add.f32.msk $0xffff, v17  }
0x301: {  	v46 =	vshll.u32 v18, $0x4;
	[tilespmem:v44+s19+$0x0] =	vst.idx.add.f32.msk $0xffff, v14  }
0x302: {  	v14 =	vcvt.s32.f32 v18;
	[tilespmem:v19+s20+$0x0] =	vst.idx.add.f32.msk $0xffff, v3;
	v17 =	vor.u32 v0, v46  }
0x303: {  	[tilespmem:v44+s20+$0x0] =	vst.idx.add.f32.msk $0xffff, v3  }
0x304: {  	v48 =	vshll.u32 v15, $0x4;
	v54 =	vld [tilespmem:s23+$0x70];
	v14 =	vsub.f32 v45, v14  }
0x305: {  	v15 =	vcvt.s32.f32 v15;
	v24 =	vld [tilespmem:s30+$0x70];
	v20 =	vor.u32 v0, v48  }
0x306: {  	v16 =	vld [tilespmem:s23+$0x20];
	v14 =	vand.u32 $0x7FFFFFFF, v14  }
0x307: {  	[tilespmem:v17+s19+$0x0] =	vst.idx.add.f32.msk $0xffff, v14;
	v14 =	vsub.f32 v21, v15  }
0x308: {  	v22 =	vld [tilespmem:s30+$0x20]  }
0x309: {  	[tilespmem:v17+s20+$0x0] =	vst.idx.add.f32.msk $0xffff, v3;
	v14 =	vand.u32 $0x7FFFFFFF, v14  }
0x30a: {  	v49 =	vshll.u32 v23, $0x4;
	[tilespmem:v20+s19+$0x0] =	vst.idx.add.f32.msk $0xffff, v14  }
0x30b: {  	v50 =	vor.u32 v0, v49;
	v14 =	vcvt.s32.f32 v23;
	[tilespmem:v20+s20+$0x0] =	vst.idx.add.f32.msk $0xffff, v3  }
0x30c: {  	v51 =	vld [tilespmem:s11+$0x7800]  }
0x30d: {  	v15 =	vld [tilespmem:s23+$0xFFFFFFD0];
	v14 =	vsub.f32 v47, v14  }
0x30e: {  	v52 =	vshll.u32 v16, $0x4;
	v17 =	vld [tilespmem:s30+$0xFFFFFFD0]  }
0x30f: {  	v16 =	vcvt.s32.f32 v16;
	v18 =	vor.u32 v0, v52;
	v53 =	vld [tilespmem:s11+$0x2900];
	v14 =	vand.u32 $0x7FFFFFFF, v14  }
0x310: {  	v60 =	vshll.u32 v54, $0x4;
	[tilespmem:v50+s19+$0x0] =	vst.idx.add.f32.msk $0xffff, v14  }
0x311: {  	v61 =	vcvt.s32.f32 v54;
	v14 =	vsub.f32 v22, v16;
	[tilespmem:v50+s20+$0x0] =	vst.idx.add.f32.msk $0xffff, v3;
	v55 =	vshll.u32 v51, $0x4  }
0x312: {  	v20 =	vor.u32 v0, v60;
	v56 =	vcvt.s32.f32 v51;
	v57 =	vld [tilespmem:s23+$0xFFFFFF80];
	v16 =	vor.u32 v0, v55  }
0x313: {  	v58 =	vcvt.s32.f32 v15;
	v15 =	vshll.u32 v15, $0x4;
	v14 =	vand.u32 $0x7FFFFFFF, v14;
	v59 =	vld [tilespmem:s30+$0xFFFFFF80]  }
0x314: {  	[tilespmem:v18+s21+$0x0] =	vst.idx.add.f32.msk $0xffff, v14;
	v14 =	vor.u32 v0, v15;
	v15 =	vsub.f32 v53, v56  }
0x315: {  	[tilespmem:v18+s22+$0x0] =	vst.idx.add.f32.msk $0xffff, v3;
	v18 =	vsub.f32 v24, v61  }
0x316: {  	v17 =	vsub.f32 v17, v58;
	v15 =	vand.u32 $0x7FFFFFFF, v15  }
0x317: {  	v63 =	vand.u32 $0x7FFFFFFF, v18;
	[tilespmem:v16+s21+$0x0] =	vst.idx.add.f32.msk $0xffff, v15;
	v15 =	vshll.u32 v57, $0x4  }
0x318: {  	v17 =	vand.u32 $0x7FFFFFFF, v17;
	v62 =	vcvt.s32.f32 v57;
	[tilespmem:v20+s21+$0x0] =	vst.idx.add.f32.msk $0xffff, v63;
	v15 =	vor.u32 v0, v15  }
0x319: {  	[tilespmem:v14+s21+$0x0] =	vst.idx.add.f32.msk $0xffff, v17  }
.Ltmp8:
0x31a: {  	[tilespmem:v14+s22+$0x0] =	vst.idx.add.f32.msk $0xffff, v3;
	v14 =	vsub.f32 v59, v62;
	(pc) =	sbr.rel .LBB2_9-.Ltmp8, $4  }
0x31b: {  	[tilespmem:v20+s22+$0x0] =	vst.idx.add.f32.msk $0xffff, v3  }
0x31c: {  	[tilespmem:v16+s22+$0x0] =	vst.idx.add.f32.msk $0xffff, v3;
	v14 =	vand.u32 $0x7FFFFFFF, v14  }
0x31d: {  	[tilespmem:v15+s21+$0x0] =	vst.idx.add.f32.msk $0xffff, v14  }
0x31e: {  	[tilespmem:v15+s22+$0x0] =	vst.idx.add.f32.msk $0xffff, v3  }
.LBB2_11:
0x31f: {  	_ =	sfence.sel $0x180000  }
0x320: {  	[bflag:$0x0] =	sbarrier.arrive $0xFFFF  }
0x321: {  	_ =	strace $0x90000047  }
0x322: {  	s0 =	stileid.u32;
	[bflag:$0x2] =	sbarrier.arrive $0xFFFF  }
0x323: {  	p0 =	sne.s32 s0, $0x0;
	s0 =	rddreg [dreg:$0x3]  }
0x324: {  	s0 =	sadd.s32 @!p0 $0x100000, s0  }
0x325: {  	[sflag:s0] =	ssyncadd.tile.s32 @!p0 $0x1;
	_ =	shalt  }
.Lfunc_end2:
_tile_overlayer_lowered:
.L_overlay_start_2:
0x326: {  	(tag) =	ssettag $0x2  }
0x327: {  	s0 =	rddreg [dreg:$0x0];
	s2 =	stileid.u32  }
0x328: {  	s1 =	rddreg [dreg:$0x1];
	p0 =	sne.s32 s2, $0x0  }
0x329: {  	s3 =	rddreg [dreg:$0x2];
	[bflag:$0x3] =	sbarrier.arrive $0xFFFF;
	s2 =	simm.s32 @!p0 $0x1C03  }
0x32a: {  	[timem:s3], [sflag:s2] =	dma.local @!p0 [hbm:s0], s1  }
0x32b: {  	s0 =	simm.s32 @!p0 $0x3  }
0x32c: {  	_ =	swait.ge @!p0 [sflag:s0], s1  }
0x32d: {  	s1 =	ssub.s32 @!p0 $0x0, s1;
	[sflag:s0] =	ssyncset.done @!p0 $0x0  }
0x32e: {  	[sflag:s0] =	ssyncadd.s32 @!p0 s1  }
0x32f: {  	[bflag:$0x3] =	sbarrier.arrive $0xFFFF  }
0x330: {  	_ =	shalt  }

</sc_bundles>
